<compile_context>
chip_gen: v7x
topology: tpu7x:2x2x1
jax: 0.10.2.dev20260603
libtpu: 0.0.44.dev20260713+nightly
codegen_flags: <defaults>
</compile_context>

<pallas_src>
import jax
import jax.numpy as jnp
from jax import lax
from jax.experimental import pallas as pl
from jax.experimental.pallas import tpu as pltpu
from jax.experimental.pallas import tpu_sc as plsc

N = 10000
E = 320000
F = 128
FH = F // 2

NC = 2
NS = 16
NW = NC * NS
CH = 128
NBUF = 3
CPT = 162
NCHUNK = NS * CPT
EP = NCHUNK * CH
DCPT = NCHUNK // NW
NP = 12800
NPA = 10112
RPT = NPA // NS

_mesh = plsc.VectorSubcoreMesh(core_axis_name="c", subcore_axis_name="s",
                               num_cores=NC, num_subcores=NS)


def _deg_body(dst_hbm, ones_hbm, zeros_hbm, deg_hbm,
              idx_v, ones_v, acc_sh):
    c = lax.axis_index("c")
    s = lax.axis_index("s")
    w = c * NS + s
    pltpu.sync_copy(zeros_hbm, acc_sh.at[pl.ds(s * RPT, RPT)])
    pltpu.sync_copy(ones_hbm, ones_v)
    pltpu.sync_copy(dst_hbm.at[pl.ds(w * DCPT, DCPT)], idx_v)
    plsc.subcore_barrier()

    def step(t, carry):
        pltpu.sync_copy(ones_v, acc_sh.at[idx_v.at[t]], add=True)
        return carry

    lax.fori_loop(0, DCPT, step, 0)
    plsc.subcore_barrier()
    pltpu.sync_copy(acc_sh.at[pl.ds(s * RPT, RPT)],
                    deg_hbm.at[pl.ds(c * NP + s * RPT, RPT)])


def _agg_body(src_hbm, dst_hbm, x_hbm, zeros_hbm, part_hbm,
              src_v, d0, d1, d2, r0, r1, r2, x_sh, acc_sh,
              gs0, gs1, gs2, ss0, ss1, ss2, ds0, ds1, ds2):
    c = lax.axis_index("c")
    s = lax.axis_index("s")
    rows = [r0, r1, r2]
    dsts = [d0, d1, d2]
    gsems = [gs0, gs1, gs2]
    ssems = [ss0, ss1, ss2]
    dsems = [ds0, ds1, ds2]
    pltpu.sync_copy(zeros_hbm, acc_sh.at[pl.ds(s * RPT, RPT)])
    pltpu.sync_copy(x_hbm.at[pl.ds(c * NPA + s * RPT, RPT)],
                    x_sh.at[pl.ds(s * RPT, RPT)])
    pltpu.sync_copy(src_hbm.at[pl.ds(s * CPT, CPT)], src_v)
    plsc.subcore_barrier()
    tbase = s * CPT

    def gather(t, b):
        return pltpu.make_async_copy(x_sh.at[src_v.at[t]], rows[b], gsems[b])

    def dload(t, b):
        return pltpu.make_async_copy(dst_hbm.at[tbase + t], dsts[b], dsems[b])

    def scat_start(t, b):
        pltpu.async_copy(rows[b], acc_sh.at[dsts[b]], ssems[b], add=True)

    def scat_wait(t, b):
        pltpu.make_async_copy(rows[b], acc_sh.at[dsts[b]], ssems[b]).wait()

    for t in range(2):
        dload(t, t).start()
        gather(t, t).start()
    for t in range(NBUF):
        gather(t, t).wait()
        dload(t, t).wait()
        scat_start(t, t)
        if t >= 1:
            scat_wait(t - 1, t - 1)
        dload(t + 2, (t + 2) % NBUF).start()
        gather(t + 2, (t + 2) % NBUF).start()

    def step(g, carry):
        for b in range(NBUF):
            t = g * NBUF + b
            gather(t, b).wait()
            dload(t, b).wait()
            scat_start(t, b)
            scat_wait(t - 1, (b - 1) % NBUF)
            dload(t + 2, (b + 2) % NBUF).start()
            gather(t + 2, (b + 2) % NBUF).start()
        return carry

    lax.fori_loop(1, CPT // NBUF - 1, step, 0)
    for b in range(NBUF):
        t = CPT - NBUF + b
        gather(t, b).wait()
        dload(t, b).wait()
        scat_start(t, b)
        scat_wait(t - 1, (b - 1) % NBUF)
        if t + 2 <= CPT - 1:
            dload(t + 2, (b + 2) % NBUF).start()
            gather(t + 2, (b + 2) % NBUF).start()
    scat_wait(CPT - 1, (CPT - 1) % NBUF)

    plsc.subcore_barrier()
    pltpu.sync_copy(acc_sh.at[pl.ds(s * RPT, RPT)],
                    part_hbm.at[pl.ds(c * NP + s * RPT, RPT)])


_sc_params = pltpu.CompilerParams(use_tc_tiling_on_sc=False)

_deg_call = pl.kernel(
    _deg_body,
    out_type=jax.ShapeDtypeStruct((2 * NP, 16), jnp.float32),
    mesh=_mesh,
    compiler_params=_sc_params,
    scratch_types=[
        pltpu.VMEM((DCPT, CH), jnp.int32),
        pltpu.VMEM((CH, 16), jnp.float32),
        pltpu.VMEM_SHARED((NPA, 16), jnp.float32),
    ],
)

_agg_call = pl.kernel(
    _agg_body,
    out_type=jax.ShapeDtypeStruct((2 * NP, FH), jnp.float32),
    mesh=_mesh,
    compiler_params=_sc_params,
    scratch_types=[
        pltpu.VMEM((CPT, CH), jnp.int32),
        pltpu.VMEM((CH,), jnp.int32),
        pltpu.VMEM((CH,), jnp.int32),
        pltpu.VMEM((CH,), jnp.int32),
        pltpu.VMEM((CH, FH), jnp.float32),
        pltpu.VMEM((CH, FH), jnp.float32),
        pltpu.VMEM((CH, FH), jnp.float32),
        pltpu.VMEM_SHARED((NPA, FH), jnp.float32),
        pltpu.VMEM_SHARED((NPA, FH), jnp.float32),
        pltpu.SemaphoreType.DMA,
        pltpu.SemaphoreType.DMA,
        pltpu.SemaphoreType.DMA,
        pltpu.SemaphoreType.DMA,
        pltpu.SemaphoreType.DMA,
        pltpu.SemaphoreType.DMA,
        pltpu.SemaphoreType.DMA,
        pltpu.SemaphoreType.DMA,
        pltpu.SemaphoreType.DMA,
    ],
)


_R = 400
_G = N // _R
_O = NP // _R


def _prep_body(d0_ref, d1_ref, x_ref, dis_ref, s2_ref):
    dsum = d0_ref[...] + d1_ref[...]
    deg = jnp.maximum(dsum[:, 0:1], 1.0)
    dis = lax.rsqrt(deg)
    dis_ref[...] = dis
    s0 = x_ref[...] * dis
    s2_ref[0] = s0[:, :FH]
    s2_ref[1] = s0[:, FH:]


_prep_call = pl.pallas_call(
    _prep_body,
    grid=(_G,),
    in_specs=[
        pl.BlockSpec((_R, 16), lambda i: (i, 0)),
        pl.BlockSpec((_R, 16), lambda i: (i + _O, 0)),
        pl.BlockSpec((_R, F), lambda i: (i, 0)),
    ],
    out_specs=[
        pl.BlockSpec((_R, 1), lambda i: (i, 0)),
        pl.BlockSpec((2, _R, FH), lambda i: (0, i, 0)),
    ],
    out_shape=[
        jax.ShapeDtypeStruct((N, 1), jnp.float32),
        jax.ShapeDtypeStruct((2, NPA, FH), jnp.float32),
    ],
)


def _layer_body(plo_ref, phi_ref, dis_ref, w_ref, y_ref, snext_ref):
    agg = jnp.concatenate([plo_ref[...], phi_ref[...]], axis=1)
    a = agg * dis_ref[...]
    y = jnp.dot(a, w_ref[...], preferred_element_type=jnp.float32)
    y_ref[...] = y
    s = jnp.maximum(y, 0.0) * dis_ref[...]
    snext_ref[0] = s[:, :FH]
    snext_ref[1] = s[:, FH:]


_layer_call = pl.pallas_call(
    _layer_body,
    grid=(_G,),
    in_specs=[
        pl.BlockSpec((_R, FH), lambda i: (i, 0)),
        pl.BlockSpec((_R, FH), lambda i: (i + _O, 0)),
        pl.BlockSpec((_R, 1), lambda i: (i, 0)),
        pl.BlockSpec((F, F), lambda i: (0, 0)),
    ],
    out_specs=[
        pl.BlockSpec((_R, F), lambda i: (i, 0)),
        pl.BlockSpec((2, _R, FH), lambda i: (0, i, 0)),
    ],
    out_shape=[
        jax.ShapeDtypeStruct((N, F), jnp.float32),
        jax.ShapeDtypeStruct((2, NPA, FH), jnp.float32),
    ],
)


def kernel(graph, features, W1, W2, W3):
    srcp = jnp.pad(graph[0], (0, EP - E))
    padv = N + jnp.arange(EP - E, dtype=jnp.int32) % (NPA - N)
    dstp = jnp.concatenate([graph[1], padv])
    src2 = srcp.reshape(NCHUNK, CH)
    dst2 = dstp.reshape(NCHUNK, CH)
    ones_d = jnp.ones((CH, 16), jnp.float32)
    zeros_d = jnp.zeros((RPT, 16), jnp.float32)
    zeros_f = jnp.zeros((RPT, FH), jnp.float32)
    deg = _deg_call(dst2, ones_d, zeros_d)
    dis, s2 = _prep_call(deg, deg, features)

    def step(carry, W):
        s2, _ = carry
        part = _agg_call(src2, dst2, s2.reshape(2 * NPA, FH), zeros_f)
        y, s2_next = _layer_call(part, part, dis, W)
        return (s2_next, y), None

    y0 = jnp.zeros((N, F), jnp.float32)
    (_, y), _ = lax.scan(step, (s2, y0), jnp.stack([W1, W2, W3]), unroll=3)
    return y

# --- scband reference (transcript-rebuilt; emitter-appended) ---
"""Pipeline reference for scband-gcnnet-89094801588988 (READ-ONLY COPY).

The authoritative reference and input builder live on the scoring server;
editing this copy changes nothing except your own understanding.
"""

import jax, jax.numpy as jnp
import numpy as np

N = 10000
E = 320000
D = 128
H = 128
C = 128

def setup_inputs(seed: int = 0) -> dict:
    key = jax.random.key(seed)
    k1, k2, k3, k4, k5 = jax.random.split(key, 5)
    features = jax.random.normal(k1, (N, D), dtype=jnp.float32)
    graph = jax.random.randint(k2, (2, E), 0, N, dtype=jnp.int32)
    W1 = jax.random.normal(k3, (D, H), dtype=jnp.float32) * 0.05
    W2 = jax.random.normal(k4, (H, H), dtype=jnp.float32) * 0.05
    W3 = jax.random.normal(k5, (H, C), dtype=jnp.float32) * 0.05
    return {"graph": graph, "features": features, "W1": W1, "W2": W2, "W3": W3}

def _gcn_layer(x, src, dst, deg_inv_sqrt, W, activate):
    # symmetric graph norm: D^{-1/2} A D^{-1/2} X W
    h = x * deg_inv_sqrt[:, None]
    msgs = jnp.take(h, src, axis=0)
    agg = jax.ops.segment_sum(msgs, dst, num_segments=N)
    agg = agg * deg_inv_sqrt[:, None]
    out = agg @ W
    if activate:
        out = jax.nn.relu(out)
    return out

def reference(graph, features, W1, W2, W3):
    src = graph[0]
    dst = graph[1]
    deg = jax.ops.segment_sum(jnp.ones((E,), dtype=jnp.float32), dst, num_segments=N)
    deg = jnp.clip(deg, 1.0, None)
    deg_inv_sqrt = jax.lax.rsqrt(deg)
    h = _gcn_layer(features, src, dst, deg_inv_sqrt, W1, True)
    h = _gcn_layer(h, src, dst, deg_inv_sqrt, W2, True)
    h = _gcn_layer(h, src, dst, deg_inv_sqrt, W3, False)
    return h

if __name__ == "__main__":
    import jax
    _d = setup_inputs()
    print(jax.jit(kernel)(*tuple(_d.values())))

</pallas_src>

<mosaic_0001>
#map = affine_map<(d0, d1) -> (0, 0)>
module attributes {stable_mosaic.version = 14 : i64} {
  func.func @_deg_body(%arg0: i32, %arg1: i32, %arg2: memref<2592x128xi32, #tpu.memory_space<hbm>>, %arg3: memref<128x16xf32, #tpu.memory_space<hbm>>, %arg4: memref<632x16xf32, #tpu.memory_space<hbm>>, %arg5: memref<25600x16xf32, #tpu.memory_space<hbm>>, %arg6: memref<81x128xi32, #tpu.memory_space<vmem>>, %arg7: memref<128x16xf32, #tpu.memory_space<vmem>>, %arg8: memref<10112x16xf32, #tpu.memory_space<vmem_shared>>) attributes {dimension_semantics = [#tpu.dimension_semantics<core_parallel>, #tpu.dimension_semantics<subcore_parallel>], iteration_bounds = array<i64: 2, 16>, scalar_prefetch = 0 : i64, scratch_operands = 3 : i64, tpu.core_type = #tpu.core_type<sc_vector_subcore>, window_params = [{transform_indices = #map}, {transform_indices = #map}, {transform_indices = #map}, {transform_indices = #map}]} {
    %mul3A = arith.constant 16 : i32
    %mul3A_0 = arith.muli %arg0, %mul3A : i32
    %add3A = arith.addi %mul3A_0, %arg1 : i32
    %mul3A_1 = arith.constant 632 : i32
    %mul3A_2 = arith.muli %arg1, %mul3A_1 : i32
    "tpu.region"() ({
      %run_scoped3A = tpu.sem_alloc : memref<!tpu.dma_semaphore, #tpu.memory_space<semaphore_mem>>
      %dma_start3A = arith.constant 0 : i32
      %dma_start3A_18 = tpu.memref_slice %arg8[%mul3A_2, %dma_start3A] : memref<10112x16xf32, #tpu.memory_space<vmem_shared>> -> memref<632x16xf32, #tpu.memory_space<vmem_shared>>
      tpu.enqueue_dma source(%arg4 : memref<632x16xf32, #tpu.memory_space<hbm>>) target(%dma_start3A_18 : memref<632x16xf32, #tpu.memory_space<vmem_shared>>) target_semaphore(%run_scoped3A : memref<!tpu.dma_semaphore, #tpu.memory_space<semaphore_mem>>)
      %dma_wait3A = arith.constant 0 : i32
      %dma_wait3A_19 = tpu.memref_slice %arg8[%mul3A_2, %dma_wait3A] : memref<10112x16xf32, #tpu.memory_space<vmem_shared>> -> memref<632x16xf32, #tpu.memory_space<vmem_shared>>
      tpu.wait_dma2 semaphore(%run_scoped3A : memref<!tpu.dma_semaphore, #tpu.memory_space<semaphore_mem>>) src(%arg4 : memref<632x16xf32, #tpu.memory_space<hbm>>) dst(%dma_wait3A_19 : memref<632x16xf32, #tpu.memory_space<vmem_shared>>)
      tpu.yield
    }) : () -> ()
    "tpu.region"() ({
      %run_scoped3A = tpu.sem_alloc : memref<!tpu.dma_semaphore, #tpu.memory_space<semaphore_mem>>
      tpu.enqueue_dma source(%arg3 : memref<128x16xf32, #tpu.memory_space<hbm>>) target(%arg7 : memref<128x16xf32, #tpu.memory_space<vmem>>) target_semaphore(%run_scoped3A : memref<!tpu.dma_semaphore, #tpu.memory_space<semaphore_mem>>)
      tpu.wait_dma2 semaphore(%run_scoped3A : memref<!tpu.dma_semaphore, #tpu.memory_space<semaphore_mem>>) src(%arg3 : memref<128x16xf32, #tpu.memory_space<hbm>>) dst(%arg7 : memref<128x16xf32, #tpu.memory_space<vmem>>)
      tpu.yield
    }) : () -> ()
    %mul3A_3 = arith.constant 81 : i32
    %mul3A_4 = arith.muli %add3A, %mul3A_3 : i32
    "tpu.region"() ({
      %run_scoped3A = tpu.sem_alloc : memref<!tpu.dma_semaphore, #tpu.memory_space<semaphore_mem>>
      %dma_start3A = arith.constant 0 : i32
      %dma_start3A_18 = tpu.memref_slice %arg2[%mul3A_4, %dma_start3A] : memref<2592x128xi32, #tpu.memory_space<hbm>> -> memref<81x128xi32, #tpu.memory_space<hbm>>
      %dma_start3A_19 = arith.constant 0 : i32
      %dma_start3A_20 = tpu.memref_slice %arg2[%mul3A_4, %dma_start3A_19] : memref<2592x128xi32, #tpu.memory_space<hbm>> -> memref<81x128xi32, #tpu.memory_space<hbm>>
      tpu.enqueue_dma source(%dma_start3A_20 : memref<81x128xi32, #tpu.memory_space<hbm>>) target(%arg6 : memref<81x128xi32, #tpu.memory_space<vmem>>) target_semaphore(%run_scoped3A : memref<!tpu.dma_semaphore, #tpu.memory_space<semaphore_mem>>)
      %dma_wait3A = arith.constant 0 : i32
      %dma_wait3A_21 = tpu.memref_slice %arg2[%mul3A_4, %dma_wait3A] : memref<2592x128xi32, #tpu.memory_space<hbm>> -> memref<81x128xi32, #tpu.memory_space<hbm>>
      %dma_wait3A_22 = arith.constant 0 : i32
      %dma_wait3A_23 = tpu.memref_slice %arg2[%mul3A_4, %dma_wait3A_22] : memref<2592x128xi32, #tpu.memory_space<hbm>> -> memref<81x128xi32, #tpu.memory_space<hbm>>
      tpu.wait_dma2 semaphore(%run_scoped3A : memref<!tpu.dma_semaphore, #tpu.memory_space<semaphore_mem>>) src(%dma_wait3A_23 : memref<81x128xi32, #tpu.memory_space<hbm>>) dst(%arg6 : memref<81x128xi32, #tpu.memory_space<vmem>>)
      tpu.yield
    }) : () -> ()
    %barrier3A = arith.constant 0 : index
    tpu.barrier barrier_id(%barrier3A)
    %scan3A = arith.constant 0 : i32
    %scan3A_5 = arith.constant 0 : i32
    %scan3A_6 = arith.constant 81 : i32
    %scan3A_7 = arith.addi %scan3A_5, %scan3A_6 : i32
    %scan3A_8 = arith.constant 1 : i32
    scf.for %scan3A_18 = %scan3A_5 to %scan3A_7 step %scan3A_8  : i32 {
      "tpu.region"() ({
        %run_scoped3A = tpu.sem_alloc : memref<!tpu.dma_semaphore, #tpu.memory_space<semaphore_mem>>
        %dma_start3A = arith.constant 0 : i32
        %dma_start3A_19 = tpu.memref_slice %arg6[%scan3A_18, %dma_start3A] : memref<81x128xi32, #tpu.memory_space<vmem>> -> memref<1x128xi32, #tpu.memory_space<vmem>>
        %dma_start3A_20 = tpu.memref_squeeze %dma_start3A_19 : memref<1x128xi32, #tpu.memory_space<vmem>> -> memref<128xi32, #tpu.memory_space<vmem>>
        %dma_start3A_21 = arith.constant 0 : i32
        %dma_start3A_22 = arith.constant 0 : i32
        %dma_start3A_23 = tpu.memref_slice %arg8[%dma_start3A_21, %dma_start3A_22] : memref<10112x16xf32, #tpu.memory_space<vmem_shared>> -> memref<10112x16xf32, #tpu.memory_space<vmem_shared>>
        tpu.enqueue_indirect_dma source(%arg7 : memref<128x16xf32, #tpu.memory_space<vmem>>) target(%dma_start3A_23 : memref<10112x16xf32, #tpu.memory_space<vmem_shared>>) offsets(%dma_start3A_20 : memref<128xi32, #tpu.memory_space<vmem>>) semaphore(%run_scoped3A : memref<!tpu.dma_semaphore, #tpu.memory_space<semaphore_mem>>) {add = true}
        %dma_wait3A = arith.constant 0 : i32
        %dma_wait3A_24 = tpu.memref_slice %arg6[%scan3A_18, %dma_wait3A] : memref<81x128xi32, #tpu.memory_space<vmem>> -> memref<1x128xi32, #tpu.memory_space<vmem>>
        %dma_wait3A_25 = tpu.memref_squeeze %dma_wait3A_24 : memref<1x128xi32, #tpu.memory_space<vmem>> -> memref<128xi32, #tpu.memory_space<vmem>>
        %dma_wait3A_26 = arith.constant 0 : i32
        %dma_wait3A_27 = arith.constant 0 : i32
        %dma_wait3A_28 = tpu.memref_slice %arg8[%dma_wait3A_26, %dma_wait3A_27] : memref<10112x16xf32, #tpu.memory_space<vmem_shared>> -> memref<10112x16xf32, #tpu.memory_space<vmem_shared>>
        tpu.wait_indirect_dma semaphore(%run_scoped3A : memref<!tpu.dma_semaphore, #tpu.memory_space<semaphore_mem>>) src(%arg7 : memref<128x16xf32, #tpu.memory_space<vmem>>) dst(%dma_wait3A_28 : memref<10112x16xf32, #tpu.memory_space<vmem_shared>>)
        tpu.yield
      }) : () -> ()
    }
    %scan3A_9 = arith.constant 81 : i32
    %barrier3A_10 = arith.constant 0 : index
    tpu.barrier barrier_id(%barrier3A_10)
    %mul3A_11 = arith.constant 632 : i32
    %mul3A_12 = arith.muli %arg1, %mul3A_11 : i32
    %mul3A_13 = arith.constant 12800 : i32
    %mul3A_14 = arith.muli %arg0, %mul3A_13 : i32
    %mul3A_15 = arith.constant 632 : i32
    %mul3A_16 = arith.muli %arg1, %mul3A_15 : i32
    %add3A_17 = arith.addi %mul3A_14, %mul3A_16 : i32
    "tpu.region"() ({
      %run_scoped3A = tpu.sem_alloc : memref<!tpu.dma_semaphore, #tpu.memory_space<semaphore_mem>>
      %dma_start3A = arith.constant 0 : i32
      %dma_start3A_18 = tpu.memref_slice %arg5[%add3A_17, %dma_start3A] : memref<25600x16xf32, #tpu.memory_space<hbm>> -> memref<632x16xf32, #tpu.memory_space<hbm>>
      %dma_start3A_19 = arith.constant 0 : i32
      %dma_start3A_20 = tpu.memref_slice %arg8[%mul3A_12, %dma_start3A_19] : memref<10112x16xf32, #tpu.memory_space<vmem_shared>> -> memref<632x16xf32, #tpu.memory_space<vmem_shared>>
      tpu.enqueue_dma source(%dma_start3A_20 : memref<632x16xf32, #tpu.memory_space<vmem_shared>>) target(%dma_start3A_18 : memref<632x16xf32, #tpu.memory_space<hbm>>) target_semaphore(%run_scoped3A : memref<!tpu.dma_semaphore, #tpu.memory_space<semaphore_mem>>)
      %dma_wait3A = arith.constant 0 : i32
      %dma_wait3A_21 = tpu.memref_slice %arg5[%add3A_17, %dma_wait3A] : memref<25600x16xf32, #tpu.memory_space<hbm>> -> memref<632x16xf32, #tpu.memory_space<hbm>>
      %dma_wait3A_22 = arith.constant 0 : i32
      %dma_wait3A_23 = tpu.memref_slice %arg8[%mul3A_12, %dma_wait3A_22] : memref<10112x16xf32, #tpu.memory_space<vmem_shared>> -> memref<632x16xf32, #tpu.memory_space<vmem_shared>>
      tpu.wait_dma2 semaphore(%run_scoped3A : memref<!tpu.dma_semaphore, #tpu.memory_space<semaphore_mem>>) src(%dma_wait3A_23 : memref<632x16xf32, #tpu.memory_space<vmem_shared>>) dst(%dma_wait3A_21 : memref<632x16xf32, #tpu.memory_space<hbm>>)
      tpu.yield
    }) : () -> ()
    return
  }
}

#map = affine_map<(d0, d1) -> (0, 0)>
module attributes {stable_mosaic.version = 14 : i64} {
  func.func @_agg_body(%arg0: i32, %arg1: i32, %arg2: memref<2592x128xi32, #tpu.memory_space<hbm>>, %arg3: memref<2592x128xi32, #tpu.memory_space<hbm>>, %arg4: memref<20224x64xf32, #tpu.memory_space<hbm>>, %arg5: memref<632x64xf32, #tpu.memory_space<hbm>>, %arg6: memref<25600x64xf32, #tpu.memory_space<hbm>>, %arg7: memref<162x128xi32, #tpu.memory_space<vmem>>, %arg8: memref<128xi32, #tpu.memory_space<vmem>>, %arg9: memref<128xi32, #tpu.memory_space<vmem>>, %arg10: memref<128xi32, #tpu.memory_space<vmem>>, %arg11: memref<128x64xf32, #tpu.memory_space<vmem>>, %arg12: memref<128x64xf32, #tpu.memory_space<vmem>>, %arg13: memref<128x64xf32, #tpu.memory_space<vmem>>, %arg14: memref<10112x64xf32, #tpu.memory_space<vmem_shared>>, %arg15: memref<10112x64xf32, #tpu.memory_space<vmem_shared>>, %arg16: memref<!tpu.dma_semaphore, #tpu.memory_space<semaphore_mem>>, %arg17: memref<!tpu.dma_semaphore, #tpu.memory_space<semaphore_mem>>, %arg18: memref<!tpu.dma_semaphore, #tpu.memory_space<semaphore_mem>>, %arg19: memref<!tpu.dma_semaphore, #tpu.memory_space<semaphore_mem>>, %arg20: memref<!tpu.dma_semaphore, #tpu.memory_space<semaphore_mem>>, %arg21: memref<!tpu.dma_semaphore, #tpu.memory_space<semaphore_mem>>, %arg22: memref<!tpu.dma_semaphore, #tpu.memory_space<semaphore_mem>>, %arg23: memref<!tpu.dma_semaphore, #tpu.memory_space<semaphore_mem>>, %arg24: memref<!tpu.dma_semaphore, #tpu.memory_space<semaphore_mem>>) attributes {dimension_semantics = [#tpu.dimension_semantics<core_parallel>, #tpu.dimension_semantics<subcore_parallel>], iteration_bounds = array<i64: 2, 16>, scalar_prefetch = 0 : i64, scratch_operands = 18 : i64, tpu.core_type = #tpu.core_type<sc_vector_subcore>, window_params = [{transform_indices = #map}, {transform_indices = #map}, {transform_indices = #map}, {transform_indices = #map}, {transform_indices = #map}]} {
    %mul3A = arith.constant 632 : i32
    %mul3A_0 = arith.muli %arg1, %mul3A : i32
    "tpu.region"() ({
      %run_scoped3A = tpu.sem_alloc : memref<!tpu.dma_semaphore, #tpu.memory_space<semaphore_mem>>
      %dma_start3A_238 = arith.constant 0 : i32
      %dma_start3A_239 = tpu.memref_slice %arg15[%mul3A_0, %dma_start3A_238] : memref<10112x64xf32, #tpu.memory_space<vmem_shared>> -> memref<632x64xf32, #tpu.memory_space<vmem_shared>>
      tpu.enqueue_dma source(%arg5 : memref<632x64xf32, #tpu.memory_space<hbm>>) target(%dma_start3A_239 : memref<632x64xf32, #tpu.memory_space<vmem_shared>>) target_semaphore(%run_scoped3A : memref<!tpu.dma_semaphore, #tpu.memory_space<semaphore_mem>>)
      %dma_wait3A_240 = arith.constant 0 : i32
      %dma_wait3A_241 = tpu.memref_slice %arg15[%mul3A_0, %dma_wait3A_240] : memref<10112x64xf32, #tpu.memory_space<vmem_shared>> -> memref<632x64xf32, #tpu.memory_space<vmem_shared>>
      tpu.wait_dma2 semaphore(%run_scoped3A : memref<!tpu.dma_semaphore, #tpu.memory_space<semaphore_mem>>) src(%arg5 : memref<632x64xf32, #tpu.memory_space<hbm>>) dst(%dma_wait3A_241 : memref<632x64xf32, #tpu.memory_space<vmem_shared>>)
      tpu.yield
    }) : () -> ()
    %mul3A_1 = arith.constant 10112 : i32
    %mul3A_2 = arith.muli %arg0, %mul3A_1 : i32
    %mul3A_3 = arith.constant 632 : i32
    %mul3A_4 = arith.muli %arg1, %mul3A_3 : i32
    %add3A = arith.addi %mul3A_2, %mul3A_4 : i32
    %mul3A_5 = arith.constant 632 : i32
    %mul3A_6 = arith.muli %arg1, %mul3A_5 : i32
    "tpu.region"() ({
      %run_scoped3A = tpu.sem_alloc : memref<!tpu.dma_semaphore, #tpu.memory_space<semaphore_mem>>
      %dma_start3A_238 = arith.constant 0 : i32
      %dma_start3A_239 = tpu.memref_slice %arg14[%mul3A_6, %dma_start3A_238] : memref<10112x64xf32, #tpu.memory_space<vmem_shared>> -> memref<632x64xf32, #tpu.memory_space<vmem_shared>>
      %dma_start3A_240 = arith.constant 0 : i32
      %dma_start3A_241 = tpu.memref_slice %arg4[%add3A, %dma_start3A_240] : memref<20224x64xf32, #tpu.memory_space<hbm>> -> memref<632x64xf32, #tpu.memory_space<hbm>>
      tpu.enqueue_dma source(%dma_start3A_241 : memref<632x64xf32, #tpu.memory_space<hbm>>) target(%dma_start3A_239 : memref<632x64xf32, #tpu.memory_space<vmem_shared>>) target_semaphore(%run_scoped3A : memref<!tpu.dma_semaphore, #tpu.memory_space<semaphore_mem>>)
      %dma_wait3A_242 = arith.constant 0 : i32
      %dma_wait3A_243 = tpu.memref_slice %arg14[%mul3A_6, %dma_wait3A_242] : memref<10112x64xf32, #tpu.memory_space<vmem_shared>> -> memref<632x64xf32, #tpu.memory_space<vmem_shared>>
      %dma_wait3A_244 = arith.constant 0 : i32
      %dma_wait3A_245 = tpu.memref_slice %arg4[%add3A, %dma_wait3A_244] : memref<20224x64xf32, #tpu.memory_space<hbm>> -> memref<632x64xf32, #tpu.memory_space<hbm>>
      tpu.wait_dma2 semaphore(%run_scoped3A : memref<!tpu.dma_semaphore, #tpu.memory_space<semaphore_mem>>) src(%dma_wait3A_245 : memref<632x64xf32, #tpu.memory_space<hbm>>) dst(%dma_wait3A_243 : memref<632x64xf32, #tpu.memory_space<vmem_shared>>)
      tpu.yield
    }) : () -> ()
    %mul3A_7 = arith.constant 162 : i32
    %mul3A_8 = arith.muli %arg1, %mul3A_7 : i32
    "tpu.region"() ({
      %run_scoped3A = tpu.sem_alloc : memref<!tpu.dma_semaphore, #tpu.memory_space<semaphore_mem>>
      %dma_start3A_238 = arith.constant 0 : i32
      %dma_start3A_239 = tpu.memref_slice %arg2[%mul3A_8, %dma_start3A_238] : memref<2592x128xi32, #tpu.memory_space<hbm>> -> memref<162x128xi32, #tpu.memory_space<hbm>>
      %dma_start3A_240 = arith.constant 0 : i32
      %dma_start3A_241 = tpu.memref_slice %arg2[%mul3A_8, %dma_start3A_240] : memref<2592x128xi32, #tpu.memory_space<hbm>> -> memref<162x128xi32, #tpu.memory_space<hbm>>
      tpu.enqueue_dma source(%dma_start3A_241 : memref<162x128xi32, #tpu.memory_space<hbm>>) target(%arg7 : memref<162x128xi32, #tpu.memory_space<vmem>>) target_semaphore(%run_scoped3A : memref<!tpu.dma_semaphore, #tpu.memory_space<semaphore_mem>>)
      %dma_wait3A_242 = arith.constant 0 : i32
      %dma_wait3A_243 = tpu.memref_slice %arg2[%mul3A_8, %dma_wait3A_242] : memref<2592x128xi32, #tpu.memory_space<hbm>> -> memref<162x128xi32, #tpu.memory_space<hbm>>
      %dma_wait3A_244 = arith.constant 0 : i32
      %dma_wait3A_245 = tpu.memref_slice %arg2[%mul3A_8, %dma_wait3A_244] : memref<2592x128xi32, #tpu.memory_space<hbm>> -> memref<162x128xi32, #tpu.memory_space<hbm>>
      tpu.wait_dma2 semaphore(%run_scoped3A : memref<!tpu.dma_semaphore, #tpu.memory_space<semaphore_mem>>) src(%dma_wait3A_245 : memref<162x128xi32, #tpu.memory_space<hbm>>) dst(%arg7 : memref<162x128xi32, #tpu.memory_space<vmem>>)
      tpu.yield
    }) : () -> ()
    %barrier3A = arith.constant 0 : index
    tpu.barrier barrier_id(%barrier3A)
    %mul3A_9 = arith.constant 162 : i32
    %mul3A_10 = arith.muli %arg1, %mul3A_9 : i32
    %add3A_11 = arith.constant 0 : i32
    %add3A_12 = arith.addi %mul3A_10, %add3A_11 : i32
    %dma_start3A = arith.constant 0 : i32
    %dma_start3A_13 = tpu.memref_slice %arg3[%add3A_12, %dma_start3A] : memref<2592x128xi32, #tpu.memory_space<hbm>> -> memref<1x128xi32, #tpu.memory_space<hbm>>
    %dma_start3A_14 = tpu.memref_squeeze %dma_start3A_13 : memref<1x128xi32, #tpu.memory_space<hbm>> -> memref<128xi32, #tpu.memory_space<hbm>>
    %dma_start3A_15 = arith.constant 0 : i32
    %dma_start3A_16 = tpu.memref_slice %arg3[%add3A_12, %dma_start3A_15] : memref<2592x128xi32, #tpu.memory_space<hbm>> -> memref<1x128xi32, #tpu.memory_space<hbm>>
    %dma_start3A_17 = tpu.memref_squeeze %dma_start3A_16 : memref<1x128xi32, #tpu.memory_space<hbm>> -> memref<128xi32, #tpu.memory_space<hbm>>
    tpu.enqueue_dma source(%dma_start3A_17 : memref<128xi32, #tpu.memory_space<hbm>>) target(%arg8 : memref<128xi32, #tpu.memory_space<vmem>>) target_semaphore(%arg22 : memref<!tpu.dma_semaphore, #tpu.memory_space<semaphore_mem>>)
    %dma_start3A_18 = arith.constant 0 : i32
    %dma_start3A_19 = arith.constant 0 : i32
    %dma_start3A_20 = tpu.memref_slice %arg7[%dma_start3A_18, %dma_start3A_19] : memref<162x128xi32, #tpu.memory_space<vmem>> -> memref<1x128xi32, #tpu.memory_space<vmem>>
    %dma_start3A_21 = tpu.memref_squeeze %dma_start3A_20 : memref<1x128xi32, #tpu.memory_space<vmem>> -> memref<128xi32, #tpu.memory_space<vmem>>
    %dma_start3A_22 = arith.constant 0 : i32
    %dma_start3A_23 = arith.constant 0 : i32
    %dma_start3A_24 = tpu.memref_slice %arg14[%dma_start3A_22, %dma_start3A_23] : memref<10112x64xf32, #tpu.memory_space<vmem_shared>> -> memref<10112x64xf32, #tpu.memory_space<vmem_shared>>
    tpu.enqueue_indirect_dma source(%dma_start3A_24 : memref<10112x64xf32, #tpu.memory_space<vmem_shared>>) target(%arg11 : memref<128x64xf32, #tpu.memory_space<vmem>>) offsets(%dma_start3A_21 : memref<128xi32, #tpu.memory_space<vmem>>) semaphore(%arg16 : memref<!tpu.dma_semaphore, #tpu.memory_space<semaphore_mem>>)
    %add3A_25 = arith.constant 1 : i32
    %add3A_26 = arith.addi %mul3A_10, %add3A_25 : i32
    %dma_start3A_27 = arith.constant 0 : i32
    %dma_start3A_28 = tpu.memref_slice %arg3[%add3A_26, %dma_start3A_27] : memref<2592x128xi32, #tpu.memory_space<hbm>> -> memref<1x128xi32, #tpu.memory_space<hbm>>
    %dma_start3A_29 = tpu.memref_squeeze %dma_start3A_28 : memref<1x128xi32, #tpu.memory_space<hbm>> -> memref<128xi32, #tpu.memory_space<hbm>>
    %dma_start3A_30 = arith.constant 0 : i32
    %dma_start3A_31 = tpu.memref_slice %arg3[%add3A_26, %dma_start3A_30] : memref<2592x128xi32, #tpu.memory_space<hbm>> -> memref<1x128xi32, #tpu.memory_space<hbm>>
    %dma_start3A_32 = tpu.memref_squeeze %dma_start3A_31 : memref<1x128xi32, #tpu.memory_space<hbm>> -> memref<128xi32, #tpu.memory_space<hbm>>
    tpu.enqueue_dma source(%dma_start3A_32 : memref<128xi32, #tpu.memory_space<hbm>>) target(%arg9 : memref<128xi32, #tpu.memory_space<vmem>>) target_semaphore(%arg23 : memref<!tpu.dma_semaphore, #tpu.memory_space<semaphore_mem>>)
    %dma_start3A_33 = arith.constant 1 : i32
    %dma_start3A_34 = arith.constant 0 : i32
    %dma_start3A_35 = tpu.memref_slice %arg7[%dma_start3A_33, %dma_start3A_34] : memref<162x128xi32, #tpu.memory_space<vmem>> -> memref<1x128xi32, #tpu.memory_space<vmem>>
    %dma_start3A_36 = tpu.memref_squeeze %dma_start3A_35 : memref<1x128xi32, #tpu.memory_space<vmem>> -> memref<128xi32, #tpu.memory_space<vmem>>
    %dma_start3A_37 = arith.constant 0 : i32
    %dma_start3A_38 = arith.constant 0 : i32
    %dma_start3A_39 = tpu.memref_slice %arg14[%dma_start3A_37, %dma_start3A_38] : memref<10112x64xf32, #tpu.memory_space<vmem_shared>> -> memref<10112x64xf32, #tpu.memory_space<vmem_shared>>
    tpu.enqueue_indirect_dma source(%dma_start3A_39 : memref<10112x64xf32, #tpu.memory_space<vmem_shared>>) target(%arg12 : memref<128x64xf32, #tpu.memory_space<vmem>>) offsets(%dma_start3A_36 : memref<128xi32, #tpu.memory_space<vmem>>) semaphore(%arg17 : memref<!tpu.dma_semaphore, #tpu.memory_space<semaphore_mem>>)
    %dma_wait3A = arith.constant 0 : i32
    %dma_wait3A_40 = arith.constant 0 : i32
    %dma_wait3A_41 = tpu.memref_slice %arg7[%dma_wait3A, %dma_wait3A_40] : memref<162x128xi32, #tpu.memory_space<vmem>> -> memref<1x128xi32, #tpu.memory_space<vmem>>
    %dma_wait3A_42 = tpu.memref_squeeze %dma_wait3A_41 : memref<1x128xi32, #tpu.memory_space<vmem>> -> memref<128xi32, #tpu.memory_space<vmem>>
    %dma_wait3A_43 = arith.constant 0 : i32
    %dma_wait3A_44 = arith.constant 0 : i32
    %dma_wait3A_45 = tpu.memref_slice %arg14[%dma_wait3A_43, %dma_wait3A_44] : memref<10112x64xf32, #tpu.memory_space<vmem_shared>> -> memref<10112x64xf32, #tpu.memory_space<vmem_shared>>
    tpu.wait_indirect_dma semaphore(%arg16 : memref<!tpu.dma_semaphore, #tpu.memory_space<semaphore_mem>>) src(%dma_wait3A_45 : memref<10112x64xf32, #tpu.memory_space<vmem_shared>>) dst(%arg11 : memref<128x64xf32, #tpu.memory_space<vmem>>)
    %add3A_46 = arith.constant 0 : i32
    %add3A_47 = arith.addi %mul3A_10, %add3A_46 : i32
    %dma_wait3A_48 = arith.constant 0 : i32
    %dma_wait3A_49 = tpu.memref_slice %arg3[%add3A_47, %dma_wait3A_48] : memref<2592x128xi32, #tpu.memory_space<hbm>> -> memref<1x128xi32, #tpu.memory_space<hbm>>
    %dma_wait3A_50 = tpu.memref_squeeze %dma_wait3A_49 : memref<1x128xi32, #tpu.memory_space<hbm>> -> memref<128xi32, #tpu.memory_space<hbm>>
    %dma_wait3A_51 = arith.constant 0 : i32
    %dma_wait3A_52 = tpu.memref_slice %arg3[%add3A_47, %dma_wait3A_51] : memref<2592x128xi32, #tpu.memory_space<hbm>> -> memref<1x128xi32, #tpu.memory_space<hbm>>
    %dma_wait3A_53 = tpu.memref_squeeze %dma_wait3A_52 : memref<1x128xi32, #tpu.memory_space<hbm>> -> memref<128xi32, #tpu.memory_space<hbm>>
    tpu.wait_dma2 semaphore(%arg22 : memref<!tpu.dma_semaphore, #tpu.memory_space<semaphore_mem>>) src(%dma_wait3A_53 : memref<128xi32, #tpu.memory_space<hbm>>) dst(%arg8 : memref<128xi32, #tpu.memory_space<vmem>>)
    %dma_start3A_54 = arith.constant 0 : i32
    %dma_start3A_55 = arith.constant 0 : i32
    %dma_start3A_56 = tpu.memref_slice %arg15[%dma_start3A_54, %dma_start3A_55] : memref<10112x64xf32, #tpu.memory_space<vmem_shared>> -> memref<10112x64xf32, #tpu.memory_space<vmem_shared>>
    tpu.enqueue_indirect_dma source(%arg11 : memref<128x64xf32, #tpu.memory_space<vmem>>) target(%dma_start3A_56 : memref<10112x64xf32, #tpu.memory_space<vmem_shared>>) offsets(%arg8 : memref<128xi32, #tpu.memory_space<vmem>>) semaphore(%arg19 : memref<!tpu.dma_semaphore, #tpu.memory_space<semaphore_mem>>) {add = true}
    %add3A_57 = arith.constant 2 : i32
    %add3A_58 = arith.addi %mul3A_10, %add3A_57 : i32
    %dma_start3A_59 = arith.constant 0 : i32
    %dma_start3A_60 = tpu.memref_slice %arg3[%add3A_58, %dma_start3A_59] : memref<2592x128xi32, #tpu.memory_space<hbm>> -> memref<1x128xi32, #tpu.memory_space<hbm>>
    %dma_start3A_61 = tpu.memref_squeeze %dma_start3A_60 : memref<1x128xi32, #tpu.memory_space<hbm>> -> memref<128xi32, #tpu.memory_space<hbm>>
    %dma_start3A_62 = arith.constant 0 : i32
    %dma_start3A_63 = tpu.memref_slice %arg3[%add3A_58, %dma_start3A_62] : memref<2592x128xi32, #tpu.memory_space<hbm>> -> memref<1x128xi32, #tpu.memory_space<hbm>>
    %dma_start3A_64 = tpu.memref_squeeze %dma_start3A_63 : memref<1x128xi32, #tpu.memory_space<hbm>> -> memref<128xi32, #tpu.memory_space<hbm>>
    tpu.enqueue_dma source(%dma_start3A_64 : memref<128xi32, #tpu.memory_space<hbm>>) target(%arg10 : memref<128xi32, #tpu.memory_space<vmem>>) target_semaphore(%arg24 : memref<!tpu.dma_semaphore, #tpu.memory_space<semaphore_mem>>)
    %dma_start3A_65 = arith.constant 2 : i32
    %dma_start3A_66 = arith.constant 0 : i32
    %dma_start3A_67 = tpu.memref_slice %arg7[%dma_start3A_65, %dma_start3A_66] : memref<162x128xi32, #tpu.memory_space<vmem>> -> memref<1x128xi32, #tpu.memory_space<vmem>>
    %dma_start3A_68 = tpu.memref_squeeze %dma_start3A_67 : memref<1x128xi32, #tpu.memory_space<vmem>> -> memref<128xi32, #tpu.memory_space<vmem>>
    %dma_start3A_69 = arith.constant 0 : i32
    %dma_start3A_70 = arith.constant 0 : i32
    %dma_start3A_71 = tpu.memref_slice %arg14[%dma_start3A_69, %dma_start3A_70] : memref<10112x64xf32, #tpu.memory_space<vmem_shared>> -> memref<10112x64xf32, #tpu.memory_space<vmem_shared>>
    tpu.enqueue_indirect_dma source(%dma_start3A_71 : memref<10112x64xf32, #tpu.memory_space<vmem_shared>>) target(%arg13 : memref<128x64xf32, #tpu.memory_space<vmem>>) offsets(%dma_start3A_68 : memref<128xi32, #tpu.memory_space<vmem>>) semaphore(%arg18 : memref<!tpu.dma_semaphore, #tpu.memory_space<semaphore_mem>>)
    %dma_wait3A_72 = arith.constant 1 : i32
    %dma_wait3A_73 = arith.constant 0 : i32
    %dma_wait3A_74 = tpu.memref_slice %arg7[%dma_wait3A_72, %dma_wait3A_73] : memref<162x128xi32, #tpu.memory_space<vmem>> -> memref<1x128xi32, #tpu.memory_space<vmem>>
    %dma_wait3A_75 = tpu.memref_squeeze %dma_wait3A_74 : memref<1x128xi32, #tpu.memory_space<vmem>> -> memref<128xi32, #tpu.memory_space<vmem>>
    %dma_wait3A_76 = arith.constant 0 : i32
    %dma_wait3A_77 = arith.constant 0 : i32
    %dma_wait3A_78 = tpu.memref_slice %arg14[%dma_wait3A_76, %dma_wait3A_77] : memref<10112x64xf32, #tpu.memory_space<vmem_shared>> -> memref<10112x64xf32, #tpu.memory_space<vmem_shared>>
    tpu.wait_indirect_dma semaphore(%arg17 : memref<!tpu.dma_semaphore, #tpu.memory_space<semaphore_mem>>) src(%dma_wait3A_78 : memref<10112x64xf32, #tpu.memory_space<vmem_shared>>) dst(%arg12 : memref<128x64xf32, #tpu.memory_space<vmem>>)
    %add3A_79 = arith.constant 1 : i32
    %add3A_80 = arith.addi %mul3A_10, %add3A_79 : i32
    %dma_wait3A_81 = arith.constant 0 : i32
    %dma_wait3A_82 = tpu.memref_slice %arg3[%add3A_80, %dma_wait3A_81] : memref<2592x128xi32, #tpu.memory_space<hbm>> -> memref<1x128xi32, #tpu.memory_space<hbm>>
    %dma_wait3A_83 = tpu.memref_squeeze %dma_wait3A_82 : memref<1x128xi32, #tpu.memory_space<hbm>> -> memref<128xi32, #tpu.memory_space<hbm>>
    %dma_wait3A_84 = arith.constant 0 : i32
    %dma_wait3A_85 = tpu.memref_slice %arg3[%add3A_80, %dma_wait3A_84] : memref<2592x128xi32, #tpu.memory_space<hbm>> -> memref<1x128xi32, #tpu.memory_space<hbm>>
    %dma_wait3A_86 = tpu.memref_squeeze %dma_wait3A_85 : memref<1x128xi32, #tpu.memory_space<hbm>> -> memref<128xi32, #tpu.memory_space<hbm>>
    tpu.wait_dma2 semaphore(%arg23 : memref<!tpu.dma_semaphore, #tpu.memory_space<semaphore_mem>>) src(%dma_wait3A_86 : memref<128xi32, #tpu.memory_space<hbm>>) dst(%arg9 : memref<128xi32, #tpu.memory_space<vmem>>)
    %dma_start3A_87 = arith.constant 0 : i32
    %dma_start3A_88 = arith.constant 0 : i32
    %dma_start3A_89 = tpu.memref_slice %arg15[%dma_start3A_87, %dma_start3A_88] : memref<10112x64xf32, #tpu.memory_space<vmem_shared>> -> memref<10112x64xf32, #tpu.memory_space<vmem_shared>>
    tpu.enqueue_indirect_dma source(%arg12 : memref<128x64xf32, #tpu.memory_space<vmem>>) target(%dma_start3A_89 : memref<10112x64xf32, #tpu.memory_space<vmem_shared>>) offsets(%arg9 : memref<128xi32, #tpu.memory_space<vmem>>) semaphore(%arg20 : memref<!tpu.dma_semaphore, #tpu.memory_space<semaphore_mem>>) {add = true}
    %dma_wait3A_90 = arith.constant 0 : i32
    %dma_wait3A_91 = arith.constant 0 : i32
    %dma_wait3A_92 = tpu.memref_slice %arg15[%dma_wait3A_90, %dma_wait3A_91] : memref<10112x64xf32, #tpu.memory_space<vmem_shared>> -> memref<10112x64xf32, #tpu.memory_space<vmem_shared>>
    tpu.wait_indirect_dma semaphore(%arg19 : memref<!tpu.dma_semaphore, #tpu.memory_space<semaphore_mem>>) src(%arg11 : memref<128x64xf32, #tpu.memory_space<vmem>>) dst(%dma_wait3A_92 : memref<10112x64xf32, #tpu.memory_space<vmem_shared>>)
    %add3A_93 = arith.constant 3 : i32
    %add3A_94 = arith.addi %mul3A_10, %add3A_93 : i32
    %dma_start3A_95 = arith.constant 0 : i32
    %dma_start3A_96 = tpu.memref_slice %arg3[%add3A_94, %dma_start3A_95] : memref<2592x128xi32, #tpu.memory_space<hbm>> -> memref<1x128xi32, #tpu.memory_space<hbm>>
    %dma_start3A_97 = tpu.memref_squeeze %dma_start3A_96 : memref<1x128xi32, #tpu.memory_space<hbm>> -> memref<128xi32, #tpu.memory_space<hbm>>
    %dma_start3A_98 = arith.constant 0 : i32
    %dma_start3A_99 = tpu.memref_slice %arg3[%add3A_94, %dma_start3A_98] : memref<2592x128xi32, #tpu.memory_space<hbm>> -> memref<1x128xi32, #tpu.memory_space<hbm>>
    %dma_start3A_100 = tpu.memref_squeeze %dma_start3A_99 : memref<1x128xi32, #tpu.memory_space<hbm>> -> memref<128xi32, #tpu.memory_space<hbm>>
    tpu.enqueue_dma source(%dma_start3A_100 : memref<128xi32, #tpu.memory_space<hbm>>) target(%arg8 : memref<128xi32, #tpu.memory_space<vmem>>) target_semaphore(%arg22 : memref<!tpu.dma_semaphore, #tpu.memory_space<semaphore_mem>>)
    %dma_start3A_101 = arith.constant 3 : i32
    %dma_start3A_102 = arith.constant 0 : i32
    %dma_start3A_103 = tpu.memref_slice %arg7[%dma_start3A_101, %dma_start3A_102] : memref<162x128xi32, #tpu.memory_space<vmem>> -> memref<1x128xi32, #tpu.memory_space<vmem>>
    %dma_start3A_104 = tpu.memref_squeeze %dma_start3A_103 : memref<1x128xi32, #tpu.memory_space<vmem>> -> memref<128xi32, #tpu.memory_space<vmem>>
    %dma_start3A_105 = arith.constant 0 : i32
    %dma_start3A_106 = arith.constant 0 : i32
    %dma_start3A_107 = tpu.memref_slice %arg14[%dma_start3A_105, %dma_start3A_106] : memref<10112x64xf32, #tpu.memory_space<vmem_shared>> -> memref<10112x64xf32, #tpu.memory_space<vmem_shared>>
    tpu.enqueue_indirect_dma source(%dma_start3A_107 : memref<10112x64xf32, #tpu.memory_space<vmem_shared>>) target(%arg11 : memref<128x64xf32, #tpu.memory_space<vmem>>) offsets(%dma_start3A_104 : memref<128xi32, #tpu.memory_space<vmem>>) semaphore(%arg16 : memref<!tpu.dma_semaphore, #tpu.memory_space<semaphore_mem>>)
    %dma_wait3A_108 = arith.constant 2 : i32
    %dma_wait3A_109 = arith.constant 0 : i32
    %dma_wait3A_110 = tpu.memref_slice %arg7[%dma_wait3A_108, %dma_wait3A_109] : memref<162x128xi32, #tpu.memory_space<vmem>> -> memref<1x128xi32, #tpu.memory_space<vmem>>
    %dma_wait3A_111 = tpu.memref_squeeze %dma_wait3A_110 : memref<1x128xi32, #tpu.memory_space<vmem>> -> memref<128xi32, #tpu.memory_space<vmem>>
    %dma_wait3A_112 = arith.constant 0 : i32
    %dma_wait3A_113 = arith.constant 0 : i32
    %dma_wait3A_114 = tpu.memref_slice %arg14[%dma_wait3A_112, %dma_wait3A_113] : memref<10112x64xf32, #tpu.memory_space<vmem_shared>> -> memref<10112x64xf32, #tpu.memory_space<vmem_shared>>
    tpu.wait_indirect_dma semaphore(%arg18 : memref<!tpu.dma_semaphore, #tpu.memory_space<semaphore_mem>>) src(%dma_wait3A_114 : memref<10112x64xf32, #tpu.memory_space<vmem_shared>>) dst(%arg13 : memref<128x64xf32, #tpu.memory_space<vmem>>)
    %add3A_115 = arith.constant 2 : i32
    %add3A_116 = arith.addi %mul3A_10, %add3A_115 : i32
    %dma_wait3A_117 = arith.constant 0 : i32
    %dma_wait3A_118 = tpu.memref_slice %arg3[%add3A_116, %dma_wait3A_117] : memref<2592x128xi32, #tpu.memory_space<hbm>> -> memref<1x128xi32, #tpu.memory_space<hbm>>
    %dma_wait3A_119 = tpu.memref_squeeze %dma_wait3A_118 : memref<1x128xi32, #tpu.memory_space<hbm>> -> memref<128xi32, #tpu.memory_space<hbm>>
    %dma_wait3A_120 = arith.constant 0 : i32
    %dma_wait3A_121 = tpu.memref_slice %arg3[%add3A_116, %dma_wait3A_120] : memref<2592x128xi32, #tpu.memory_space<hbm>> -> memref<1x128xi32, #tpu.memory_space<hbm>>
    %dma_wait3A_122 = tpu.memref_squeeze %dma_wait3A_121 : memref<1x128xi32, #tpu.memory_space<hbm>> -> memref<128xi32, #tpu.memory_space<hbm>>
    tpu.wait_dma2 semaphore(%arg24 : memref<!tpu.dma_semaphore, #tpu.memory_space<semaphore_mem>>) src(%dma_wait3A_122 : memref<128xi32, #tpu.memory_space<hbm>>) dst(%arg10 : memref<128xi32, #tpu.memory_space<vmem>>)
    %dma_start3A_123 = arith.constant 0 : i32
    %dma_start3A_124 = arith.constant 0 : i32
    %dma_start3A_125 = tpu.memref_slice %arg15[%dma_start3A_123, %dma_start3A_124] : memref<10112x64xf32, #tpu.memory_space<vmem_shared>> -> memref<10112x64xf32, #tpu.memory_space<vmem_shared>>
    tpu.enqueue_indirect_dma source(%arg13 : memref<128x64xf32, #tpu.memory_space<vmem>>) target(%dma_start3A_125 : memref<10112x64xf32, #tpu.memory_space<vmem_shared>>) offsets(%arg10 : memref<128xi32, #tpu.memory_space<vmem>>) semaphore(%arg21 : memref<!tpu.dma_semaphore, #tpu.memory_space<semaphore_mem>>) {add = true}
    %dma_wait3A_126 = arith.constant 0 : i32
    %dma_wait3A_127 = arith.constant 0 : i32
    %dma_wait3A_128 = tpu.memref_slice %arg15[%dma_wait3A_126, %dma_wait3A_127] : memref<10112x64xf32, #tpu.memory_space<vmem_shared>> -> memref<10112x64xf32, #tpu.memory_space<vmem_shared>>
    tpu.wait_indirect_dma semaphore(%arg20 : memref<!tpu.dma_semaphore, #tpu.memory_space<semaphore_mem>>) src(%arg12 : memref<128x64xf32, #tpu.memory_space<vmem>>) dst(%dma_wait3A_128 : memref<10112x64xf32, #tpu.memory_space<vmem_shared>>)
    %add3A_129 = arith.constant 4 : i32
    %add3A_130 = arith.addi %mul3A_10, %add3A_129 : i32
    %dma_start3A_131 = arith.constant 0 : i32
    %dma_start3A_132 = tpu.memref_slice %arg3[%add3A_130, %dma_start3A_131] : memref<2592x128xi32, #tpu.memory_space<hbm>> -> memref<1x128xi32, #tpu.memory_space<hbm>>
    %dma_start3A_133 = tpu.memref_squeeze %dma_start3A_132 : memref<1x128xi32, #tpu.memory_space<hbm>> -> memref<128xi32, #tpu.memory_space<hbm>>
    %dma_start3A_134 = arith.constant 0 : i32
    %dma_start3A_135 = tpu.memref_slice %arg3[%add3A_130, %dma_start3A_134] : memref<2592x128xi32, #tpu.memory_space<hbm>> -> memref<1x128xi32, #tpu.memory_space<hbm>>
    %dma_start3A_136 = tpu.memref_squeeze %dma_start3A_135 : memref<1x128xi32, #tpu.memory_space<hbm>> -> memref<128xi32, #tpu.memory_space<hbm>>
    tpu.enqueue_dma source(%dma_start3A_136 : memref<128xi32, #tpu.memory_space<hbm>>) target(%arg9 : memref<128xi32, #tpu.memory_space<vmem>>) target_semaphore(%arg23 : memref<!tpu.dma_semaphore, #tpu.memory_space<semaphore_mem>>)
    %dma_start3A_137 = arith.constant 4 : i32
    %dma_start3A_138 = arith.constant 0 : i32
    %dma_start3A_139 = tpu.memref_slice %arg7[%dma_start3A_137, %dma_start3A_138] : memref<162x128xi32, #tpu.memory_space<vmem>> -> memref<1x128xi32, #tpu.memory_space<vmem>>
    %dma_start3A_140 = tpu.memref_squeeze %dma_start3A_139 : memref<1x128xi32, #tpu.memory_space<vmem>> -> memref<128xi32, #tpu.memory_space<vmem>>
    %dma_start3A_141 = arith.constant 0 : i32
    %dma_start3A_142 = arith.constant 0 : i32
    %dma_start3A_143 = tpu.memref_slice %arg14[%dma_start3A_141, %dma_start3A_142] : memref<10112x64xf32, #tpu.memory_space<vmem_shared>> -> memref<10112x64xf32, #tpu.memory_space<vmem_shared>>
    tpu.enqueue_indirect_dma source(%dma_start3A_143 : memref<10112x64xf32, #tpu.memory_space<vmem_shared>>) target(%arg12 : memref<128x64xf32, #tpu.memory_space<vmem>>) offsets(%dma_start3A_140 : memref<128xi32, #tpu.memory_space<vmem>>) semaphore(%arg17 : memref<!tpu.dma_semaphore, #tpu.memory_space<semaphore_mem>>)
    %scan3A = arith.constant 0 : i32
    %scan3A_144 = arith.constant 1 : i32
    %scan3A_145 = arith.constant 52 : i32
    %scan3A_146 = arith.addi %scan3A_144, %scan3A_145 : i32
    %scan3A_147 = arith.constant 1 : i32
    scf.for %scan3A_238 = %scan3A_144 to %scan3A_146 step %scan3A_147  : i32 {
      %mul3A_239 = arith.constant 3 : i32
      %mul3A_240 = arith.muli %scan3A_238, %mul3A_239 : i32
      %add3A_241 = arith.constant 0 : i32
      %add3A_242 = arith.addi %mul3A_240, %add3A_241 : i32
      %dma_wait3A_243 = arith.constant 0 : i32
      %dma_wait3A_244 = tpu.memref_slice %arg7[%add3A_242, %dma_wait3A_243] : memref<162x128xi32, #tpu.memory_space<vmem>> -> memref<1x128xi32, #tpu.memory_space<vmem>>
      %dma_wait3A_245 = tpu.memref_squeeze %dma_wait3A_244 : memref<1x128xi32, #tpu.memory_space<vmem>> -> memref<128xi32, #tpu.memory_space<vmem>>
      %dma_wait3A_246 = arith.constant 0 : i32
      %dma_wait3A_247 = arith.constant 0 : i32
      %dma_wait3A_248 = tpu.memref_slice %arg14[%dma_wait3A_246, %dma_wait3A_247] : memref<10112x64xf32, #tpu.memory_space<vmem_shared>> -> memref<10112x64xf32, #tpu.memory_space<vmem_shared>>
      tpu.wait_indirect_dma semaphore(%arg16 : memref<!tpu.dma_semaphore, #tpu.memory_space<semaphore_mem>>) src(%dma_wait3A_248 : memref<10112x64xf32, #tpu.memory_space<vmem_shared>>) dst(%arg11 : memref<128x64xf32, #tpu.memory_space<vmem>>)
      %add3A_249 = arith.addi %mul3A_10, %add3A_242 : i32
      %dma_wait3A_250 = arith.constant 0 : i32
      %dma_wait3A_251 = tpu.memref_slice %arg3[%add3A_249, %dma_wait3A_250] : memref<2592x128xi32, #tpu.memory_space<hbm>> -> memref<1x128xi32, #tpu.memory_space<hbm>>
      %dma_wait3A_252 = tpu.memref_squeeze %dma_wait3A_251 : memref<1x128xi32, #tpu.memory_space<hbm>> -> memref<128xi32, #tpu.memory_space<hbm>>
      %dma_wait3A_253 = arith.constant 0 : i32
      %dma_wait3A_254 = tpu.memref_slice %arg3[%add3A_249, %dma_wait3A_253] : memref<2592x128xi32, #tpu.memory_space<hbm>> -> memref<1x128xi32, #tpu.memory_space<hbm>>
      %dma_wait3A_255 = tpu.memref_squeeze %dma_wait3A_254 : memref<1x128xi32, #tpu.memory_space<hbm>> -> memref<128xi32, #tpu.memory_space<hbm>>
      tpu.wait_dma2 semaphore(%arg22 : memref<!tpu.dma_semaphore, #tpu.memory_space<semaphore_mem>>) src(%dma_wait3A_255 : memref<128xi32, #tpu.memory_space<hbm>>) dst(%arg8 : memref<128xi32, #tpu.memory_space<vmem>>)
      %dma_start3A_256 = arith.constant 0 : i32
      %dma_start3A_257 = arith.constant 0 : i32
      %dma_start3A_258 = tpu.memref_slice %arg15[%dma_start3A_256, %dma_start3A_257] : memref<10112x64xf32, #tpu.memory_space<vmem_shared>> -> memref<10112x64xf32, #tpu.memory_space<vmem_shared>>
      tpu.enqueue_indirect_dma source(%arg11 : memref<128x64xf32, #tpu.memory_space<vmem>>) target(%dma_start3A_258 : memref<10112x64xf32, #tpu.memory_space<vmem_shared>>) offsets(%arg8 : memref<128xi32, #tpu.memory_space<vmem>>) semaphore(%arg19 : memref<!tpu.dma_semaphore, #tpu.memory_space<semaphore_mem>>) {add = true}
      %sub3A = arith.constant 1 : i32
      %sub3A_259 = arith.subi %add3A_242, %sub3A : i32
      %dma_wait3A_260 = arith.constant 0 : i32
      %dma_wait3A_261 = arith.constant 0 : i32
      %dma_wait3A_262 = tpu.memref_slice %arg15[%dma_wait3A_260, %dma_wait3A_261] : memref<10112x64xf32, #tpu.memory_space<vmem_shared>> -> memref<10112x64xf32, #tpu.memory_space<vmem_shared>>
      tpu.wait_indirect_dma semaphore(%arg21 : memref<!tpu.dma_semaphore, #tpu.memory_space<semaphore_mem>>) src(%arg13 : memref<128x64xf32, #tpu.memory_space<vmem>>) dst(%dma_wait3A_262 : memref<10112x64xf32, #tpu.memory_space<vmem_shared>>)
      %add3A_263 = arith.constant 2 : i32
      %add3A_264 = arith.addi %add3A_242, %add3A_263 : i32
      %add3A_265 = arith.addi %mul3A_10, %add3A_264 : i32
      %dma_start3A_266 = arith.constant 0 : i32
      %dma_start3A_267 = tpu.memref_slice %arg3[%add3A_265, %dma_start3A_266] : memref<2592x128xi32, #tpu.memory_space<hbm>> -> memref<1x128xi32, #tpu.memory_space<hbm>>
      %dma_start3A_268 = tpu.memref_squeeze %dma_start3A_267 : memref<1x128xi32, #tpu.memory_space<hbm>> -> memref<128xi32, #tpu.memory_space<hbm>>
      %dma_start3A_269 = arith.constant 0 : i32
      %dma_start3A_270 = tpu.memref_slice %arg3[%add3A_265, %dma_start3A_269] : memref<2592x128xi32, #tpu.memory_space<hbm>> -> memref<1x128xi32, #tpu.memory_space<hbm>>
      %dma_start3A_271 = tpu.memref_squeeze %dma_start3A_270 : memref<1x128xi32, #tpu.memory_space<hbm>> -> memref<128xi32, #tpu.memory_space<hbm>>
      tpu.enqueue_dma source(%dma_start3A_271 : memref<128xi32, #tpu.memory_space<hbm>>) target(%arg10 : memref<128xi32, #tpu.memory_space<vmem>>) target_semaphore(%arg24 : memref<!tpu.dma_semaphore, #tpu.memory_space<semaphore_mem>>)
      %add3A_272 = arith.constant 2 : i32
      %add3A_273 = arith.addi %add3A_242, %add3A_272 : i32
      %dma_start3A_274 = arith.constant 0 : i32
      %dma_start3A_275 = tpu.memref_slice %arg7[%add3A_273, %dma_start3A_274] : memref<162x128xi32, #tpu.memory_space<vmem>> -> memref<1x128xi32, #tpu.memory_space<vmem>>
      %dma_start3A_276 = tpu.memref_squeeze %dma_start3A_275 : memref<1x128xi32, #tpu.memory_space<vmem>> -> memref<128xi32, #tpu.memory_space<vmem>>
      %dma_start3A_277 = arith.constant 0 : i32
      %dma_start3A_278 = arith.constant 0 : i32
      %dma_start3A_279 = tpu.memref_slice %arg14[%dma_start3A_277, %dma_start3A_278] : memref<10112x64xf32, #tpu.memory_space<vmem_shared>> -> memref<10112x64xf32, #tpu.memory_space<vmem_shared>>
      tpu.enqueue_indirect_dma source(%dma_start3A_279 : memref<10112x64xf32, #tpu.memory_space<vmem_shared>>) target(%arg13 : memref<128x64xf32, #tpu.memory_space<vmem>>) offsets(%dma_start3A_276 : memref<128xi32, #tpu.memory_space<vmem>>) semaphore(%arg18 : memref<!tpu.dma_semaphore, #tpu.memory_space<semaphore_mem>>)
      %mul3A_280 = arith.constant 3 : i32
      %mul3A_281 = arith.muli %scan3A_238, %mul3A_280 : i32
      %add3A_282 = arith.constant 1 : i32
      %add3A_283 = arith.addi %mul3A_281, %add3A_282 : i32
      %dma_wait3A_284 = arith.constant 0 : i32
      %dma_wait3A_285 = tpu.memref_slice %arg7[%add3A_283, %dma_wait3A_284] : memref<162x128xi32, #tpu.memory_space<vmem>> -> memref<1x128xi32, #tpu.memory_space<vmem>>
      %dma_wait3A_286 = tpu.memref_squeeze %dma_wait3A_285 : memref<1x128xi32, #tpu.memory_space<vmem>> -> memref<128xi32, #tpu.memory_space<vmem>>
      %dma_wait3A_287 = arith.constant 0 : i32
      %dma_wait3A_288 = arith.constant 0 : i32
      %dma_wait3A_289 = tpu.memref_slice %arg14[%dma_wait3A_287, %dma_wait3A_288] : memref<10112x64xf32, #tpu.memory_space<vmem_shared>> -> memref<10112x64xf32, #tpu.memory_space<vmem_shared>>
      tpu.wait_indirect_dma semaphore(%arg17 : memref<!tpu.dma_semaphore, #tpu.memory_space<semaphore_mem>>) src(%dma_wait3A_289 : memref<10112x64xf32, #tpu.memory_space<vmem_shared>>) dst(%arg12 : memref<128x64xf32, #tpu.memory_space<vmem>>)
      %add3A_290 = arith.addi %mul3A_10, %add3A_283 : i32
      %dma_wait3A_291 = arith.constant 0 : i32
      %dma_wait3A_292 = tpu.memref_slice %arg3[%add3A_290, %dma_wait3A_291] : memref<2592x128xi32, #tpu.memory_space<hbm>> -> memref<1x128xi32, #tpu.memory_space<hbm>>
      %dma_wait3A_293 = tpu.memref_squeeze %dma_wait3A_292 : memref<1x128xi32, #tpu.memory_space<hbm>> -> memref<128xi32, #tpu.memory_space<hbm>>
      %dma_wait3A_294 = arith.constant 0 : i32
      %dma_wait3A_295 = tpu.memref_slice %arg3[%add3A_290, %dma_wait3A_294] : memref<2592x128xi32, #tpu.memory_space<hbm>> -> memref<1x128xi32, #tpu.memory_space<hbm>>
      %dma_wait3A_296 = tpu.memref_squeeze %dma_wait3A_295 : memref<1x128xi32, #tpu.memory_space<hbm>> -> memref<128xi32, #tpu.memory_space<hbm>>
      tpu.wait_dma2 semaphore(%arg23 : memref<!tpu.dma_semaphore, #tpu.memory_space<semaphore_mem>>) src(%dma_wait3A_296 : memref<128xi32, #tpu.memory_space<hbm>>) dst(%arg9 : memref<128xi32, #tpu.memory_space<vmem>>)
      %dma_start3A_297 = arith.constant 0 : i32
      %dma_start3A_298 = arith.constant 0 : i32
      %dma_start3A_299 = tpu.memref_slice %arg15[%dma_start3A_297, %dma_start3A_298] : memref<10112x64xf32, #tpu.memory_space<vmem_shared>> -> memref<10112x64xf32, #tpu.memory_space<vmem_shared>>
      tpu.enqueue_indirect_dma source(%arg12 : memref<128x64xf32, #tpu.memory_space<vmem>>) target(%dma_start3A_299 : memref<10112x64xf32, #tpu.memory_space<vmem_shared>>) offsets(%arg9 : memref<128xi32, #tpu.memory_space<vmem>>) semaphore(%arg20 : memref<!tpu.dma_semaphore, #tpu.memory_space<semaphore_mem>>) {add = true}
      %sub3A_300 = arith.constant 1 : i32
      %sub3A_301 = arith.subi %add3A_283, %sub3A_300 : i32
      %dma_wait3A_302 = arith.constant 0 : i32
      %dma_wait3A_303 = arith.constant 0 : i32
      %dma_wait3A_304 = tpu.memref_slice %arg15[%dma_wait3A_302, %dma_wait3A_303] : memref<10112x64xf32, #tpu.memory_space<vmem_shared>> -> memref<10112x64xf32, #tpu.memory_space<vmem_shared>>
      tpu.wait_indirect_dma semaphore(%arg19 : memref<!tpu.dma_semaphore, #tpu.memory_space<semaphore_mem>>) src(%arg11 : memref<128x64xf32, #tpu.memory_space<vmem>>) dst(%dma_wait3A_304 : memref<10112x64xf32, #tpu.memory_space<vmem_shared>>)
      %add3A_305 = arith.constant 2 : i32
      %add3A_306 = arith.addi %add3A_283, %add3A_305 : i32
      %add3A_307 = arith.addi %mul3A_10, %add3A_306 : i32
      %dma_start3A_308 = arith.constant 0 : i32
      %dma_start3A_309 = tpu.memref_slice %arg3[%add3A_307, %dma_start3A_308] : memref<2592x128xi32, #tpu.memory_space<hbm>> -> memref<1x128xi32, #tpu.memory_space<hbm>>
      %dma_start3A_310 = tpu.memref_squeeze %dma_start3A_309 : memref<1x128xi32, #tpu.memory_space<hbm>> -> memref<128xi32, #tpu.memory_space<hbm>>
      %dma_start3A_311 = arith.constant 0 : i32
      %dma_start3A_312 = tpu.memref_slice %arg3[%add3A_307, %dma_start3A_311] : memref<2592x128xi32, #tpu.memory_space<hbm>> -> memref<1x128xi32, #tpu.memory_space<hbm>>
      %dma_start3A_313 = tpu.memref_squeeze %dma_start3A_312 : memref<1x128xi32, #tpu.memory_space<hbm>> -> memref<128xi32, #tpu.memory_space<hbm>>
      tpu.enqueue_dma source(%dma_start3A_313 : memref<128xi32, #tpu.memory_space<hbm>>) target(%arg8 : memref<128xi32, #tpu.memory_space<vmem>>) target_semaphore(%arg22 : memref<!tpu.dma_semaphore, #tpu.memory_space<semaphore_mem>>)
      %add3A_314 = arith.constant 2 : i32
      %add3A_315 = arith.addi %add3A_283, %add3A_314 : i32
      %dma_start3A_316 = arith.constant 0 : i32
      %dma_start3A_317 = tpu.memref_slice %arg7[%add3A_315, %dma_start3A_316] : memref<162x128xi32, #tpu.memory_space<vmem>> -> memref<1x128xi32, #tpu.memory_space<vmem>>
      %dma_start3A_318 = tpu.memref_squeeze %dma_start3A_317 : memref<1x128xi32, #tpu.memory_space<vmem>> -> memref<128xi32, #tpu.memory_space<vmem>>
      %dma_start3A_319 = arith.constant 0 : i32
      %dma_start3A_320 = arith.constant 0 : i32
      %dma_start3A_321 = tpu.memref_slice %arg14[%dma_start3A_319, %dma_start3A_320] : memref<10112x64xf32, #tpu.memory_space<vmem_shared>> -> memref<10112x64xf32, #tpu.memory_space<vmem_shared>>
      tpu.enqueue_indirect_dma source(%dma_start3A_321 : memref<10112x64xf32, #tpu.memory_space<vmem_shared>>) target(%arg11 : memref<128x64xf32, #tpu.memory_space<vmem>>) offsets(%dma_start3A_318 : memref<128xi32, #tpu.memory_space<vmem>>) semaphore(%arg16 : memref<!tpu.dma_semaphore, #tpu.memory_space<semaphore_mem>>)
      %mul3A_322 = arith.constant 3 : i32
      %mul3A_323 = arith.muli %scan3A_238, %mul3A_322 : i32
      %add3A_324 = arith.constant 2 : i32
      %add3A_325 = arith.addi %mul3A_323, %add3A_324 : i32
      %dma_wait3A_326 = arith.constant 0 : i32
      %dma_wait3A_327 = tpu.memref_slice %arg7[%add3A_325, %dma_wait3A_326] : memref<162x128xi32, #tpu.memory_space<vmem>> -> memref<1x128xi32, #tpu.memory_space<vmem>>
      %dma_wait3A_328 = tpu.memref_squeeze %dma_wait3A_327 : memref<1x128xi32, #tpu.memory_space<vmem>> -> memref<128xi32, #tpu.memory_space<vmem>>
      %dma_wait3A_329 = arith.constant 0 : i32
      %dma_wait3A_330 = arith.constant 0 : i32
      %dma_wait3A_331 = tpu.memref_slice %arg14[%dma_wait3A_329, %dma_wait3A_330] : memref<10112x64xf32, #tpu.memory_space<vmem_shared>> -> memref<10112x64xf32, #tpu.memory_space<vmem_shared>>
      tpu.wait_indirect_dma semaphore(%arg18 : memref<!tpu.dma_semaphore, #tpu.memory_space<semaphore_mem>>) src(%dma_wait3A_331 : memref<10112x64xf32, #tpu.memory_space<vmem_shared>>) dst(%arg13 : memref<128x64xf32, #tpu.memory_space<vmem>>)
      %add3A_332 = arith.addi %mul3A_10, %add3A_325 : i32
      %dma_wait3A_333 = arith.constant 0 : i32
      %dma_wait3A_334 = tpu.memref_slice %arg3[%add3A_332, %dma_wait3A_333] : memref<2592x128xi32, #tpu.memory_space<hbm>> -> memref<1x128xi32, #tpu.memory_space<hbm>>
      %dma_wait3A_335 = tpu.memref_squeeze %dma_wait3A_334 : memref<1x128xi32, #tpu.memory_space<hbm>> -> memref<128xi32, #tpu.memory_space<hbm>>
      %dma_wait3A_336 = arith.constant 0 : i32
      %dma_wait3A_337 = tpu.memref_slice %arg3[%add3A_332, %dma_wait3A_336] : memref<2592x128xi32, #tpu.memory_space<hbm>> -> memref<1x128xi32, #tpu.memory_space<hbm>>
      %dma_wait3A_338 = tpu.memref_squeeze %dma_wait3A_337 : memref<1x128xi32, #tpu.memory_space<hbm>> -> memref<128xi32, #tpu.memory_space<hbm>>
      tpu.wait_dma2 semaphore(%arg24 : memref<!tpu.dma_semaphore, #tpu.memory_space<semaphore_mem>>) src(%dma_wait3A_338 : memref<128xi32, #tpu.memory_space<hbm>>) dst(%arg10 : memref<128xi32, #tpu.memory_space<vmem>>)
      %dma_start3A_339 = arith.constant 0 : i32
      %dma_start3A_340 = arith.constant 0 : i32
      %dma_start3A_341 = tpu.memref_slice %arg15[%dma_start3A_339, %dma_start3A_340] : memref<10112x64xf32, #tpu.memory_space<vmem_shared>> -> memref<10112x64xf32, #tpu.memory_space<vmem_shared>>
      tpu.enqueue_indirect_dma source(%arg13 : memref<128x64xf32, #tpu.memory_space<vmem>>) target(%dma_start3A_341 : memref<10112x64xf32, #tpu.memory_space<vmem_shared>>) offsets(%arg10 : memref<128xi32, #tpu.memory_space<vmem>>) semaphore(%arg21 : memref<!tpu.dma_semaphore, #tpu.memory_space<semaphore_mem>>) {add = true}
      %sub3A_342 = arith.constant 1 : i32
      %sub3A_343 = arith.subi %add3A_325, %sub3A_342 : i32
      %dma_wait3A_344 = arith.constant 0 : i32
      %dma_wait3A_345 = arith.constant 0 : i32
      %dma_wait3A_346 = tpu.memref_slice %arg15[%dma_wait3A_344, %dma_wait3A_345] : memref<10112x64xf32, #tpu.memory_space<vmem_shared>> -> memref<10112x64xf32, #tpu.memory_space<vmem_shared>>
      tpu.wait_indirect_dma semaphore(%arg20 : memref<!tpu.dma_semaphore, #tpu.memory_space<semaphore_mem>>) src(%arg12 : memref<128x64xf32, #tpu.memory_space<vmem>>) dst(%dma_wait3A_346 : memref<10112x64xf32, #tpu.memory_space<vmem_shared>>)
      %add3A_347 = arith.constant 2 : i32
      %add3A_348 = arith.addi %add3A_325, %add3A_347 : i32
      %add3A_349 = arith.addi %mul3A_10, %add3A_348 : i32
      %dma_start3A_350 = arith.constant 0 : i32
      %dma_start3A_351 = tpu.memref_slice %arg3[%add3A_349, %dma_start3A_350] : memref<2592x128xi32, #tpu.memory_space<hbm>> -> memref<1x128xi32, #tpu.memory_space<hbm>>
      %dma_start3A_352 = tpu.memref_squeeze %dma_start3A_351 : memref<1x128xi32, #tpu.memory_space<hbm>> -> memref<128xi32, #tpu.memory_space<hbm>>
      %dma_start3A_353 = arith.constant 0 : i32
      %dma_start3A_354 = tpu.memref_slice %arg3[%add3A_349, %dma_start3A_353] : memref<2592x128xi32, #tpu.memory_space<hbm>> -> memref<1x128xi32, #tpu.memory_space<hbm>>
      %dma_start3A_355 = tpu.memref_squeeze %dma_start3A_354 : memref<1x128xi32, #tpu.memory_space<hbm>> -> memref<128xi32, #tpu.memory_space<hbm>>
      tpu.enqueue_dma source(%dma_start3A_355 : memref<128xi32, #tpu.memory_space<hbm>>) target(%arg9 : memref<128xi32, #tpu.memory_space<vmem>>) target_semaphore(%arg23 : memref<!tpu.dma_semaphore, #tpu.memory_space<semaphore_mem>>)
      %add3A_356 = arith.constant 2 : i32
      %add3A_357 = arith.addi %add3A_325, %add3A_356 : i32
      %dma_start3A_358 = arith.constant 0 : i32
      %dma_start3A_359 = tpu.memref_slice %arg7[%add3A_357, %dma_start3A_358] : memref<162x128xi32, #tpu.memory_space<vmem>> -> memref<1x128xi32, #tpu.memory_space<vmem>>
      %dma_start3A_360 = tpu.memref_squeeze %dma_start3A_359 : memref<1x128xi32, #tpu.memory_space<vmem>> -> memref<128xi32, #tpu.memory_space<vmem>>
      %dma_start3A_361 = arith.constant 0 : i32
      %dma_start3A_362 = arith.constant 0 : i32
      %dma_start3A_363 = tpu.memref_slice %arg14[%dma_start3A_361, %dma_start3A_362] : memref<10112x64xf32, #tpu.memory_space<vmem_shared>> -> memref<10112x64xf32, #tpu.memory_space<vmem_shared>>
      tpu.enqueue_indirect_dma source(%dma_start3A_363 : memref<10112x64xf32, #tpu.memory_space<vmem_shared>>) target(%arg12 : memref<128x64xf32, #tpu.memory_space<vmem>>) offsets(%dma_start3A_360 : memref<128xi32, #tpu.memory_space<vmem>>) semaphore(%arg17 : memref<!tpu.dma_semaphore, #tpu.memory_space<semaphore_mem>>)
    }
    %scan3A_148 = arith.constant 52 : i32
    %dma_wait3A_149 = arith.constant 159 : i32
    %dma_wait3A_150 = arith.constant 0 : i32
    %dma_wait3A_151 = tpu.memref_slice %arg7[%dma_wait3A_149, %dma_wait3A_150] : memref<162x128xi32, #tpu.memory_space<vmem>> -> memref<1x128xi32, #tpu.memory_space<vmem>>
    %dma_wait3A_152 = tpu.memref_squeeze %dma_wait3A_151 : memref<1x128xi32, #tpu.memory_space<vmem>> -> memref<128xi32, #tpu.memory_space<vmem>>
    %dma_wait3A_153 = arith.constant 0 : i32
    %dma_wait3A_154 = arith.constant 0 : i32
    %dma_wait3A_155 = tpu.memref_slice %arg14[%dma_wait3A_153, %dma_wait3A_154] : memref<10112x64xf32, #tpu.memory_space<vmem_shared>> -> memref<10112x64xf32, #tpu.memory_space<vmem_shared>>
    tpu.wait_indirect_dma semaphore(%arg16 : memref<!tpu.dma_semaphore, #tpu.memory_space<semaphore_mem>>) src(%dma_wait3A_155 : memref<10112x64xf32, #tpu.memory_space<vmem_shared>>) dst(%arg11 : memref<128x64xf32, #tpu.memory_space<vmem>>)
    %add3A_156 = arith.constant 159 : i32
    %add3A_157 = arith.addi %mul3A_10, %add3A_156 : i32
    %dma_wait3A_158 = arith.constant 0 : i32
    %dma_wait3A_159 = tpu.memref_slice %arg3[%add3A_157, %dma_wait3A_158] : memref<2592x128xi32, #tpu.memory_space<hbm>> -> memref<1x128xi32, #tpu.memory_space<hbm>>
    %dma_wait3A_160 = tpu.memref_squeeze %dma_wait3A_159 : memref<1x128xi32, #tpu.memory_space<hbm>> -> memref<128xi32, #tpu.memory_space<hbm>>
    %dma_wait3A_161 = arith.constant 0 : i32
    %dma_wait3A_162 = tpu.memref_slice %arg3[%add3A_157, %dma_wait3A_161] : memref<2592x128xi32, #tpu.memory_space<hbm>> -> memref<1x128xi32, #tpu.memory_space<hbm>>
    %dma_wait3A_163 = tpu.memref_squeeze %dma_wait3A_162 : memref<1x128xi32, #tpu.memory_space<hbm>> -> memref<128xi32, #tpu.memory_space<hbm>>
    tpu.wait_dma2 semaphore(%arg22 : memref<!tpu.dma_semaphore, #tpu.memory_space<semaphore_mem>>) src(%dma_wait3A_163 : memref<128xi32, #tpu.memory_space<hbm>>) dst(%arg8 : memref<128xi32, #tpu.memory_space<vmem>>)
    %dma_start3A_164 = arith.constant 0 : i32
    %dma_start3A_165 = arith.constant 0 : i32
    %dma_start3A_166 = tpu.memref_slice %arg15[%dma_start3A_164, %dma_start3A_165] : memref<10112x64xf32, #tpu.memory_space<vmem_shared>> -> memref<10112x64xf32, #tpu.memory_space<vmem_shared>>
    tpu.enqueue_indirect_dma source(%arg11 : memref<128x64xf32, #tpu.memory_space<vmem>>) target(%dma_start3A_166 : memref<10112x64xf32, #tpu.memory_space<vmem_shared>>) offsets(%arg8 : memref<128xi32, #tpu.memory_space<vmem>>) semaphore(%arg19 : memref<!tpu.dma_semaphore, #tpu.memory_space<semaphore_mem>>) {add = true}
    %dma_wait3A_167 = arith.constant 0 : i32
    %dma_wait3A_168 = arith.constant 0 : i32
    %dma_wait3A_169 = tpu.memref_slice %arg15[%dma_wait3A_167, %dma_wait3A_168] : memref<10112x64xf32, #tpu.memory_space<vmem_shared>> -> memref<10112x64xf32, #tpu.memory_space<vmem_shared>>
    tpu.wait_indirect_dma semaphore(%arg21 : memref<!tpu.dma_semaphore, #tpu.memory_space<semaphore_mem>>) src(%arg13 : memref<128x64xf32, #tpu.memory_space<vmem>>) dst(%dma_wait3A_169 : memref<10112x64xf32, #tpu.memory_space<vmem_shared>>)
    %add3A_170 = arith.constant 161 : i32
    %add3A_171 = arith.addi %mul3A_10, %add3A_170 : i32
    %dma_start3A_172 = arith.constant 0 : i32
    %dma_start3A_173 = tpu.memref_slice %arg3[%add3A_171, %dma_start3A_172] : memref<2592x128xi32, #tpu.memory_space<hbm>> -> memref<1x128xi32, #tpu.memory_space<hbm>>
    %dma_start3A_174 = tpu.memref_squeeze %dma_start3A_173 : memref<1x128xi32, #tpu.memory_space<hbm>> -> memref<128xi32, #tpu.memory_space<hbm>>
    %dma_start3A_175 = arith.constant 0 : i32
    %dma_start3A_176 = tpu.memref_slice %arg3[%add3A_171, %dma_start3A_175] : memref<2592x128xi32, #tpu.memory_space<hbm>> -> memref<1x128xi32, #tpu.memory_space<hbm>>
    %dma_start3A_177 = tpu.memref_squeeze %dma_start3A_176 : memref<1x128xi32, #tpu.memory_space<hbm>> -> memref<128xi32, #tpu.memory_space<hbm>>
    tpu.enqueue_dma source(%dma_start3A_177 : memref<128xi32, #tpu.memory_space<hbm>>) target(%arg10 : memref<128xi32, #tpu.memory_space<vmem>>) target_semaphore(%arg24 : memref<!tpu.dma_semaphore, #tpu.memory_space<semaphore_mem>>)
    %dma_start3A_178 = arith.constant 161 : i32
    %dma_start3A_179 = arith.constant 0 : i32
    %dma_start3A_180 = tpu.memref_slice %arg7[%dma_start3A_178, %dma_start3A_179] : memref<162x128xi32, #tpu.memory_space<vmem>> -> memref<1x128xi32, #tpu.memory_space<vmem>>
    %dma_start3A_181 = tpu.memref_squeeze %dma_start3A_180 : memref<1x128xi32, #tpu.memory_space<vmem>> -> memref<128xi32, #tpu.memory_space<vmem>>
    %dma_start3A_182 = arith.constant 0 : i32
    %dma_start3A_183 = arith.constant 0 : i32
    %dma_start3A_184 = tpu.memref_slice %arg14[%dma_start3A_182, %dma_start3A_183] : memref<10112x64xf32, #tpu.memory_space<vmem_shared>> -> memref<10112x64xf32, #tpu.memory_space<vmem_shared>>
    tpu.enqueue_indirect_dma source(%dma_start3A_184 : memref<10112x64xf32, #tpu.memory_space<vmem_shared>>) target(%arg13 : memref<128x64xf32, #tpu.memory_space<vmem>>) offsets(%dma_start3A_181 : memref<128xi32, #tpu.memory_space<vmem>>) semaphore(%arg18 : memref<!tpu.dma_semaphore, #tpu.memory_space<semaphore_mem>>)
    %dma_wait3A_185 = arith.constant 160 : i32
    %dma_wait3A_186 = arith.constant 0 : i32
    %dma_wait3A_187 = tpu.memref_slice %arg7[%dma_wait3A_185, %dma_wait3A_186] : memref<162x128xi32, #tpu.memory_space<vmem>> -> memref<1x128xi32, #tpu.memory_space<vmem>>
    %dma_wait3A_188 = tpu.memref_squeeze %dma_wait3A_187 : memref<1x128xi32, #tpu.memory_space<vmem>> -> memref<128xi32, #tpu.memory_space<vmem>>
    %dma_wait3A_189 = arith.constant 0 : i32
    %dma_wait3A_190 = arith.constant 0 : i32
    %dma_wait3A_191 = tpu.memref_slice %arg14[%dma_wait3A_189, %dma_wait3A_190] : memref<10112x64xf32, #tpu.memory_space<vmem_shared>> -> memref<10112x64xf32, #tpu.memory_space<vmem_shared>>
    tpu.wait_indirect_dma semaphore(%arg17 : memref<!tpu.dma_semaphore, #tpu.memory_space<semaphore_mem>>) src(%dma_wait3A_191 : memref<10112x64xf32, #tpu.memory_space<vmem_shared>>) dst(%arg12 : memref<128x64xf32, #tpu.memory_space<vmem>>)
    %add3A_192 = arith.constant 160 : i32
    %add3A_193 = arith.addi %mul3A_10, %add3A_192 : i32
    %dma_wait3A_194 = arith.constant 0 : i32
    %dma_wait3A_195 = tpu.memref_slice %arg3[%add3A_193, %dma_wait3A_194] : memref<2592x128xi32, #tpu.memory_space<hbm>> -> memref<1x128xi32, #tpu.memory_space<hbm>>
    %dma_wait3A_196 = tpu.memref_squeeze %dma_wait3A_195 : memref<1x128xi32, #tpu.memory_space<hbm>> -> memref<128xi32, #tpu.memory_space<hbm>>
    %dma_wait3A_197 = arith.constant 0 : i32
    %dma_wait3A_198 = tpu.memref_slice %arg3[%add3A_193, %dma_wait3A_197] : memref<2592x128xi32, #tpu.memory_space<hbm>> -> memref<1x128xi32, #tpu.memory_space<hbm>>
    %dma_wait3A_199 = tpu.memref_squeeze %dma_wait3A_198 : memref<1x128xi32, #tpu.memory_space<hbm>> -> memref<128xi32, #tpu.memory_space<hbm>>
    tpu.wait_dma2 semaphore(%arg23 : memref<!tpu.dma_semaphore, #tpu.memory_space<semaphore_mem>>) src(%dma_wait3A_199 : memref<128xi32, #tpu.memory_space<hbm>>) dst(%arg9 : memref<128xi32, #tpu.memory_space<vmem>>)
    %dma_start3A_200 = arith.constant 0 : i32
    %dma_start3A_201 = arith.constant 0 : i32
    %dma_start3A_202 = tpu.memref_slice %arg15[%dma_start3A_200, %dma_start3A_201] : memref<10112x64xf32, #tpu.memory_space<vmem_shared>> -> memref<10112x64xf32, #tpu.memory_space<vmem_shared>>
    tpu.enqueue_indirect_dma source(%arg12 : memref<128x64xf32, #tpu.memory_space<vmem>>) target(%dma_start3A_202 : memref<10112x64xf32, #tpu.memory_space<vmem_shared>>) offsets(%arg9 : memref<128xi32, #tpu.memory_space<vmem>>) semaphore(%arg20 : memref<!tpu.dma_semaphore, #tpu.memory_space<semaphore_mem>>) {add = true}
    %dma_wait3A_203 = arith.constant 0 : i32
    %dma_wait3A_204 = arith.constant 0 : i32
    %dma_wait3A_205 = tpu.memref_slice %arg15[%dma_wait3A_203, %dma_wait3A_204] : memref<10112x64xf32, #tpu.memory_space<vmem_shared>> -> memref<10112x64xf32, #tpu.memory_space<vmem_shared>>
    tpu.wait_indirect_dma semaphore(%arg19 : memref<!tpu.dma_semaphore, #tpu.memory_space<semaphore_mem>>) src(%arg11 : memref<128x64xf32, #tpu.memory_space<vmem>>) dst(%dma_wait3A_205 : memref<10112x64xf32, #tpu.memory_space<vmem_shared>>)
    %dma_wait3A_206 = arith.constant 161 : i32
    %dma_wait3A_207 = arith.constant 0 : i32
    %dma_wait3A_208 = tpu.memref_slice %arg7[%dma_wait3A_206, %dma_wait3A_207] : memref<162x128xi32, #tpu.memory_space<vmem>> -> memref<1x128xi32, #tpu.memory_space<vmem>>
    %dma_wait3A_209 = tpu.memref_squeeze %dma_wait3A_208 : memref<1x128xi32, #tpu.memory_space<vmem>> -> memref<128xi32, #tpu.memory_space<vmem>>
    %dma_wait3A_210 = arith.constant 0 : i32
    %dma_wait3A_211 = arith.constant 0 : i32
    %dma_wait3A_212 = tpu.memref_slice %arg14[%dma_wait3A_210, %dma_wait3A_211] : memref<10112x64xf32, #tpu.memory_space<vmem_shared>> -> memref<10112x64xf32, #tpu.memory_space<vmem_shared>>
    tpu.wait_indirect_dma semaphore(%arg18 : memref<!tpu.dma_semaphore, #tpu.memory_space<semaphore_mem>>) src(%dma_wait3A_212 : memref<10112x64xf32, #tpu.memory_space<vmem_shared>>) dst(%arg13 : memref<128x64xf32, #tpu.memory_space<vmem>>)
    %add3A_213 = arith.constant 161 : i32
    %add3A_214 = arith.addi %mul3A_10, %add3A_213 : i32
    %dma_wait3A_215 = arith.constant 0 : i32
    %dma_wait3A_216 = tpu.memref_slice %arg3[%add3A_214, %dma_wait3A_215] : memref<2592x128xi32, #tpu.memory_space<hbm>> -> memref<1x128xi32, #tpu.memory_space<hbm>>
    %dma_wait3A_217 = tpu.memref_squeeze %dma_wait3A_216 : memref<1x128xi32, #tpu.memory_space<hbm>> -> memref<128xi32, #tpu.memory_space<hbm>>
    %dma_wait3A_218 = arith.constant 0 : i32
    %dma_wait3A_219 = tpu.memref_slice %arg3[%add3A_214, %dma_wait3A_218] : memref<2592x128xi32, #tpu.memory_space<hbm>> -> memref<1x128xi32, #tpu.memory_space<hbm>>
    %dma_wait3A_220 = tpu.memref_squeeze %dma_wait3A_219 : memref<1x128xi32, #tpu.memory_space<hbm>> -> memref<128xi32, #tpu.memory_space<hbm>>
    tpu.wait_dma2 semaphore(%arg24 : memref<!tpu.dma_semaphore, #tpu.memory_space<semaphore_mem>>) src(%dma_wait3A_220 : memref<128xi32, #tpu.memory_space<hbm>>) dst(%arg10 : memref<128xi32, #tpu.memory_space<vmem>>)
    %dma_start3A_221 = arith.constant 0 : i32
    %dma_start3A_222 = arith.constant 0 : i32
    %dma_start3A_223 = tpu.memref_slice %arg15[%dma_start3A_221, %dma_start3A_222] : memref<10112x64xf32, #tpu.memory_space<vmem_shared>> -> memref<10112x64xf32, #tpu.memory_space<vmem_shared>>
    tpu.enqueue_indirect_dma source(%arg13 : memref<128x64xf32, #tpu.memory_space<vmem>>) target(%dma_start3A_223 : memref<10112x64xf32, #tpu.memory_space<vmem_shared>>) offsets(%arg10 : memref<128xi32, #tpu.memory_space<vmem>>) semaphore(%arg21 : memref<!tpu.dma_semaphore, #tpu.memory_space<semaphore_mem>>) {add = true}
    %dma_wait3A_224 = arith.constant 0 : i32
    %dma_wait3A_225 = arith.constant 0 : i32
    %dma_wait3A_226 = tpu.memref_slice %arg15[%dma_wait3A_224, %dma_wait3A_225] : memref<10112x64xf32, #tpu.memory_space<vmem_shared>> -> memref<10112x64xf32, #tpu.memory_space<vmem_shared>>
    tpu.wait_indirect_dma semaphore(%arg20 : memref<!tpu.dma_semaphore, #tpu.memory_space<semaphore_mem>>) src(%arg12 : memref<128x64xf32, #tpu.memory_space<vmem>>) dst(%dma_wait3A_226 : memref<10112x64xf32, #tpu.memory_space<vmem_shared>>)
    %dma_wait3A_227 = arith.constant 0 : i32
    %dma_wait3A_228 = arith.constant 0 : i32
    %dma_wait3A_229 = tpu.memref_slice %arg15[%dma_wait3A_227, %dma_wait3A_228] : memref<10112x64xf32, #tpu.memory_space<vmem_shared>> -> memref<10112x64xf32, #tpu.memory_space<vmem_shared>>
    tpu.wait_indirect_dma semaphore(%arg21 : memref<!tpu.dma_semaphore, #tpu.memory_space<semaphore_mem>>) src(%arg13 : memref<128x64xf32, #tpu.memory_space<vmem>>) dst(%dma_wait3A_229 : memref<10112x64xf32, #tpu.memory_space<vmem_shared>>)
    %barrier3A_230 = arith.constant 0 : index
    tpu.barrier barrier_id(%barrier3A_230)
    %mul3A_231 = arith.constant 632 : i32
    %mul3A_232 = arith.muli %arg1, %mul3A_231 : i32
    %mul3A_233 = arith.constant 12800 : i32
    %mul3A_234 = arith.muli %arg0, %mul3A_233 : i32
    %mul3A_235 = arith.constant 632 : i32
    %mul3A_236 = arith.muli %arg1, %mul3A_235 : i32
    %add3A_237 = arith.addi %mul3A_234, %mul3A_236 : i32
    "tpu.region"() ({
      %run_scoped3A = tpu.sem_alloc : memref<!tpu.dma_semaphore, #tpu.memory_space<semaphore_mem>>
      %dma_start3A_238 = arith.constant 0 : i32
      %dma_start3A_239 = tpu.memref_slice %arg6[%add3A_237, %dma_start3A_238] : memref<25600x64xf32, #tpu.memory_space<hbm>> -> memref<632x64xf32, #tpu.memory_space<hbm>>
      %dma_start3A_240 = arith.constant 0 : i32
      %dma_start3A_241 = tpu.memref_slice %arg15[%mul3A_232, %dma_start3A_240] : memref<10112x64xf32, #tpu.memory_space<vmem_shared>> -> memref<632x64xf32, #tpu.memory_space<vmem_shared>>
      tpu.enqueue_dma source(%dma_start3A_241 : memref<632x64xf32, #tpu.memory_space<vmem_shared>>) target(%dma_start3A_239 : memref<632x64xf32, #tpu.memory_space<hbm>>) target_semaphore(%run_scoped3A : memref<!tpu.dma_semaphore, #tpu.memory_space<semaphore_mem>>)
      %dma_wait3A_242 = arith.constant 0 : i32
      %dma_wait3A_243 = tpu.memref_slice %arg6[%add3A_237, %dma_wait3A_242] : memref<25600x64xf32, #tpu.memory_space<hbm>> -> memref<632x64xf32, #tpu.memory_space<hbm>>
      %dma_wait3A_244 = arith.constant 0 : i32
      %dma_wait3A_245 = tpu.memref_slice %arg15[%mul3A_232, %dma_wait3A_244] : memref<10112x64xf32, #tpu.memory_space<vmem_shared>> -> memref<632x64xf32, #tpu.memory_space<vmem_shared>>
      tpu.wait_dma2 semaphore(%run_scoped3A : memref<!tpu.dma_semaphore, #tpu.memory_space<semaphore_mem>>) src(%dma_wait3A_245 : memref<632x64xf32, #tpu.memory_space<vmem_shared>>) dst(%dma_wait3A_243 : memref<632x64xf32, #tpu.memory_space<hbm>>)
      tpu.yield
    }) : () -> ()
    return
  }
}

#map = affine_map<(d0, d1) -> (0, 0)>
module attributes {stable_mosaic.version = 14 : i64} {
  func.func @_agg_body(%arg0: i32, %arg1: i32, %arg2: memref<2592x128xi32, #tpu.memory_space<hbm>>, %arg3: memref<2592x128xi32, #tpu.memory_space<hbm>>, %arg4: memref<20224x64xf32, #tpu.memory_space<hbm>>, %arg5: memref<632x64xf32, #tpu.memory_space<hbm>>, %arg6: memref<25600x64xf32, #tpu.memory_space<hbm>>, %arg7: memref<162x128xi32, #tpu.memory_space<vmem>>, %arg8: memref<128xi32, #tpu.memory_space<vmem>>, %arg9: memref<128xi32, #tpu.memory_space<vmem>>, %arg10: memref<128xi32, #tpu.memory_space<vmem>>, %arg11: memref<128x64xf32, #tpu.memory_space<vmem>>, %arg12: memref<128x64xf32, #tpu.memory_space<vmem>>, %arg13: memref<128x64xf32, #tpu.memory_space<vmem>>, %arg14: memref<10112x64xf32, #tpu.memory_space<vmem_shared>>, %arg15: memref<10112x64xf32, #tpu.memory_space<vmem_shared>>, %arg16: memref<!tpu.dma_semaphore, #tpu.memory_space<semaphore_mem>>, %arg17: memref<!tpu.dma_semaphore, #tpu.memory_space<semaphore_mem>>, %arg18: memref<!tpu.dma_semaphore, #tpu.memory_space<semaphore_mem>>, %arg19: memref<!tpu.dma_semaphore, #tpu.memory_space<semaphore_mem>>, %arg20: memref<!tpu.dma_semaphore, #tpu.memory_space<semaphore_mem>>, %arg21: memref<!tpu.dma_semaphore, #tpu.memory_space<semaphore_mem>>, %arg22: memref<!tpu.dma_semaphore, #tpu.memory_space<semaphore_mem>>, %arg23: memref<!tpu.dma_semaphore, #tpu.memory_space<semaphore_mem>>, %arg24: memref<!tpu.dma_semaphore, #tpu.memory_space<semaphore_mem>>) attributes {dimension_semantics = [#tpu.dimension_semantics<core_parallel>, #tpu.dimension_semantics<subcore_parallel>], iteration_bounds = array<i64: 2, 16>, scalar_prefetch = 0 : i64, scratch_operands = 18 : i64, tpu.core_type = #tpu.core_type<sc_vector_subcore>, window_params = [{transform_indices = #map}, {transform_indices = #map}, {transform_indices = #map}, {transform_indices = #map}, {transform_indices = #map}]} {
    %mul3A = arith.constant 632 : i32
    %mul3A_0 = arith.muli %arg1, %mul3A : i32
    "tpu.region"() ({
      %run_scoped3A = tpu.sem_alloc : memref<!tpu.dma_semaphore, #tpu.memory_space<semaphore_mem>>
      %dma_start3A_238 = arith.constant 0 : i32
      %dma_start3A_239 = tpu.memref_slice %arg15[%mul3A_0, %dma_start3A_238] : memref<10112x64xf32, #tpu.memory_space<vmem_shared>> -> memref<632x64xf32, #tpu.memory_space<vmem_shared>>
      tpu.enqueue_dma source(%arg5 : memref<632x64xf32, #tpu.memory_space<hbm>>) target(%dma_start3A_239 : memref<632x64xf32, #tpu.memory_space<vmem_shared>>) target_semaphore(%run_scoped3A : memref<!tpu.dma_semaphore, #tpu.memory_space<semaphore_mem>>)
      %dma_wait3A_240 = arith.constant 0 : i32
      %dma_wait3A_241 = tpu.memref_slice %arg15[%mul3A_0, %dma_wait3A_240] : memref<10112x64xf32, #tpu.memory_space<vmem_shared>> -> memref<632x64xf32, #tpu.memory_space<vmem_shared>>
      tpu.wait_dma2 semaphore(%run_scoped3A : memref<!tpu.dma_semaphore, #tpu.memory_space<semaphore_mem>>) src(%arg5 : memref<632x64xf32, #tpu.memory_space<hbm>>) dst(%dma_wait3A_241 : memref<632x64xf32, #tpu.memory_space<vmem_shared>>)
      tpu.yield
    }) : () -> ()
    %mul3A_1 = arith.constant 10112 : i32
    %mul3A_2 = arith.muli %arg0, %mul3A_1 : i32
    %mul3A_3 = arith.constant 632 : i32
    %mul3A_4 = arith.muli %arg1, %mul3A_3 : i32
    %add3A = arith.addi %mul3A_2, %mul3A_4 : i32
    %mul3A_5 = arith.constant 632 : i32
    %mul3A_6 = arith.muli %arg1, %mul3A_5 : i32
    "tpu.region"() ({
      %run_scoped3A = tpu.sem_alloc : memref<!tpu.dma_semaphore, #tpu.memory_space<semaphore_mem>>
      %dma_start3A_238 = arith.constant 0 : i32
      %dma_start3A_239 = tpu.memref_slice %arg14[%mul3A_6, %dma_start3A_238] : memref<10112x64xf32, #tpu.memory_space<vmem_shared>> -> memref<632x64xf32, #tpu.memory_space<vmem_shared>>
      %dma_start3A_240 = arith.constant 0 : i32
      %dma_start3A_241 = tpu.memref_slice %arg4[%add3A, %dma_start3A_240] : memref<20224x64xf32, #tpu.memory_space<hbm>> -> memref<632x64xf32, #tpu.memory_space<hbm>>
      tpu.enqueue_dma source(%dma_start3A_241 : memref<632x64xf32, #tpu.memory_space<hbm>>) target(%dma_start3A_239 : memref<632x64xf32, #tpu.memory_space<vmem_shared>>) target_semaphore(%run_scoped3A : memref<!tpu.dma_semaphore, #tpu.memory_space<semaphore_mem>>)
      %dma_wait3A_242 = arith.constant 0 : i32
      %dma_wait3A_243 = tpu.memref_slice %arg14[%mul3A_6, %dma_wait3A_242] : memref<10112x64xf32, #tpu.memory_space<vmem_shared>> -> memref<632x64xf32, #tpu.memory_space<vmem_shared>>
      %dma_wait3A_244 = arith.constant 0 : i32
      %dma_wait3A_245 = tpu.memref_slice %arg4[%add3A, %dma_wait3A_244] : memref<20224x64xf32, #tpu.memory_space<hbm>> -> memref<632x64xf32, #tpu.memory_space<hbm>>
      tpu.wait_dma2 semaphore(%run_scoped3A : memref<!tpu.dma_semaphore, #tpu.memory_space<semaphore_mem>>) src(%dma_wait3A_245 : memref<632x64xf32, #tpu.memory_space<hbm>>) dst(%dma_wait3A_243 : memref<632x64xf32, #tpu.memory_space<vmem_shared>>)
      tpu.yield
    }) : () -> ()
    %mul3A_7 = arith.constant 162 : i32
    %mul3A_8 = arith.muli %arg1, %mul3A_7 : i32
    "tpu.region"() ({
      %run_scoped3A = tpu.sem_alloc : memref<!tpu.dma_semaphore, #tpu.memory_space<semaphore_mem>>
      %dma_start3A_238 = arith.constant 0 : i32
      %dma_start3A_239 = tpu.memref_slice %arg2[%mul3A_8, %dma_start3A_238] : memref<2592x128xi32, #tpu.memory_space<hbm>> -> memref<162x128xi32, #tpu.memory_space<hbm>>
      %dma_start3A_240 = arith.constant 0 : i32
      %dma_start3A_241 = tpu.memref_slice %arg2[%mul3A_8, %dma_start3A_240] : memref<2592x128xi32, #tpu.memory_space<hbm>> -> memref<162x128xi32, #tpu.memory_space<hbm>>
      tpu.enqueue_dma source(%dma_start3A_241 : memref<162x128xi32, #tpu.memory_space<hbm>>) target(%arg7 : memref<162x128xi32, #tpu.memory_space<vmem>>) target_semaphore(%run_scoped3A : memref<!tpu.dma_semaphore, #tpu.memory_space<semaphore_mem>>)
      %dma_wait3A_242 = arith.constant 0 : i32
      %dma_wait3A_243 = tpu.memref_slice %arg2[%mul3A_8, %dma_wait3A_242] : memref<2592x128xi32, #tpu.memory_space<hbm>> -> memref<162x128xi32, #tpu.memory_space<hbm>>
      %dma_wait3A_244 = arith.constant 0 : i32
      %dma_wait3A_245 = tpu.memref_slice %arg2[%mul3A_8, %dma_wait3A_244] : memref<2592x128xi32, #tpu.memory_space<hbm>> -> memref<162x128xi32, #tpu.memory_space<hbm>>
      tpu.wait_dma2 semaphore(%run_scoped3A : memref<!tpu.dma_semaphore, #tpu.memory_space<semaphore_mem>>) src(%dma_wait3A_245 : memref<162x128xi32, #tpu.memory_space<hbm>>) dst(%arg7 : memref<162x128xi32, #tpu.memory_space<vmem>>)
      tpu.yield
    }) : () -> ()
    %barrier3A = arith.constant 0 : index
    tpu.barrier barrier_id(%barrier3A)
    %mul3A_9 = arith.constant 162 : i32
    %mul3A_10 = arith.muli %arg1, %mul3A_9 : i32
    %add3A_11 = arith.constant 0 : i32
    %add3A_12 = arith.addi %mul3A_10, %add3A_11 : i32
    %dma_start3A = arith.constant 0 : i32
    %dma_start3A_13 = tpu.memref_slice %arg3[%add3A_12, %dma_start3A] : memref<2592x128xi32, #tpu.memory_space<hbm>> -> memref<1x128xi32, #tpu.memory_space<hbm>>
    %dma_start3A_14 = tpu.memref_squeeze %dma_start3A_13 : memref<1x128xi32, #tpu.memory_space<hbm>> -> memref<128xi32, #tpu.memory_space<hbm>>
    %dma_start3A_15 = arith.constant 0 : i32
    %dma_start3A_16 = tpu.memref_slice %arg3[%add3A_12, %dma_start3A_15] : memref<2592x128xi32, #tpu.memory_space<hbm>> -> memref<1x128xi32, #tpu.memory_space<hbm>>
    %dma_start3A_17 = tpu.memref_squeeze %dma_start3A_16 : memref<1x128xi32, #tpu.memory_space<hbm>> -> memref<128xi32, #tpu.memory_space<hbm>>
    tpu.enqueue_dma source(%dma_start3A_17 : memref<128xi32, #tpu.memory_space<hbm>>) target(%arg8 : memref<128xi32, #tpu.memory_space<vmem>>) target_semaphore(%arg22 : memref<!tpu.dma_semaphore, #tpu.memory_space<semaphore_mem>>)
    %dma_start3A_18 = arith.constant 0 : i32
    %dma_start3A_19 = arith.constant 0 : i32
    %dma_start3A_20 = tpu.memref_slice %arg7[%dma_start3A_18, %dma_start3A_19] : memref<162x128xi32, #tpu.memory_space<vmem>> -> memref<1x128xi32, #tpu.memory_space<vmem>>
    %dma_start3A_21 = tpu.memref_squeeze %dma_start3A_20 : memref<1x128xi32, #tpu.memory_space<vmem>> -> memref<128xi32, #tpu.memory_space<vmem>>
    %dma_start3A_22 = arith.constant 0 : i32
    %dma_start3A_23 = arith.constant 0 : i32
    %dma_start3A_24 = tpu.memref_slice %arg14[%dma_start3A_22, %dma_start3A_23] : memref<10112x64xf32, #tpu.memory_space<vmem_shared>> -> memref<10112x64xf32, #tpu.memory_space<vmem_shared>>
    tpu.enqueue_indirect_dma source(%dma_start3A_24 : memref<10112x64xf32, #tpu.memory_space<vmem_shared>>) target(%arg11 : memref<128x64xf32, #tpu.memory_space<vmem>>) offsets(%dma_start3A_21 : memref<128xi32, #tpu.memory_space<vmem>>) semaphore(%arg16 : memref<!tpu.dma_semaphore, #tpu.memory_space<semaphore_mem>>)
    %add3A_25 = arith.constant 1 : i32
    %add3A_26 = arith.addi %mul3A_10, %add3A_25 : i32
    %dma_start3A_27 = arith.constant 0 : i32
    %dma_start3A_28 = tpu.memref_slice %arg3[%add3A_26, %dma_start3A_27] : memref<2592x128xi32, #tpu.memory_space<hbm>> -> memref<1x128xi32, #tpu.memory_space<hbm>>
    %dma_start3A_29 = tpu.memref_squeeze %dma_start3A_28 : memref<1x128xi32, #tpu.memory_space<hbm>> -> memref<128xi32, #tpu.memory_space<hbm>>
    %dma_start3A_30 = arith.constant 0 : i32
    %dma_start3A_31 = tpu.memref_slice %arg3[%add3A_26, %dma_start3A_30] : memref<2592x128xi32, #tpu.memory_space<hbm>> -> memref<1x128xi32, #tpu.memory_space<hbm>>
    %dma_start3A_32 = tpu.memref_squeeze %dma_start3A_31 : memref<1x128xi32, #tpu.memory_space<hbm>> -> memref<128xi32, #tpu.memory_space<hbm>>
    tpu.enqueue_dma source(%dma_start3A_32 : memref<128xi32, #tpu.memory_space<hbm>>) target(%arg9 : memref<128xi32, #tpu.memory_space<vmem>>) target_semaphore(%arg23 : memref<!tpu.dma_semaphore, #tpu.memory_space<semaphore_mem>>)
    %dma_start3A_33 = arith.constant 1 : i32
    %dma_start3A_34 = arith.constant 0 : i32
    %dma_start3A_35 = tpu.memref_slice %arg7[%dma_start3A_33, %dma_start3A_34] : memref<162x128xi32, #tpu.memory_space<vmem>> -> memref<1x128xi32, #tpu.memory_space<vmem>>
    %dma_start3A_36 = tpu.memref_squeeze %dma_start3A_35 : memref<1x128xi32, #tpu.memory_space<vmem>> -> memref<128xi32, #tpu.memory_space<vmem>>
    %dma_start3A_37 = arith.constant 0 : i32
    %dma_start3A_38 = arith.constant 0 : i32
    %dma_start3A_39 = tpu.memref_slice %arg14[%dma_start3A_37, %dma_start3A_38] : memref<10112x64xf32, #tpu.memory_space<vmem_shared>> -> memref<10112x64xf32, #tpu.memory_space<vmem_shared>>
    tpu.enqueue_indirect_dma source(%dma_start3A_39 : memref<10112x64xf32, #tpu.memory_space<vmem_shared>>) target(%arg12 : memref<128x64xf32, #tpu.memory_space<vmem>>) offsets(%dma_start3A_36 : memref<128xi32, #tpu.memory_space<vmem>>) semaphore(%arg17 : memref<!tpu.dma_semaphore, #tpu.memory_space<semaphore_mem>>)
    %dma_wait3A = arith.constant 0 : i32
    %dma_wait3A_40 = arith.constant 0 : i32
    %dma_wait3A_41 = tpu.memref_slice %arg7[%dma_wait3A, %dma_wait3A_40] : memref<162x128xi32, #tpu.memory_space<vmem>> -> memref<1x128xi32, #tpu.memory_space<vmem>>
    %dma_wait3A_42 = tpu.memref_squeeze %dma_wait3A_41 : memref<1x128xi32, #tpu.memory_space<vmem>> -> memref<128xi32, #tpu.memory_space<vmem>>
    %dma_wait3A_43 = arith.constant 0 : i32
    %dma_wait3A_44 = arith.constant 0 : i32
    %dma_wait3A_45 = tpu.memref_slice %arg14[%dma_wait3A_43, %dma_wait3A_44] : memref<10112x64xf32, #tpu.memory_space<vmem_shared>> -> memref<10112x64xf32, #tpu.memory_space<vmem_shared>>
    tpu.wait_indirect_dma semaphore(%arg16 : memref<!tpu.dma_semaphore, #tpu.memory_space<semaphore_mem>>) src(%dma_wait3A_45 : memref<10112x64xf32, #tpu.memory_space<vmem_shared>>) dst(%arg11 : memref<128x64xf32, #tpu.memory_space<vmem>>)
    %add3A_46 = arith.constant 0 : i32
    %add3A_47 = arith.addi %mul3A_10, %add3A_46 : i32
    %dma_wait3A_48 = arith.constant 0 : i32
    %dma_wait3A_49 = tpu.memref_slice %arg3[%add3A_47, %dma_wait3A_48] : memref<2592x128xi32, #tpu.memory_space<hbm>> -> memref<1x128xi32, #tpu.memory_space<hbm>>
    %dma_wait3A_50 = tpu.memref_squeeze %dma_wait3A_49 : memref<1x128xi32, #tpu.memory_space<hbm>> -> memref<128xi32, #tpu.memory_space<hbm>>
    %dma_wait3A_51 = arith.constant 0 : i32
    %dma_wait3A_52 = tpu.memref_slice %arg3[%add3A_47, %dma_wait3A_51] : memref<2592x128xi32, #tpu.memory_space<hbm>> -> memref<1x128xi32, #tpu.memory_space<hbm>>
    %dma_wait3A_53 = tpu.memref_squeeze %dma_wait3A_52 : memref<1x128xi32, #tpu.memory_space<hbm>> -> memref<128xi32, #tpu.memory_space<hbm>>
    tpu.wait_dma2 semaphore(%arg22 : memref<!tpu.dma_semaphore, #tpu.memory_space<semaphore_mem>>) src(%dma_wait3A_53 : memref<128xi32, #tpu.memory_space<hbm>>) dst(%arg8 : memref<128xi32, #tpu.memory_space<vmem>>)
    %dma_start3A_54 = arith.constant 0 : i32
    %dma_start3A_55 = arith.constant 0 : i32
    %dma_start3A_56 = tpu.memref_slice %arg15[%dma_start3A_54, %dma_start3A_55] : memref<10112x64xf32, #tpu.memory_space<vmem_shared>> -> memref<10112x64xf32, #tpu.memory_space<vmem_shared>>
    tpu.enqueue_indirect_dma source(%arg11 : memref<128x64xf32, #tpu.memory_space<vmem>>) target(%dma_start3A_56 : memref<10112x64xf32, #tpu.memory_space<vmem_shared>>) offsets(%arg8 : memref<128xi32, #tpu.memory_space<vmem>>) semaphore(%arg19 : memref<!tpu.dma_semaphore, #tpu.memory_space<semaphore_mem>>) {add = true}
    %add3A_57 = arith.constant 2 : i32
    %add3A_58 = arith.addi %mul3A_10, %add3A_57 : i32
    %dma_start3A_59 = arith.constant 0 : i32
    %dma_start3A_60 = tpu.memref_slice %arg3[%add3A_58, %dma_start3A_59] : memref<2592x128xi32, #tpu.memory_space<hbm>> -> memref<1x128xi32, #tpu.memory_space<hbm>>
    %dma_start3A_61 = tpu.memref_squeeze %dma_start3A_60 : memref<1x128xi32, #tpu.memory_space<hbm>> -> memref<128xi32, #tpu.memory_space<hbm>>
    %dma_start3A_62 = arith.constant 0 : i32
    %dma_start3A_63 = tpu.memref_slice %arg3[%add3A_58, %dma_start3A_62] : memref<2592x128xi32, #tpu.memory_space<hbm>> -> memref<1x128xi32, #tpu.memory_space<hbm>>
    %dma_start3A_64 = tpu.memref_squeeze %dma_start3A_63 : memref<1x128xi32, #tpu.memory_space<hbm>> -> memref<128xi32, #tpu.memory_space<hbm>>
    tpu.enqueue_dma source(%dma_start3A_64 : memref<128xi32, #tpu.memory_space<hbm>>) target(%arg10 : memref<128xi32, #tpu.memory_space<vmem>>) target_semaphore(%arg24 : memref<!tpu.dma_semaphore, #tpu.memory_space<semaphore_mem>>)
    %dma_start3A_65 = arith.constant 2 : i32
    %dma_start3A_66 = arith.constant 0 : i32
    %dma_start3A_67 = tpu.memref_slice %arg7[%dma_start3A_65, %dma_start3A_66] : memref<162x128xi32, #tpu.memory_space<vmem>> -> memref<1x128xi32, #tpu.memory_space<vmem>>
    %dma_start3A_68 = tpu.memref_squeeze %dma_start3A_67 : memref<1x128xi32, #tpu.memory_space<vmem>> -> memref<128xi32, #tpu.memory_space<vmem>>
    %dma_start3A_69 = arith.constant 0 : i32
    %dma_start3A_70 = arith.constant 0 : i32
    %dma_start3A_71 = tpu.memref_slice %arg14[%dma_start3A_69, %dma_start3A_70] : memref<10112x64xf32, #tpu.memory_space<vmem_shared>> -> memref<10112x64xf32, #tpu.memory_space<vmem_shared>>
    tpu.enqueue_indirect_dma source(%dma_start3A_71 : memref<10112x64xf32, #tpu.memory_space<vmem_shared>>) target(%arg13 : memref<128x64xf32, #tpu.memory_space<vmem>>) offsets(%dma_start3A_68 : memref<128xi32, #tpu.memory_space<vmem>>) semaphore(%arg18 : memref<!tpu.dma_semaphore, #tpu.memory_space<semaphore_mem>>)
    %dma_wait3A_72 = arith.constant 1 : i32
    %dma_wait3A_73 = arith.constant 0 : i32
    %dma_wait3A_74 = tpu.memref_slice %arg7[%dma_wait3A_72, %dma_wait3A_73] : memref<162x128xi32, #tpu.memory_space<vmem>> -> memref<1x128xi32, #tpu.memory_space<vmem>>
    %dma_wait3A_75 = tpu.memref_squeeze %dma_wait3A_74 : memref<1x128xi32, #tpu.memory_space<vmem>> -> memref<128xi32, #tpu.memory_space<vmem>>
    %dma_wait3A_76 = arith.constant 0 : i32
    %dma_wait3A_77 = arith.constant 0 : i32
    %dma_wait3A_78 = tpu.memref_slice %arg14[%dma_wait3A_76, %dma_wait3A_77] : memref<10112x64xf32, #tpu.memory_space<vmem_shared>> -> memref<10112x64xf32, #tpu.memory_space<vmem_shared>>
    tpu.wait_indirect_dma semaphore(%arg17 : memref<!tpu.dma_semaphore, #tpu.memory_space<semaphore_mem>>) src(%dma_wait3A_78 : memref<10112x64xf32, #tpu.memory_space<vmem_shared>>) dst(%arg12 : memref<128x64xf32, #tpu.memory_space<vmem>>)
    %add3A_79 = arith.constant 1 : i32
    %add3A_80 = arith.addi %mul3A_10, %add3A_79 : i32
    %dma_wait3A_81 = arith.constant 0 : i32
    %dma_wait3A_82 = tpu.memref_slice %arg3[%add3A_80, %dma_wait3A_81] : memref<2592x128xi32, #tpu.memory_space<hbm>> -> memref<1x128xi32, #tpu.memory_space<hbm>>
    %dma_wait3A_83 = tpu.memref_squeeze %dma_wait3A_82 : memref<1x128xi32, #tpu.memory_space<hbm>> -> memref<128xi32, #tpu.memory_space<hbm>>
    %dma_wait3A_84 = arith.constant 0 : i32
    %dma_wait3A_85 = tpu.memref_slice %arg3[%add3A_80, %dma_wait3A_84] : memref<2592x128xi32, #tpu.memory_space<hbm>> -> memref<1x128xi32, #tpu.memory_space<hbm>>
    %dma_wait3A_86 = tpu.memref_squeeze %dma_wait3A_85 : memref<1x128xi32, #tpu.memory_space<hbm>> -> memref<128xi32, #tpu.memory_space<hbm>>
    tpu.wait_dma2 semaphore(%arg23 : memref<!tpu.dma_semaphore, #tpu.memory_space<semaphore_mem>>) src(%dma_wait3A_86 : memref<128xi32, #tpu.memory_space<hbm>>) dst(%arg9 : memref<128xi32, #tpu.memory_space<vmem>>)
    %dma_start3A_87 = arith.constant 0 : i32
    %dma_start3A_88 = arith.constant 0 : i32
    %dma_start3A_89 = tpu.memref_slice %arg15[%dma_start3A_87, %dma_start3A_88] : memref<10112x64xf32, #tpu.memory_space<vmem_shared>> -> memref<10112x64xf32, #tpu.memory_space<vmem_shared>>
    tpu.enqueue_indirect_dma source(%arg12 : memref<128x64xf32, #tpu.memory_space<vmem>>) target(%dma_start3A_89 : memref<10112x64xf32, #tpu.memory_space<vmem_shared>>) offsets(%arg9 : memref<128xi32, #tpu.memory_space<vmem>>) semaphore(%arg20 : memref<!tpu.dma_semaphore, #tpu.memory_space<semaphore_mem>>) {add = true}
    %dma_wait3A_90 = arith.constant 0 : i32
    %dma_wait3A_91 = arith.constant 0 : i32
    %dma_wait3A_92 = tpu.memref_slice %arg15[%dma_wait3A_90, %dma_wait3A_91] : memref<10112x64xf32, #tpu.memory_space<vmem_shared>> -> memref<10112x64xf32, #tpu.memory_space<vmem_shared>>
    tpu.wait_indirect_dma semaphore(%arg19 : memref<!tpu.dma_semaphore, #tpu.memory_space<semaphore_mem>>) src(%arg11 : memref<128x64xf32, #tpu.memory_space<vmem>>) dst(%dma_wait3A_92 : memref<10112x64xf32, #tpu.memory_space<vmem_shared>>)
    %add3A_93 = arith.constant 3 : i32
    %add3A_94 = arith.addi %mul3A_10, %add3A_93 : i32
    %dma_start3A_95 = arith.constant 0 : i32
    %dma_start3A_96 = tpu.memref_slice %arg3[%add3A_94, %dma_start3A_95] : memref<2592x128xi32, #tpu.memory_space<hbm>> -> memref<1x128xi32, #tpu.memory_space<hbm>>
    %dma_start3A_97 = tpu.memref_squeeze %dma_start3A_96 : memref<1x128xi32, #tpu.memory_space<hbm>> -> memref<128xi32, #tpu.memory_space<hbm>>
    %dma_start3A_98 = arith.constant 0 : i32
    %dma_start3A_99 = tpu.memref_slice %arg3[%add3A_94, %dma_start3A_98] : memref<2592x128xi32, #tpu.memory_space<hbm>> -> memref<1x128xi32, #tpu.memory_space<hbm>>
    %dma_start3A_100 = tpu.memref_squeeze %dma_start3A_99 : memref<1x128xi32, #tpu.memory_space<hbm>> -> memref<128xi32, #tpu.memory_space<hbm>>
    tpu.enqueue_dma source(%dma_start3A_100 : memref<128xi32, #tpu.memory_space<hbm>>) target(%arg8 : memref<128xi32, #tpu.memory_space<vmem>>) target_semaphore(%arg22 : memref<!tpu.dma_semaphore, #tpu.memory_space<semaphore_mem>>)
    %dma_start3A_101 = arith.constant 3 : i32
    %dma_start3A_102 = arith.constant 0 : i32
    %dma_start3A_103 = tpu.memref_slice %arg7[%dma_start3A_101, %dma_start3A_102] : memref<162x128xi32, #tpu.memory_space<vmem>> -> memref<1x128xi32, #tpu.memory_space<vmem>>
    %dma_start3A_104 = tpu.memref_squeeze %dma_start3A_103 : memref<1x128xi32, #tpu.memory_space<vmem>> -> memref<128xi32, #tpu.memory_space<vmem>>
    %dma_start3A_105 = arith.constant 0 : i32
    %dma_start3A_106 = arith.constant 0 : i32
    %dma_start3A_107 = tpu.memref_slice %arg14[%dma_start3A_105, %dma_start3A_106] : memref<10112x64xf32, #tpu.memory_space<vmem_shared>> -> memref<10112x64xf32, #tpu.memory_space<vmem_shared>>
    tpu.enqueue_indirect_dma source(%dma_start3A_107 : memref<10112x64xf32, #tpu.memory_space<vmem_shared>>) target(%arg11 : memref<128x64xf32, #tpu.memory_space<vmem>>) offsets(%dma_start3A_104 : memref<128xi32, #tpu.memory_space<vmem>>) semaphore(%arg16 : memref<!tpu.dma_semaphore, #tpu.memory_space<semaphore_mem>>)
    %dma_wait3A_108 = arith.constant 2 : i32
    %dma_wait3A_109 = arith.constant 0 : i32
    %dma_wait3A_110 = tpu.memref_slice %arg7[%dma_wait3A_108, %dma_wait3A_109] : memref<162x128xi32, #tpu.memory_space<vmem>> -> memref<1x128xi32, #tpu.memory_space<vmem>>
    %dma_wait3A_111 = tpu.memref_squeeze %dma_wait3A_110 : memref<1x128xi32, #tpu.memory_space<vmem>> -> memref<128xi32, #tpu.memory_space<vmem>>
    %dma_wait3A_112 = arith.constant 0 : i32
    %dma_wait3A_113 = arith.constant 0 : i32
    %dma_wait3A_114 = tpu.memref_slice %arg14[%dma_wait3A_112, %dma_wait3A_113] : memref<10112x64xf32, #tpu.memory_space<vmem_shared>> -> memref<10112x64xf32, #tpu.memory_space<vmem_shared>>
    tpu.wait_indirect_dma semaphore(%arg18 : memref<!tpu.dma_semaphore, #tpu.memory_space<semaphore_mem>>) src(%dma_wait3A_114 : memref<10112x64xf32, #tpu.memory_space<vmem_shared>>) dst(%arg13 : memref<128x64xf32, #tpu.memory_space<vmem>>)
    %add3A_115 = arith.constant 2 : i32
    %add3A_116 = arith.addi %mul3A_10, %add3A_115 : i32
    %dma_wait3A_117 = arith.constant 0 : i32
    %dma_wait3A_118 = tpu.memref_slice %arg3[%add3A_116, %dma_wait3A_117] : memref<2592x128xi32, #tpu.memory_space<hbm>> -> memref<1x128xi32, #tpu.memory_space<hbm>>
    %dma_wait3A_119 = tpu.memref_squeeze %dma_wait3A_118 : memref<1x128xi32, #tpu.memory_space<hbm>> -> memref<128xi32, #tpu.memory_space<hbm>>
    %dma_wait3A_120 = arith.constant 0 : i32
    %dma_wait3A_121 = tpu.memref_slice %arg3[%add3A_116, %dma_wait3A_120] : memref<2592x128xi32, #tpu.memory_space<hbm>> -> memref<1x128xi32, #tpu.memory_space<hbm>>
    %dma_wait3A_122 = tpu.memref_squeeze %dma_wait3A_121 : memref<1x128xi32, #tpu.memory_space<hbm>> -> memref<128xi32, #tpu.memory_space<hbm>>
    tpu.wait_dma2 semaphore(%arg24 : memref<!tpu.dma_semaphore, #tpu.memory_space<semaphore_mem>>) src(%dma_wait3A_122 : memref<128xi32, #tpu.memory_space<hbm>>) dst(%arg10 : memref<128xi32, #tpu.memory_space<vmem>>)
    %dma_start3A_123 = arith.constant 0 : i32
    %dma_start3A_124 = arith.constant 0 : i32
    %dma_start3A_125 = tpu.memref_slice %arg15[%dma_start3A_123, %dma_start3A_124] : memref<10112x64xf32, #tpu.memory_space<vmem_shared>> -> memref<10112x64xf32, #tpu.memory_space<vmem_shared>>
    tpu.enqueue_indirect_dma source(%arg13 : memref<128x64xf32, #tpu.memory_space<vmem>>) target(%dma_start3A_125 : memref<10112x64xf32, #tpu.memory_space<vmem_shared>>) offsets(%arg10 : memref<128xi32, #tpu.memory_space<vmem>>) semaphore(%arg21 : memref<!tpu.dma_semaphore, #tpu.memory_space<semaphore_mem>>) {add = true}
    %dma_wait3A_126 = arith.constant 0 : i32
    %dma_wait3A_127 = arith.constant 0 : i32
    %dma_wait3A_128 = tpu.memref_slice %arg15[%dma_wait3A_126, %dma_wait3A_127] : memref<10112x64xf32, #tpu.memory_space<vmem_shared>> -> memref<10112x64xf32, #tpu.memory_space<vmem_shared>>
    tpu.wait_indirect_dma semaphore(%arg20 : memref<!tpu.dma_semaphore, #tpu.memory_space<semaphore_mem>>) src(%arg12 : memref<128x64xf32, #tpu.memory_space<vmem>>) dst(%dma_wait3A_128 : memref<10112x64xf32, #tpu.memory_space<vmem_shared>>)
    %add3A_129 = arith.constant 4 : i32
    %add3A_130 = arith.addi %mul3A_10, %add3A_129 : i32
    %dma_start3A_131 = arith.constant 0 : i32
    %dma_start3A_132 = tpu.memref_slice %arg3[%add3A_130, %dma_start3A_131] : memref<2592x128xi32, #tpu.memory_space<hbm>> -> memref<1x128xi32, #tpu.memory_space<hbm>>
    %dma_start3A_133 = tpu.memref_squeeze %dma_start3A_132 : memref<1x128xi32, #tpu.memory_space<hbm>> -> memref<128xi32, #tpu.memory_space<hbm>>
    %dma_start3A_134 = arith.constant 0 : i32
    %dma_start3A_135 = tpu.memref_slice %arg3[%add3A_130, %dma_start3A_134] : memref<2592x128xi32, #tpu.memory_space<hbm>> -> memref<1x128xi32, #tpu.memory_space<hbm>>
    %dma_start3A_136 = tpu.memref_squeeze %dma_start3A_135 : memref<1x128xi32, #tpu.memory_space<hbm>> -> memref<128xi32, #tpu.memory_space<hbm>>
    tpu.enqueue_dma source(%dma_start3A_136 : memref<128xi32, #tpu.memory_space<hbm>>) target(%arg9 : memref<128xi32, #tpu.memory_space<vmem>>) target_semaphore(%arg23 : memref<!tpu.dma_semaphore, #tpu.memory_space<semaphore_mem>>)
    %dma_start3A_137 = arith.constant 4 : i32
    %dma_start3A_138 = arith.constant 0 : i32
    %dma_start3A_139 = tpu.memref_slice %arg7[%dma_start3A_137, %dma_start3A_138] : memref<162x128xi32, #tpu.memory_space<vmem>> -> memref<1x128xi32, #tpu.memory_space<vmem>>
    %dma_start3A_140 = tpu.memref_squeeze %dma_start3A_139 : memref<1x128xi32, #tpu.memory_space<vmem>> -> memref<128xi32, #tpu.memory_space<vmem>>
    %dma_start3A_141 = arith.constant 0 : i32
    %dma_start3A_142 = arith.constant 0 : i32
    %dma_start3A_143 = tpu.memref_slice %arg14[%dma_start3A_141, %dma_start3A_142] : memref<10112x64xf32, #tpu.memory_space<vmem_shared>> -> memref<10112x64xf32, #tpu.memory_space<vmem_shared>>
    tpu.enqueue_indirect_dma source(%dma_start3A_143 : memref<10112x64xf32, #tpu.memory_space<vmem_shared>>) target(%arg12 : memref<128x64xf32, #tpu.memory_space<vmem>>) offsets(%dma_start3A_140 : memref<128xi32, #tpu.memory_space<vmem>>) semaphore(%arg17 : memref<!tpu.dma_semaphore, #tpu.memory_space<semaphore_mem>>)
    %scan3A = arith.constant 0 : i32
    %scan3A_144 = arith.constant 1 : i32
    %scan3A_145 = arith.constant 52 : i32
    %scan3A_146 = arith.addi %scan3A_144, %scan3A_145 : i32
    %scan3A_147 = arith.constant 1 : i32
    scf.for %scan3A_238 = %scan3A_144 to %scan3A_146 step %scan3A_147  : i32 {
      %mul3A_239 = arith.constant 3 : i32
      %mul3A_240 = arith.muli %scan3A_238, %mul3A_239 : i32
      %add3A_241 = arith.constant 0 : i32
      %add3A_242 = arith.addi %mul3A_240, %add3A_241 : i32
      %dma_wait3A_243 = arith.constant 0 : i32
      %dma_wait3A_244 = tpu.memref_slice %arg7[%add3A_242, %dma_wait3A_243] : memref<162x128xi32, #tpu.memory_space<vmem>> -> memref<1x128xi32, #tpu.memory_space<vmem>>
      %dma_wait3A_245 = tpu.memref_squeeze %dma_wait3A_244 : memref<1x128xi32, #tpu.memory_space<vmem>> -> memref<128xi32, #tpu.memory_space<vmem>>
      %dma_wait3A_246 = arith.constant 0 : i32
      %dma_wait3A_247 = arith.constant 0 : i32
      %dma_wait3A_248 = tpu.memref_slice %arg14[%dma_wait3A_246, %dma_wait3A_247] : memref<10112x64xf32, #tpu.memory_space<vmem_shared>> -> memref<10112x64xf32, #tpu.memory_space<vmem_shared>>
      tpu.wait_indirect_dma semaphore(%arg16 : memref<!tpu.dma_semaphore, #tpu.memory_space<semaphore_mem>>) src(%dma_wait3A_248 : memref<10112x64xf32, #tpu.memory_space<vmem_shared>>) dst(%arg11 : memref<128x64xf32, #tpu.memory_space<vmem>>)
      %add3A_249 = arith.addi %mul3A_10, %add3A_242 : i32
      %dma_wait3A_250 = arith.constant 0 : i32
      %dma_wait3A_251 = tpu.memref_slice %arg3[%add3A_249, %dma_wait3A_250] : memref<2592x128xi32, #tpu.memory_space<hbm>> -> memref<1x128xi32, #tpu.memory_space<hbm>>
      %dma_wait3A_252 = tpu.memref_squeeze %dma_wait3A_251 : memref<1x128xi32, #tpu.memory_space<hbm>> -> memref<128xi32, #tpu.memory_space<hbm>>
      %dma_wait3A_253 = arith.constant 0 : i32
      %dma_wait3A_254 = tpu.memref_slice %arg3[%add3A_249, %dma_wait3A_253] : memref<2592x128xi32, #tpu.memory_space<hbm>> -> memref<1x128xi32, #tpu.memory_space<hbm>>
      %dma_wait3A_255 = tpu.memref_squeeze %dma_wait3A_254 : memref<1x128xi32, #tpu.memory_space<hbm>> -> memref<128xi32, #tpu.memory_space<hbm>>
      tpu.wait_dma2 semaphore(%arg22 : memref<!tpu.dma_semaphore, #tpu.memory_space<semaphore_mem>>) src(%dma_wait3A_255 : memref<128xi32, #tpu.memory_space<hbm>>) dst(%arg8 : memref<128xi32, #tpu.memory_space<vmem>>)
      %dma_start3A_256 = arith.constant 0 : i32
      %dma_start3A_257 = arith.constant 0 : i32
      %dma_start3A_258 = tpu.memref_slice %arg15[%dma_start3A_256, %dma_start3A_257] : memref<10112x64xf32, #tpu.memory_space<vmem_shared>> -> memref<10112x64xf32, #tpu.memory_space<vmem_shared>>
      tpu.enqueue_indirect_dma source(%arg11 : memref<128x64xf32, #tpu.memory_space<vmem>>) target(%dma_start3A_258 : memref<10112x64xf32, #tpu.memory_space<vmem_shared>>) offsets(%arg8 : memref<128xi32, #tpu.memory_space<vmem>>) semaphore(%arg19 : memref<!tpu.dma_semaphore, #tpu.memory_space<semaphore_mem>>) {add = true}
      %sub3A = arith.constant 1 : i32
      %sub3A_259 = arith.subi %add3A_242, %sub3A : i32
      %dma_wait3A_260 = arith.constant 0 : i32
      %dma_wait3A_261 = arith.constant 0 : i32
      %dma_wait3A_262 = tpu.memref_slice %arg15[%dma_wait3A_260, %dma_wait3A_261] : memref<10112x64xf32, #tpu.memory_space<vmem_shared>> -> memref<10112x64xf32, #tpu.memory_space<vmem_shared>>
      tpu.wait_indirect_dma semaphore(%arg21 : memref<!tpu.dma_semaphore, #tpu.memory_space<semaphore_mem>>) src(%arg13 : memref<128x64xf32, #tpu.memory_space<vmem>>) dst(%dma_wait3A_262 : memref<10112x64xf32, #tpu.memory_space<vmem_shared>>)
      %add3A_263 = arith.constant 2 : i32
      %add3A_264 = arith.addi %add3A_242, %add3A_263 : i32
      %add3A_265 = arith.addi %mul3A_10, %add3A_264 : i32
      %dma_start3A_266 = arith.constant 0 : i32
      %dma_start3A_267 = tpu.memref_slice %arg3[%add3A_265, %dma_start3A_266] : memref<2592x128xi32, #tpu.memory_space<hbm>> -> memref<1x128xi32, #tpu.memory_space<hbm>>
      %dma_start3A_268 = tpu.memref_squeeze %dma_start3A_267 : memref<1x128xi32, #tpu.memory_space<hbm>> -> memref<128xi32, #tpu.memory_space<hbm>>
      %dma_start3A_269 = arith.constant 0 : i32
      %dma_start3A_270 = tpu.memref_slice %arg3[%add3A_265, %dma_start3A_269] : memref<2592x128xi32, #tpu.memory_space<hbm>> -> memref<1x128xi32, #tpu.memory_space<hbm>>
      %dma_start3A_271 = tpu.memref_squeeze %dma_start3A_270 : memref<1x128xi32, #tpu.memory_space<hbm>> -> memref<128xi32, #tpu.memory_space<hbm>>
      tpu.enqueue_dma source(%dma_start3A_271 : memref<128xi32, #tpu.memory_space<hbm>>) target(%arg10 : memref<128xi32, #tpu.memory_space<vmem>>) target_semaphore(%arg24 : memref<!tpu.dma_semaphore, #tpu.memory_space<semaphore_mem>>)
      %add3A_272 = arith.constant 2 : i32
      %add3A_273 = arith.addi %add3A_242, %add3A_272 : i32
      %dma_start3A_274 = arith.constant 0 : i32
      %dma_start3A_275 = tpu.memref_slice %arg7[%add3A_273, %dma_start3A_274] : memref<162x128xi32, #tpu.memory_space<vmem>> -> memref<1x128xi32, #tpu.memory_space<vmem>>
      %dma_start3A_276 = tpu.memref_squeeze %dma_start3A_275 : memref<1x128xi32, #tpu.memory_space<vmem>> -> memref<128xi32, #tpu.memory_space<vmem>>
      %dma_start3A_277 = arith.constant 0 : i32
      %dma_start3A_278 = arith.constant 0 : i32
      %dma_start3A_279 = tpu.memref_slice %arg14[%dma_start3A_277, %dma_start3A_278] : memref<10112x64xf32, #tpu.memory_space<vmem_shared>> -> memref<10112x64xf32, #tpu.memory_space<vmem_shared>>
      tpu.enqueue_indirect_dma source(%dma_start3A_279 : memref<10112x64xf32, #tpu.memory_space<vmem_shared>>) target(%arg13 : memref<128x64xf32, #tpu.memory_space<vmem>>) offsets(%dma_start3A_276 : memref<128xi32, #tpu.memory_space<vmem>>) semaphore(%arg18 : memref<!tpu.dma_semaphore, #tpu.memory_space<semaphore_mem>>)
      %mul3A_280 = arith.constant 3 : i32
      %mul3A_281 = arith.muli %scan3A_238, %mul3A_280 : i32
      %add3A_282 = arith.constant 1 : i32
      %add3A_283 = arith.addi %mul3A_281, %add3A_282 : i32
      %dma_wait3A_284 = arith.constant 0 : i32
      %dma_wait3A_285 = tpu.memref_slice %arg7[%add3A_283, %dma_wait3A_284] : memref<162x128xi32, #tpu.memory_space<vmem>> -> memref<1x128xi32, #tpu.memory_space<vmem>>
      %dma_wait3A_286 = tpu.memref_squeeze %dma_wait3A_285 : memref<1x128xi32, #tpu.memory_space<vmem>> -> memref<128xi32, #tpu.memory_space<vmem>>
      %dma_wait3A_287 = arith.constant 0 : i32
      %dma_wait3A_288 = arith.constant 0 : i32
      %dma_wait3A_289 = tpu.memref_slice %arg14[%dma_wait3A_287, %dma_wait3A_288] : memref<10112x64xf32, #tpu.memory_space<vmem_shared>> -> memref<10112x64xf32, #tpu.memory_space<vmem_shared>>
      tpu.wait_indirect_dma semaphore(%arg17 : memref<!tpu.dma_semaphore, #tpu.memory_space<semaphore_mem>>) src(%dma_wait3A_289 : memref<10112x64xf32, #tpu.memory_space<vmem_shared>>) dst(%arg12 : memref<128x64xf32, #tpu.memory_space<vmem>>)
      %add3A_290 = arith.addi %mul3A_10, %add3A_283 : i32
      %dma_wait3A_291 = arith.constant 0 : i32
      %dma_wait3A_292 = tpu.memref_slice %arg3[%add3A_290, %dma_wait3A_291] : memref<2592x128xi32, #tpu.memory_space<hbm>> -> memref<1x128xi32, #tpu.memory_space<hbm>>
      %dma_wait3A_293 = tpu.memref_squeeze %dma_wait3A_292 : memref<1x128xi32, #tpu.memory_space<hbm>> -> memref<128xi32, #tpu.memory_space<hbm>>
      %dma_wait3A_294 = arith.constant 0 : i32
      %dma_wait3A_295 = tpu.memref_slice %arg3[%add3A_290, %dma_wait3A_294] : memref<2592x128xi32, #tpu.memory_space<hbm>> -> memref<1x128xi32, #tpu.memory_space<hbm>>
      %dma_wait3A_296 = tpu.memref_squeeze %dma_wait3A_295 : memref<1x128xi32, #tpu.memory_space<hbm>> -> memref<128xi32, #tpu.memory_space<hbm>>
      tpu.wait_dma2 semaphore(%arg23 : memref<!tpu.dma_semaphore, #tpu.memory_space<semaphore_mem>>) src(%dma_wait3A_296 : memref<128xi32, #tpu.memory_space<hbm>>) dst(%arg9 : memref<128xi32, #tpu.memory_space<vmem>>)
      %dma_start3A_297 = arith.constant 0 : i32
      %dma_start3A_298 = arith.constant 0 : i32
      %dma_start3A_299 = tpu.memref_slice %arg15[%dma_start3A_297, %dma_start3A_298] : memref<10112x64xf32, #tpu.memory_space<vmem_shared>> -> memref<10112x64xf32, #tpu.memory_space<vmem_shared>>
      tpu.enqueue_indirect_dma source(%arg12 : memref<128x64xf32, #tpu.memory_space<vmem>>) target(%dma_start3A_299 : memref<10112x64xf32, #tpu.memory_space<vmem_shared>>) offsets(%arg9 : memref<128xi32, #tpu.memory_space<vmem>>) semaphore(%arg20 : memref<!tpu.dma_semaphore, #tpu.memory_space<semaphore_mem>>) {add = true}
      %sub3A_300 = arith.constant 1 : i32
      %sub3A_301 = arith.subi %add3A_283, %sub3A_300 : i32
      %dma_wait3A_302 = arith.constant 0 : i32
      %dma_wait3A_303 = arith.constant 0 : i32
      %dma_wait3A_304 = tpu.memref_slice %arg15[%dma_wait3A_302, %dma_wait3A_303] : memref<10112x64xf32, #tpu.memory_space<vmem_shared>> -> memref<10112x64xf32, #tpu.memory_space<vmem_shared>>
      tpu.wait_indirect_dma semaphore(%arg19 : memref<!tpu.dma_semaphore, #tpu.memory_space<semaphore_mem>>) src(%arg11 : memref<128x64xf32, #tpu.memory_space<vmem>>) dst(%dma_wait3A_304 : memref<10112x64xf32, #tpu.memory_space<vmem_shared>>)
      %add3A_305 = arith.constant 2 : i32
      %add3A_306 = arith.addi %add3A_283, %add3A_305 : i32
      %add3A_307 = arith.addi %mul3A_10, %add3A_306 : i32
      %dma_start3A_308 = arith.constant 0 : i32
      %dma_start3A_309 = tpu.memref_slice %arg3[%add3A_307, %dma_start3A_308] : memref<2592x128xi32, #tpu.memory_space<hbm>> -> memref<1x128xi32, #tpu.memory_space<hbm>>
      %dma_start3A_310 = tpu.memref_squeeze %dma_start3A_309 : memref<1x128xi32, #tpu.memory_space<hbm>> -> memref<128xi32, #tpu.memory_space<hbm>>
      %dma_start3A_311 = arith.constant 0 : i32
      %dma_start3A_312 = tpu.memref_slice %arg3[%add3A_307, %dma_start3A_311] : memref<2592x128xi32, #tpu.memory_space<hbm>> -> memref<1x128xi32, #tpu.memory_space<hbm>>
      %dma_start3A_313 = tpu.memref_squeeze %dma_start3A_312 : memref<1x128xi32, #tpu.memory_space<hbm>> -> memref<128xi32, #tpu.memory_space<hbm>>
      tpu.enqueue_dma source(%dma_start3A_313 : memref<128xi32, #tpu.memory_space<hbm>>) target(%arg8 : memref<128xi32, #tpu.memory_space<vmem>>) target_semaphore(%arg22 : memref<!tpu.dma_semaphore, #tpu.memory_space<semaphore_mem>>)
      %add3A_314 = arith.constant 2 : i32
      %add3A_315 = arith.addi %add3A_283, %add3A_314 : i32
      %dma_start3A_316 = arith.constant 0 : i32
      %dma_start3A_317 = tpu.memref_slice %arg7[%add3A_315, %dma_start3A_316] : memref<162x128xi32, #tpu.memory_space<vmem>> -> memref<1x128xi32, #tpu.memory_space<vmem>>
      %dma_start3A_318 = tpu.memref_squeeze %dma_start3A_317 : memref<1x128xi32, #tpu.memory_space<vmem>> -> memref<128xi32, #tpu.memory_space<vmem>>
      %dma_start3A_319 = arith.constant 0 : i32
      %dma_start3A_320 = arith.constant 0 : i32
      %dma_start3A_321 = tpu.memref_slice %arg14[%dma_start3A_319, %dma_start3A_320] : memref<10112x64xf32, #tpu.memory_space<vmem_shared>> -> memref<10112x64xf32, #tpu.memory_space<vmem_shared>>
      tpu.enqueue_indirect_dma source(%dma_start3A_321 : memref<10112x64xf32, #tpu.memory_space<vmem_shared>>) target(%arg11 : memref<128x64xf32, #tpu.memory_space<vmem>>) offsets(%dma_start3A_318 : memref<128xi32, #tpu.memory_space<vmem>>) semaphore(%arg16 : memref<!tpu.dma_semaphore, #tpu.memory_space<semaphore_mem>>)
      %mul3A_322 = arith.constant 3 : i32
      %mul3A_323 = arith.muli %scan3A_238, %mul3A_322 : i32
      %add3A_324 = arith.constant 2 : i32
      %add3A_325 = arith.addi %mul3A_323, %add3A_324 : i32
      %dma_wait3A_326 = arith.constant 0 : i32
      %dma_wait3A_327 = tpu.memref_slice %arg7[%add3A_325, %dma_wait3A_326] : memref<162x128xi32, #tpu.memory_space<vmem>> -> memref<1x128xi32, #tpu.memory_space<vmem>>
      %dma_wait3A_328 = tpu.memref_squeeze %dma_wait3A_327 : memref<1x128xi32, #tpu.memory_space<vmem>> -> memref<128xi32, #tpu.memory_space<vmem>>
      %dma_wait3A_329 = arith.constant 0 : i32
      %dma_wait3A_330 = arith.constant 0 : i32
      %dma_wait3A_331 = tpu.memref_slice %arg14[%dma_wait3A_329, %dma_wait3A_330] : memref<10112x64xf32, #tpu.memory_space<vmem_shared>> -> memref<10112x64xf32, #tpu.memory_space<vmem_shared>>
      tpu.wait_indirect_dma semaphore(%arg18 : memref<!tpu.dma_semaphore, #tpu.memory_space<semaphore_mem>>) src(%dma_wait3A_331 : memref<10112x64xf32, #tpu.memory_space<vmem_shared>>) dst(%arg13 : memref<128x64xf32, #tpu.memory_space<vmem>>)
      %add3A_332 = arith.addi %mul3A_10, %add3A_325 : i32
      %dma_wait3A_333 = arith.constant 0 : i32
      %dma_wait3A_334 = tpu.memref_slice %arg3[%add3A_332, %dma_wait3A_333] : memref<2592x128xi32, #tpu.memory_space<hbm>> -> memref<1x128xi32, #tpu.memory_space<hbm>>
      %dma_wait3A_335 = tpu.memref_squeeze %dma_wait3A_334 : memref<1x128xi32, #tpu.memory_space<hbm>> -> memref<128xi32, #tpu.memory_space<hbm>>
      %dma_wait3A_336 = arith.constant 0 : i32
      %dma_wait3A_337 = tpu.memref_slice %arg3[%add3A_332, %dma_wait3A_336] : memref<2592x128xi32, #tpu.memory_space<hbm>> -> memref<1x128xi32, #tpu.memory_space<hbm>>
      %dma_wait3A_338 = tpu.memref_squeeze %dma_wait3A_337 : memref<1x128xi32, #tpu.memory_space<hbm>> -> memref<128xi32, #tpu.memory_space<hbm>>
      tpu.wait_dma2 semaphore(%arg24 : memref<!tpu.dma_semaphore, #tpu.memory_space<semaphore_mem>>) src(%dma_wait3A_338 : memref<128xi32, #tpu.memory_space<hbm>>) dst(%arg10 : memref<128xi32, #tpu.memory_space<vmem>>)
      %dma_start3A_339 = arith.constant 0 : i32
      %dma_start3A_340 = arith.constant 0 : i32
      %dma_start3A_341 = tpu.memref_slice %arg15[%dma_start3A_339, %dma_start3A_340] : memref<10112x64xf32, #tpu.memory_space<vmem_shared>> -> memref<10112x64xf32, #tpu.memory_space<vmem_shared>>
      tpu.enqueue_indirect_dma source(%arg13 : memref<128x64xf32, #tpu.memory_space<vmem>>) target(%dma_start3A_341 : memref<10112x64xf32, #tpu.memory_space<vmem_shared>>) offsets(%arg10 : memref<128xi32, #tpu.memory_space<vmem>>) semaphore(%arg21 : memref<!tpu.dma_semaphore, #tpu.memory_space<semaphore_mem>>) {add = true}
      %sub3A_342 = arith.constant 1 : i32
      %sub3A_343 = arith.subi %add3A_325, %sub3A_342 : i32
      %dma_wait3A_344 = arith.constant 0 : i32
      %dma_wait3A_345 = arith.constant 0 : i32
      %dma_wait3A_346 = tpu.memref_slice %arg15[%dma_wait3A_344, %dma_wait3A_345] : memref<10112x64xf32, #tpu.memory_space<vmem_shared>> -> memref<10112x64xf32, #tpu.memory_space<vmem_shared>>
      tpu.wait_indirect_dma semaphore(%arg20 : memref<!tpu.dma_semaphore, #tpu.memory_space<semaphore_mem>>) src(%arg12 : memref<128x64xf32, #tpu.memory_space<vmem>>) dst(%dma_wait3A_346 : memref<10112x64xf32, #tpu.memory_space<vmem_shared>>)
      %add3A_347 = arith.constant 2 : i32
      %add3A_348 = arith.addi %add3A_325, %add3A_347 : i32
      %add3A_349 = arith.addi %mul3A_10, %add3A_348 : i32
      %dma_start3A_350 = arith.constant 0 : i32
      %dma_start3A_351 = tpu.memref_slice %arg3[%add3A_349, %dma_start3A_350] : memref<2592x128xi32, #tpu.memory_space<hbm>> -> memref<1x128xi32, #tpu.memory_space<hbm>>
      %dma_start3A_352 = tpu.memref_squeeze %dma_start3A_351 : memref<1x128xi32, #tpu.memory_space<hbm>> -> memref<128xi32, #tpu.memory_space<hbm>>
      %dma_start3A_353 = arith.constant 0 : i32
      %dma_start3A_354 = tpu.memref_slice %arg3[%add3A_349, %dma_start3A_353] : memref<2592x128xi32, #tpu.memory_space<hbm>> -> memref<1x128xi32, #tpu.memory_space<hbm>>
      %dma_start3A_355 = tpu.memref_squeeze %dma_start3A_354 : memref<1x128xi32, #tpu.memory_space<hbm>> -> memref<128xi32, #tpu.memory_space<hbm>>
      tpu.enqueue_dma source(%dma_start3A_355 : memref<128xi32, #tpu.memory_space<hbm>>) target(%arg9 : memref<128xi32, #tpu.memory_space<vmem>>) target_semaphore(%arg23 : memref<!tpu.dma_semaphore, #tpu.memory_space<semaphore_mem>>)
      %add3A_356 = arith.constant 2 : i32
      %add3A_357 = arith.addi %add3A_325, %add3A_356 : i32
      %dma_start3A_358 = arith.constant 0 : i32
      %dma_start3A_359 = tpu.memref_slice %arg7[%add3A_357, %dma_start3A_358] : memref<162x128xi32, #tpu.memory_space<vmem>> -> memref<1x128xi32, #tpu.memory_space<vmem>>
      %dma_start3A_360 = tpu.memref_squeeze %dma_start3A_359 : memref<1x128xi32, #tpu.memory_space<vmem>> -> memref<128xi32, #tpu.memory_space<vmem>>
      %dma_start3A_361 = arith.constant 0 : i32
      %dma_start3A_362 = arith.constant 0 : i32
      %dma_start3A_363 = tpu.memref_slice %arg14[%dma_start3A_361, %dma_start3A_362] : memref<10112x64xf32, #tpu.memory_space<vmem_shared>> -> memref<10112x64xf32, #tpu.memory_space<vmem_shared>>
      tpu.enqueue_indirect_dma source(%dma_start3A_363 : memref<10112x64xf32, #tpu.memory_space<vmem_shared>>) target(%arg12 : memref<128x64xf32, #tpu.memory_space<vmem>>) offsets(%dma_start3A_360 : memref<128xi32, #tpu.memory_space<vmem>>) semaphore(%arg17 : memref<!tpu.dma_semaphore, #tpu.memory_space<semaphore_mem>>)
    }
    %scan3A_148 = arith.constant 52 : i32
    %dma_wait3A_149 = arith.constant 159 : i32
    %dma_wait3A_150 = arith.constant 0 : i32
    %dma_wait3A_151 = tpu.memref_slice %arg7[%dma_wait3A_149, %dma_wait3A_150] : memref<162x128xi32, #tpu.memory_space<vmem>> -> memref<1x128xi32, #tpu.memory_space<vmem>>
    %dma_wait3A_152 = tpu.memref_squeeze %dma_wait3A_151 : memref<1x128xi32, #tpu.memory_space<vmem>> -> memref<128xi32, #tpu.memory_space<vmem>>
    %dma_wait3A_153 = arith.constant 0 : i32
    %dma_wait3A_154 = arith.constant 0 : i32
    %dma_wait3A_155 = tpu.memref_slice %arg14[%dma_wait3A_153, %dma_wait3A_154] : memref<10112x64xf32, #tpu.memory_space<vmem_shared>> -> memref<10112x64xf32, #tpu.memory_space<vmem_shared>>
    tpu.wait_indirect_dma semaphore(%arg16 : memref<!tpu.dma_semaphore, #tpu.memory_space<semaphore_mem>>) src(%dma_wait3A_155 : memref<10112x64xf32, #tpu.memory_space<vmem_shared>>) dst(%arg11 : memref<128x64xf32, #tpu.memory_space<vmem>>)
    %add3A_156 = arith.constant 159 : i32
    %add3A_157 = arith.addi %mul3A_10, %add3A_156 : i32
    %dma_wait3A_158 = arith.constant 0 : i32
    %dma_wait3A_159 = tpu.memref_slice %arg3[%add3A_157, %dma_wait3A_158] : memref<2592x128xi32, #tpu.memory_space<hbm>> -> memref<1x128xi32, #tpu.memory_space<hbm>>
    %dma_wait3A_160 = tpu.memref_squeeze %dma_wait3A_159 : memref<1x128xi32, #tpu.memory_space<hbm>> -> memref<128xi32, #tpu.memory_space<hbm>>
    %dma_wait3A_161 = arith.constant 0 : i32
    %dma_wait3A_162 = tpu.memref_slice %arg3[%add3A_157, %dma_wait3A_161] : memref<2592x128xi32, #tpu.memory_space<hbm>> -> memref<1x128xi32, #tpu.memory_space<hbm>>
    %dma_wait3A_163 = tpu.memref_squeeze %dma_wait3A_162 : memref<1x128xi32, #tpu.memory_space<hbm>> -> memref<128xi32, #tpu.memory_space<hbm>>
    tpu.wait_dma2 semaphore(%arg22 : memref<!tpu.dma_semaphore, #tpu.memory_space<semaphore_mem>>) src(%dma_wait3A_163 : memref<128xi32, #tpu.memory_space<hbm>>) dst(%arg8 : memref<128xi32, #tpu.memory_space<vmem>>)
    %dma_start3A_164 = arith.constant 0 : i32
    %dma_start3A_165 = arith.constant 0 : i32
    %dma_start3A_166 = tpu.memref_slice %arg15[%dma_start3A_164, %dma_start3A_165] : memref<10112x64xf32, #tpu.memory_space<vmem_shared>> -> memref<10112x64xf32, #tpu.memory_space<vmem_shared>>
    tpu.enqueue_indirect_dma source(%arg11 : memref<128x64xf32, #tpu.memory_space<vmem>>) target(%dma_start3A_166 : memref<10112x64xf32, #tpu.memory_space<vmem_shared>>) offsets(%arg8 : memref<128xi32, #tpu.memory_space<vmem>>) semaphore(%arg19 : memref<!tpu.dma_semaphore, #tpu.memory_space<semaphore_mem>>) {add = true}
    %dma_wait3A_167 = arith.constant 0 : i32
    %dma_wait3A_168 = arith.constant 0 : i32
    %dma_wait3A_169 = tpu.memref_slice %arg15[%dma_wait3A_167, %dma_wait3A_168] : memref<10112x64xf32, #tpu.memory_space<vmem_shared>> -> memref<10112x64xf32, #tpu.memory_space<vmem_shared>>
    tpu.wait_indirect_dma semaphore(%arg21 : memref<!tpu.dma_semaphore, #tpu.memory_space<semaphore_mem>>) src(%arg13 : memref<128x64xf32, #tpu.memory_space<vmem>>) dst(%dma_wait3A_169 : memref<10112x64xf32, #tpu.memory_space<vmem_shared>>)
    %add3A_170 = arith.constant 161 : i32
    %add3A_171 = arith.addi %mul3A_10, %add3A_170 : i32
    %dma_start3A_172 = arith.constant 0 : i32
    %dma_start3A_173 = tpu.memref_slice %arg3[%add3A_171, %dma_start3A_172] : memref<2592x128xi32, #tpu.memory_space<hbm>> -> memref<1x128xi32, #tpu.memory_space<hbm>>
    %dma_start3A_174 = tpu.memref_squeeze %dma_start3A_173 : memref<1x128xi32, #tpu.memory_space<hbm>> -> memref<128xi32, #tpu.memory_space<hbm>>
    %dma_start3A_175 = arith.constant 0 : i32
    %dma_start3A_176 = tpu.memref_slice %arg3[%add3A_171, %dma_start3A_175] : memref<2592x128xi32, #tpu.memory_space<hbm>> -> memref<1x128xi32, #tpu.memory_space<hbm>>
    %dma_start3A_177 = tpu.memref_squeeze %dma_start3A_176 : memref<1x128xi32, #tpu.memory_space<hbm>> -> memref<128xi32, #tpu.memory_space<hbm>>
    tpu.enqueue_dma source(%dma_start3A_177 : memref<128xi32, #tpu.memory_space<hbm>>) target(%arg10 : memref<128xi32, #tpu.memory_space<vmem>>) target_semaphore(%arg24 : memref<!tpu.dma_semaphore, #tpu.memory_space<semaphore_mem>>)
    %dma_start3A_178 = arith.constant 161 : i32
    %dma_start3A_179 = arith.constant 0 : i32
    %dma_start3A_180 = tpu.memref_slice %arg7[%dma_start3A_178, %dma_start3A_179] : memref<162x128xi32, #tpu.memory_space<vmem>> -> memref<1x128xi32, #tpu.memory_space<vmem>>
    %dma_start3A_181 = tpu.memref_squeeze %dma_start3A_180 : memref<1x128xi32, #tpu.memory_space<vmem>> -> memref<128xi32, #tpu.memory_space<vmem>>
    %dma_start3A_182 = arith.constant 0 : i32
    %dma_start3A_183 = arith.constant 0 : i32
    %dma_start3A_184 = tpu.memref_slice %arg14[%dma_start3A_182, %dma_start3A_183] : memref<10112x64xf32, #tpu.memory_space<vmem_shared>> -> memref<10112x64xf32, #tpu.memory_space<vmem_shared>>
    tpu.enqueue_indirect_dma source(%dma_start3A_184 : memref<10112x64xf32, #tpu.memory_space<vmem_shared>>) target(%arg13 : memref<128x64xf32, #tpu.memory_space<vmem>>) offsets(%dma_start3A_181 : memref<128xi32, #tpu.memory_space<vmem>>) semaphore(%arg18 : memref<!tpu.dma_semaphore, #tpu.memory_space<semaphore_mem>>)
    %dma_wait3A_185 = arith.constant 160 : i32
    %dma_wait3A_186 = arith.constant 0 : i32
    %dma_wait3A_187 = tpu.memref_slice %arg7[%dma_wait3A_185, %dma_wait3A_186] : memref<162x128xi32, #tpu.memory_space<vmem>> -> memref<1x128xi32, #tpu.memory_space<vmem>>
    %dma_wait3A_188 = tpu.memref_squeeze %dma_wait3A_187 : memref<1x128xi32, #tpu.memory_space<vmem>> -> memref<128xi32, #tpu.memory_space<vmem>>
    %dma_wait3A_189 = arith.constant 0 : i32
    %dma_wait3A_190 = arith.constant 0 : i32
    %dma_wait3A_191 = tpu.memref_slice %arg14[%dma_wait3A_189, %dma_wait3A_190] : memref<10112x64xf32, #tpu.memory_space<vmem_shared>> -> memref<10112x64xf32, #tpu.memory_space<vmem_shared>>
    tpu.wait_indirect_dma semaphore(%arg17 : memref<!tpu.dma_semaphore, #tpu.memory_space<semaphore_mem>>) src(%dma_wait3A_191 : memref<10112x64xf32, #tpu.memory_space<vmem_shared>>) dst(%arg12 : memref<128x64xf32, #tpu.memory_space<vmem>>)
    %add3A_192 = arith.constant 160 : i32
    %add3A_193 = arith.addi %mul3A_10, %add3A_192 : i32
    %dma_wait3A_194 = arith.constant 0 : i32
    %dma_wait3A_195 = tpu.memref_slice %arg3[%add3A_193, %dma_wait3A_194] : memref<2592x128xi32, #tpu.memory_space<hbm>> -> memref<1x128xi32, #tpu.memory_space<hbm>>
    %dma_wait3A_196 = tpu.memref_squeeze %dma_wait3A_195 : memref<1x128xi32, #tpu.memory_space<hbm>> -> memref<128xi32, #tpu.memory_space<hbm>>
    %dma_wait3A_197 = arith.constant 0 : i32
    %dma_wait3A_198 = tpu.memref_slice %arg3[%add3A_193, %dma_wait3A_197] : memref<2592x128xi32, #tpu.memory_space<hbm>> -> memref<1x128xi32, #tpu.memory_space<hbm>>
    %dma_wait3A_199 = tpu.memref_squeeze %dma_wait3A_198 : memref<1x128xi32, #tpu.memory_space<hbm>> -> memref<128xi32, #tpu.memory_space<hbm>>
    tpu.wait_dma2 semaphore(%arg23 : memref<!tpu.dma_semaphore, #tpu.memory_space<semaphore_mem>>) src(%dma_wait3A_199 : memref<128xi32, #tpu.memory_space<hbm>>) dst(%arg9 : memref<128xi32, #tpu.memory_space<vmem>>)
    %dma_start3A_200 = arith.constant 0 : i32
    %dma_start3A_201 = arith.constant 0 : i32
    %dma_start3A_202 = tpu.memref_slice %arg15[%dma_start3A_200, %dma_start3A_201] : memref<10112x64xf32, #tpu.memory_space<vmem_shared>> -> memref<10112x64xf32, #tpu.memory_space<vmem_shared>>
    tpu.enqueue_indirect_dma source(%arg12 : memref<128x64xf32, #tpu.memory_space<vmem>>) target(%dma_start3A_202 : memref<10112x64xf32, #tpu.memory_space<vmem_shared>>) offsets(%arg9 : memref<128xi32, #tpu.memory_space<vmem>>) semaphore(%arg20 : memref<!tpu.dma_semaphore, #tpu.memory_space<semaphore_mem>>) {add = true}
    %dma_wait3A_203 = arith.constant 0 : i32
    %dma_wait3A_204 = arith.constant 0 : i32
    %dma_wait3A_205 = tpu.memref_slice %arg15[%dma_wait3A_203, %dma_wait3A_204] : memref<10112x64xf32, #tpu.memory_space<vmem_shared>> -> memref<10112x64xf32, #tpu.memory_space<vmem_shared>>
    tpu.wait_indirect_dma semaphore(%arg19 : memref<!tpu.dma_semaphore, #tpu.memory_space<semaphore_mem>>) src(%arg11 : memref<128x64xf32, #tpu.memory_space<vmem>>) dst(%dma_wait3A_205 : memref<10112x64xf32, #tpu.memory_space<vmem_shared>>)
    %dma_wait3A_206 = arith.constant 161 : i32
    %dma_wait3A_207 = arith.constant 0 : i32
    %dma_wait3A_208 = tpu.memref_slice %arg7[%dma_wait3A_206, %dma_wait3A_207] : memref<162x128xi32, #tpu.memory_space<vmem>> -> memref<1x128xi32, #tpu.memory_space<vmem>>
    %dma_wait3A_209 = tpu.memref_squeeze %dma_wait3A_208 : memref<1x128xi32, #tpu.memory_space<vmem>> -> memref<128xi32, #tpu.memory_space<vmem>>
    %dma_wait3A_210 = arith.constant 0 : i32
    %dma_wait3A_211 = arith.constant 0 : i32
    %dma_wait3A_212 = tpu.memref_slice %arg14[%dma_wait3A_210, %dma_wait3A_211] : memref<10112x64xf32, #tpu.memory_space<vmem_shared>> -> memref<10112x64xf32, #tpu.memory_space<vmem_shared>>
    tpu.wait_indirect_dma semaphore(%arg18 : memref<!tpu.dma_semaphore, #tpu.memory_space<semaphore_mem>>) src(%dma_wait3A_212 : memref<10112x64xf32, #tpu.memory_space<vmem_shared>>) dst(%arg13 : memref<128x64xf32, #tpu.memory_space<vmem>>)
    %add3A_213 = arith.constant 161 : i32
    %add3A_214 = arith.addi %mul3A_10, %add3A_213 : i32
    %dma_wait3A_215 = arith.constant 0 : i32
    %dma_wait3A_216 = tpu.memref_slice %arg3[%add3A_214, %dma_wait3A_215] : memref<2592x128xi32, #tpu.memory_space<hbm>> -> memref<1x128xi32, #tpu.memory_space<hbm>>
    %dma_wait3A_217 = tpu.memref_squeeze %dma_wait3A_216 : memref<1x128xi32, #tpu.memory_space<hbm>> -> memref<128xi32, #tpu.memory_space<hbm>>
    %dma_wait3A_218 = arith.constant 0 : i32
    %dma_wait3A_219 = tpu.memref_slice %arg3[%add3A_214, %dma_wait3A_218] : memref<2592x128xi32, #tpu.memory_space<hbm>> -> memref<1x128xi32, #tpu.memory_space<hbm>>
    %dma_wait3A_220 = tpu.memref_squeeze %dma_wait3A_219 : memref<1x128xi32, #tpu.memory_space<hbm>> -> memref<128xi32, #tpu.memory_space<hbm>>
    tpu.wait_dma2 semaphore(%arg24 : memref<!tpu.dma_semaphore, #tpu.memory_space<semaphore_mem>>) src(%dma_wait3A_220 : memref<128xi32, #tpu.memory_space<hbm>>) dst(%arg10 : memref<128xi32, #tpu.memory_space<vmem>>)
    %dma_start3A_221 = arith.constant 0 : i32
    %dma_start3A_222 = arith.constant 0 : i32
    %dma_start3A_223 = tpu.memref_slice %arg15[%dma_start3A_221, %dma_start3A_222] : memref<10112x64xf32, #tpu.memory_space<vmem_shared>> -> memref<10112x64xf32, #tpu.memory_space<vmem_shared>>
    tpu.enqueue_indirect_dma source(%arg13 : memref<128x64xf32, #tpu.memory_space<vmem>>) target(%dma_start3A_223 : memref<10112x64xf32, #tpu.memory_space<vmem_shared>>) offsets(%arg10 : memref<128xi32, #tpu.memory_space<vmem>>) semaphore(%arg21 : memref<!tpu.dma_semaphore, #tpu.memory_space<semaphore_mem>>) {add = true}
    %dma_wait3A_224 = arith.constant 0 : i32
    %dma_wait3A_225 = arith.constant 0 : i32
    %dma_wait3A_226 = tpu.memref_slice %arg15[%dma_wait3A_224, %dma_wait3A_225] : memref<10112x64xf32, #tpu.memory_space<vmem_shared>> -> memref<10112x64xf32, #tpu.memory_space<vmem_shared>>
    tpu.wait_indirect_dma semaphore(%arg20 : memref<!tpu.dma_semaphore, #tpu.memory_space<semaphore_mem>>) src(%arg12 : memref<128x64xf32, #tpu.memory_space<vmem>>) dst(%dma_wait3A_226 : memref<10112x64xf32, #tpu.memory_space<vmem_shared>>)
    %dma_wait3A_227 = arith.constant 0 : i32
    %dma_wait3A_228 = arith.constant 0 : i32
    %dma_wait3A_229 = tpu.memref_slice %arg15[%dma_wait3A_227, %dma_wait3A_228] : memref<10112x64xf32, #tpu.memory_space<vmem_shared>> -> memref<10112x64xf32, #tpu.memory_space<vmem_shared>>
    tpu.wait_indirect_dma semaphore(%arg21 : memref<!tpu.dma_semaphore, #tpu.memory_space<semaphore_mem>>) src(%arg13 : memref<128x64xf32, #tpu.memory_space<vmem>>) dst(%dma_wait3A_229 : memref<10112x64xf32, #tpu.memory_space<vmem_shared>>)
    %barrier3A_230 = arith.constant 0 : index
    tpu.barrier barrier_id(%barrier3A_230)
    %mul3A_231 = arith.constant 632 : i32
    %mul3A_232 = arith.muli %arg1, %mul3A_231 : i32
    %mul3A_233 = arith.constant 12800 : i32
    %mul3A_234 = arith.muli %arg0, %mul3A_233 : i32
    %mul3A_235 = arith.constant 632 : i32
    %mul3A_236 = arith.muli %arg1, %mul3A_235 : i32
    %add3A_237 = arith.addi %mul3A_234, %mul3A_236 : i32
    "tpu.region"() ({
      %run_scoped3A = tpu.sem_alloc : memref<!tpu.dma_semaphore, #tpu.memory_space<semaphore_mem>>
      %dma_start3A_238 = arith.constant 0 : i32
      %dma_start3A_239 = tpu.memref_slice %arg6[%add3A_237, %dma_start3A_238] : memref<25600x64xf32, #tpu.memory_space<hbm>> -> memref<632x64xf32, #tpu.memory_space<hbm>>
      %dma_start3A_240 = arith.constant 0 : i32
      %dma_start3A_241 = tpu.memref_slice %arg15[%mul3A_232, %dma_start3A_240] : memref<10112x64xf32, #tpu.memory_space<vmem_shared>> -> memref<632x64xf32, #tpu.memory_space<vmem_shared>>
      tpu.enqueue_dma source(%dma_start3A_241 : memref<632x64xf32, #tpu.memory_space<vmem_shared>>) target(%dma_start3A_239 : memref<632x64xf32, #tpu.memory_space<hbm>>) target_semaphore(%run_scoped3A : memref<!tpu.dma_semaphore, #tpu.memory_space<semaphore_mem>>)
      %dma_wait3A_242 = arith.constant 0 : i32
      %dma_wait3A_243 = tpu.memref_slice %arg6[%add3A_237, %dma_wait3A_242] : memref<25600x64xf32, #tpu.memory_space<hbm>> -> memref<632x64xf32, #tpu.memory_space<hbm>>
      %dma_wait3A_244 = arith.constant 0 : i32
      %dma_wait3A_245 = tpu.memref_slice %arg15[%mul3A_232, %dma_wait3A_244] : memref<10112x64xf32, #tpu.memory_space<vmem_shared>> -> memref<632x64xf32, #tpu.memory_space<vmem_shared>>
      tpu.wait_dma2 semaphore(%run_scoped3A : memref<!tpu.dma_semaphore, #tpu.memory_space<semaphore_mem>>) src(%dma_wait3A_245 : memref<632x64xf32, #tpu.memory_space<vmem_shared>>) dst(%dma_wait3A_243 : memref<632x64xf32, #tpu.memory_space<hbm>>)
      tpu.yield
    }) : () -> ()
    return
  }
}

#map = affine_map<(d0, d1) -> (0, 0)>
module attributes {stable_mosaic.version = 14 : i64} {
  func.func @_agg_body(%arg0: i32, %arg1: i32, %arg2: memref<2592x128xi32, #tpu.memory_space<hbm>>, %arg3: memref<2592x128xi32, #tpu.memory_space<hbm>>, %arg4: memref<20224x64xf32, #tpu.memory_space<hbm>>, %arg5: memref<632x64xf32, #tpu.memory_space<hbm>>, %arg6: memref<25600x64xf32, #tpu.memory_space<hbm>>, %arg7: memref<162x128xi32, #tpu.memory_space<vmem>>, %arg8: memref<128xi32, #tpu.memory_space<vmem>>, %arg9: memref<128xi32, #tpu.memory_space<vmem>>, %arg10: memref<128xi32, #tpu.memory_space<vmem>>, %arg11: memref<128x64xf32, #tpu.memory_space<vmem>>, %arg12: memref<128x64xf32, #tpu.memory_space<vmem>>, %arg13: memref<128x64xf32, #tpu.memory_space<vmem>>, %arg14: memref<10112x64xf32, #tpu.memory_space<vmem_shared>>, %arg15: memref<10112x64xf32, #tpu.memory_space<vmem_shared>>, %arg16: memref<!tpu.dma_semaphore, #tpu.memory_space<semaphore_mem>>, %arg17: memref<!tpu.dma_semaphore, #tpu.memory_space<semaphore_mem>>, %arg18: memref<!tpu.dma_semaphore, #tpu.memory_space<semaphore_mem>>, %arg19: memref<!tpu.dma_semaphore, #tpu.memory_space<semaphore_mem>>, %arg20: memref<!tpu.dma_semaphore, #tpu.memory_space<semaphore_mem>>, %arg21: memref<!tpu.dma_semaphore, #tpu.memory_space<semaphore_mem>>, %arg22: memref<!tpu.dma_semaphore, #tpu.memory_space<semaphore_mem>>, %arg23: memref<!tpu.dma_semaphore, #tpu.memory_space<semaphore_mem>>, %arg24: memref<!tpu.dma_semaphore, #tpu.memory_space<semaphore_mem>>) attributes {dimension_semantics = [#tpu.dimension_semantics<core_parallel>, #tpu.dimension_semantics<subcore_parallel>], iteration_bounds = array<i64: 2, 16>, scalar_prefetch = 0 : i64, scratch_operands = 18 : i64, tpu.core_type = #tpu.core_type<sc_vector_subcore>, window_params = [{transform_indices = #map}, {transform_indices = #map}, {transform_indices = #map}, {transform_indices = #map}, {transform_indices = #map}]} {
    %mul3A = arith.constant 632 : i32
    %mul3A_0 = arith.muli %arg1, %mul3A : i32
    "tpu.region"() ({
      %run_scoped3A = tpu.sem_alloc : memref<!tpu.dma_semaphore, #tpu.memory_space<semaphore_mem>>
      %dma_start3A_238 = arith.constant 0 : i32
      %dma_start3A_239 = tpu.memref_slice %arg15[%mul3A_0, %dma_start3A_238] : memref<10112x64xf32, #tpu.memory_space<vmem_shared>> -> memref<632x64xf32, #tpu.memory_space<vmem_shared>>
      tpu.enqueue_dma source(%arg5 : memref<632x64xf32, #tpu.memory_space<hbm>>) target(%dma_start3A_239 : memref<632x64xf32, #tpu.memory_space<vmem_shared>>) target_semaphore(%run_scoped3A : memref<!tpu.dma_semaphore, #tpu.memory_space<semaphore_mem>>)
      %dma_wait3A_240 = arith.constant 0 : i32
      %dma_wait3A_241 = tpu.memref_slice %arg15[%mul3A_0, %dma_wait3A_240] : memref<10112x64xf32, #tpu.memory_space<vmem_shared>> -> memref<632x64xf32, #tpu.memory_space<vmem_shared>>
      tpu.wait_dma2 semaphore(%run_scoped3A : memref<!tpu.dma_semaphore, #tpu.memory_space<semaphore_mem>>) src(%arg5 : memref<632x64xf32, #tpu.memory_space<hbm>>) dst(%dma_wait3A_241 : memref<632x64xf32, #tpu.memory_space<vmem_shared>>)
      tpu.yield
    }) : () -> ()
    %mul3A_1 = arith.constant 10112 : i32
    %mul3A_2 = arith.muli %arg0, %mul3A_1 : i32
    %mul3A_3 = arith.constant 632 : i32
    %mul3A_4 = arith.muli %arg1, %mul3A_3 : i32
    %add3A = arith.addi %mul3A_2, %mul3A_4 : i32
    %mul3A_5 = arith.constant 632 : i32
    %mul3A_6 = arith.muli %arg1, %mul3A_5 : i32
    "tpu.region"() ({
      %run_scoped3A = tpu.sem_alloc : memref<!tpu.dma_semaphore, #tpu.memory_space<semaphore_mem>>
      %dma_start3A_238 = arith.constant 0 : i32
      %dma_start3A_239 = tpu.memref_slice %arg14[%mul3A_6, %dma_start3A_238] : memref<10112x64xf32, #tpu.memory_space<vmem_shared>> -> memref<632x64xf32, #tpu.memory_space<vmem_shared>>
      %dma_start3A_240 = arith.constant 0 : i32
      %dma_start3A_241 = tpu.memref_slice %arg4[%add3A, %dma_start3A_240] : memref<20224x64xf32, #tpu.memory_space<hbm>> -> memref<632x64xf32, #tpu.memory_space<hbm>>
      tpu.enqueue_dma source(%dma_start3A_241 : memref<632x64xf32, #tpu.memory_space<hbm>>) target(%dma_start3A_239 : memref<632x64xf32, #tpu.memory_space<vmem_shared>>) target_semaphore(%run_scoped3A : memref<!tpu.dma_semaphore, #tpu.memory_space<semaphore_mem>>)
      %dma_wait3A_242 = arith.constant 0 : i32
      %dma_wait3A_243 = tpu.memref_slice %arg14[%mul3A_6, %dma_wait3A_242] : memref<10112x64xf32, #tpu.memory_space<vmem_shared>> -> memref<632x64xf32, #tpu.memory_space<vmem_shared>>
      %dma_wait3A_244 = arith.constant 0 : i32
      %dma_wait3A_245 = tpu.memref_slice %arg4[%add3A, %dma_wait3A_244] : memref<20224x64xf32, #tpu.memory_space<hbm>> -> memref<632x64xf32, #tpu.memory_space<hbm>>
      tpu.wait_dma2 semaphore(%run_scoped3A : memref<!tpu.dma_semaphore, #tpu.memory_space<semaphore_mem>>) src(%dma_wait3A_245 : memref<632x64xf32, #tpu.memory_space<hbm>>) dst(%dma_wait3A_243 : memref<632x64xf32, #tpu.memory_space<vmem_shared>>)
      tpu.yield
    }) : () -> ()
    %mul3A_7 = arith.constant 162 : i32
    %mul3A_8 = arith.muli %arg1, %mul3A_7 : i32
    "tpu.region"() ({
      %run_scoped3A = tpu.sem_alloc : memref<!tpu.dma_semaphore, #tpu.memory_space<semaphore_mem>>
      %dma_start3A_238 = arith.constant 0 : i32
      %dma_start3A_239 = tpu.memref_slice %arg2[%mul3A_8, %dma_start3A_238] : memref<2592x128xi32, #tpu.memory_space<hbm>> -> memref<162x128xi32, #tpu.memory_space<hbm>>
      %dma_start3A_240 = arith.constant 0 : i32
      %dma_start3A_241 = tpu.memref_slice %arg2[%mul3A_8, %dma_start3A_240] : memref<2592x128xi32, #tpu.memory_space<hbm>> -> memref<162x128xi32, #tpu.memory_space<hbm>>
      tpu.enqueue_dma source(%dma_start3A_241 : memref<162x128xi32, #tpu.memory_space<hbm>>) target(%arg7 : memref<162x128xi32, #tpu.memory_space<vmem>>) target_semaphore(%run_scoped3A : memref<!tpu.dma_semaphore, #tpu.memory_space<semaphore_mem>>)
      %dma_wait3A_242 = arith.constant 0 : i32
      %dma_wait3A_243 = tpu.memref_slice %arg2[%mul3A_8, %dma_wait3A_242] : memref<2592x128xi32, #tpu.memory_space<hbm>> -> memref<162x128xi32, #tpu.memory_space<hbm>>
      %dma_wait3A_244 = arith.constant 0 : i32
      %dma_wait3A_245 = tpu.memref_slice %arg2[%mul3A_8, %dma_wait3A_244] : memref<2592x128xi32, #tpu.memory_space<hbm>> -> memref<162x128xi32, #tpu.memory_space<hbm>>
      tpu.wait_dma2 semaphore(%run_scoped3A : memref<!tpu.dma_semaphore, #tpu.memory_space<semaphore_mem>>) src(%dma_wait3A_245 : memref<162x128xi32, #tpu.memory_space<hbm>>) dst(%arg7 : memref<162x128xi32, #tpu.memory_space<vmem>>)
      tpu.yield
    }) : () -> ()
    %barrier3A = arith.constant 0 : index
    tpu.barrier barrier_id(%barrier3A)
    %mul3A_9 = arith.constant 162 : i32
    %mul3A_10 = arith.muli %arg1, %mul3A_9 : i32
    %add3A_11 = arith.constant 0 : i32
    %add3A_12 = arith.addi %mul3A_10, %add3A_11 : i32
    %dma_start3A = arith.constant 0 : i32
    %dma_start3A_13 = tpu.memref_slice %arg3[%add3A_12, %dma_start3A] : memref<2592x128xi32, #tpu.memory_space<hbm>> -> memref<1x128xi32, #tpu.memory_space<hbm>>
    %dma_start3A_14 = tpu.memref_squeeze %dma_start3A_13 : memref<1x128xi32, #tpu.memory_space<hbm>> -> memref<128xi32, #tpu.memory_space<hbm>>
    %dma_start3A_15 = arith.constant 0 : i32
    %dma_start3A_16 = tpu.memref_slice %arg3[%add3A_12, %dma_start3A_15] : memref<2592x128xi32, #tpu.memory_space<hbm>> -> memref<1x128xi32, #tpu.memory_space<hbm>>
    %dma_start3A_17 = tpu.memref_squeeze %dma_start3A_16 : memref<1x128xi32, #tpu.memory_space<hbm>> -> memref<128xi32, #tpu.memory_space<hbm>>
    tpu.enqueue_dma source(%dma_start3A_17 : memref<128xi32, #tpu.memory_space<hbm>>) target(%arg8 : memref<128xi32, #tpu.memory_space<vmem>>) target_semaphore(%arg22 : memref<!tpu.dma_semaphore, #tpu.memory_space<semaphore_mem>>)
    %dma_start3A_18 = arith.constant 0 : i32
    %dma_start3A_19 = arith.constant 0 : i32
    %dma_start3A_20 = tpu.memref_slice %arg7[%dma_start3A_18, %dma_start3A_19] : memref<162x128xi32, #tpu.memory_space<vmem>> -> memref<1x128xi32, #tpu.memory_space<vmem>>
    %dma_start3A_21 = tpu.memref_squeeze %dma_start3A_20 : memref<1x128xi32, #tpu.memory_space<vmem>> -> memref<128xi32, #tpu.memory_space<vmem>>
    %dma_start3A_22 = arith.constant 0 : i32
    %dma_start3A_23 = arith.constant 0 : i32
    %dma_start3A_24 = tpu.memref_slice %arg14[%dma_start3A_22, %dma_start3A_23] : memref<10112x64xf32, #tpu.memory_space<vmem_shared>> -> memref<10112x64xf32, #tpu.memory_space<vmem_shared>>
    tpu.enqueue_indirect_dma source(%dma_start3A_24 : memref<10112x64xf32, #tpu.memory_space<vmem_shared>>) target(%arg11 : memref<128x64xf32, #tpu.memory_space<vmem>>) offsets(%dma_start3A_21 : memref<128xi32, #tpu.memory_space<vmem>>) semaphore(%arg16 : memref<!tpu.dma_semaphore, #tpu.memory_space<semaphore_mem>>)
    %add3A_25 = arith.constant 1 : i32
    %add3A_26 = arith.addi %mul3A_10, %add3A_25 : i32
    %dma_start3A_27 = arith.constant 0 : i32
    %dma_start3A_28 = tpu.memref_slice %arg3[%add3A_26, %dma_start3A_27] : memref<2592x128xi32, #tpu.memory_space<hbm>> -> memref<1x128xi32, #tpu.memory_space<hbm>>
    %dma_start3A_29 = tpu.memref_squeeze %dma_start3A_28 : memref<1x128xi32, #tpu.memory_space<hbm>> -> memref<128xi32, #tpu.memory_space<hbm>>
    %dma_start3A_30 = arith.constant 0 : i32
    %dma_start3A_31 = tpu.memref_slice %arg3[%add3A_26, %dma_start3A_30] : memref<2592x128xi32, #tpu.memory_space<hbm>> -> memref<1x128xi32, #tpu.memory_space<hbm>>
    %dma_start3A_32 = tpu.memref_squeeze %dma_start3A_31 : memref<1x128xi32, #tpu.memory_space<hbm>> -> memref<128xi32, #tpu.memory_space<hbm>>
    tpu.enqueue_dma source(%dma_start3A_32 : memref<128xi32, #tpu.memory_space<hbm>>) target(%arg9 : memref<128xi32, #tpu.memory_space<vmem>>) target_semaphore(%arg23 : memref<!tpu.dma_semaphore, #tpu.memory_space<semaphore_mem>>)
    %dma_start3A_33 = arith.constant 1 : i32
    %dma_start3A_34 = arith.constant 0 : i32
    %dma_start3A_35 = tpu.memref_slice %arg7[%dma_start3A_33, %dma_start3A_34] : memref<162x128xi32, #tpu.memory_space<vmem>> -> memref<1x128xi32, #tpu.memory_space<vmem>>
    %dma_start3A_36 = tpu.memref_squeeze %dma_start3A_35 : memref<1x128xi32, #tpu.memory_space<vmem>> -> memref<128xi32, #tpu.memory_space<vmem>>
    %dma_start3A_37 = arith.constant 0 : i32
    %dma_start3A_38 = arith.constant 0 : i32
    %dma_start3A_39 = tpu.memref_slice %arg14[%dma_start3A_37, %dma_start3A_38] : memref<10112x64xf32, #tpu.memory_space<vmem_shared>> -> memref<10112x64xf32, #tpu.memory_space<vmem_shared>>
    tpu.enqueue_indirect_dma source(%dma_start3A_39 : memref<10112x64xf32, #tpu.memory_space<vmem_shared>>) target(%arg12 : memref<128x64xf32, #tpu.memory_space<vmem>>) offsets(%dma_start3A_36 : memref<128xi32, #tpu.memory_space<vmem>>) semaphore(%arg17 : memref<!tpu.dma_semaphore, #tpu.memory_space<semaphore_mem>>)
    %dma_wait3A = arith.constant 0 : i32
    %dma_wait3A_40 = arith.constant 0 : i32
    %dma_wait3A_41 = tpu.memref_slice %arg7[%dma_wait3A, %dma_wait3A_40] : memref<162x128xi32, #tpu.memory_space<vmem>> -> memref<1x128xi32, #tpu.memory_space<vmem>>
    %dma_wait3A_42 = tpu.memref_squeeze %dma_wait3A_41 : memref<1x128xi32, #tpu.memory_space<vmem>> -> memref<128xi32, #tpu.memory_space<vmem>>
    %dma_wait3A_43 = arith.constant 0 : i32
    %dma_wait3A_44 = arith.constant 0 : i32
    %dma_wait3A_45 = tpu.memref_slice %arg14[%dma_wait3A_43, %dma_wait3A_44] : memref<10112x64xf32, #tpu.memory_space<vmem_shared>> -> memref<10112x64xf32, #tpu.memory_space<vmem_shared>>
    tpu.wait_indirect_dma semaphore(%arg16 : memref<!tpu.dma_semaphore, #tpu.memory_space<semaphore_mem>>) src(%dma_wait3A_45 : memref<10112x64xf32, #tpu.memory_space<vmem_shared>>) dst(%arg11 : memref<128x64xf32, #tpu.memory_space<vmem>>)
    %add3A_46 = arith.constant 0 : i32
    %add3A_47 = arith.addi %mul3A_10, %add3A_46 : i32
    %dma_wait3A_48 = arith.constant 0 : i32
    %dma_wait3A_49 = tpu.memref_slice %arg3[%add3A_47, %dma_wait3A_48] : memref<2592x128xi32, #tpu.memory_space<hbm>> -> memref<1x128xi32, #tpu.memory_space<hbm>>
    %dma_wait3A_50 = tpu.memref_squeeze %dma_wait3A_49 : memref<1x128xi32, #tpu.memory_space<hbm>> -> memref<128xi32, #tpu.memory_space<hbm>>
    %dma_wait3A_51 = arith.constant 0 : i32
    %dma_wait3A_52 = tpu.memref_slice %arg3[%add3A_47, %dma_wait3A_51] : memref<2592x128xi32, #tpu.memory_space<hbm>> -> memref<1x128xi32, #tpu.memory_space<hbm>>
    %dma_wait3A_53 = tpu.memref_squeeze %dma_wait3A_52 : memref<1x128xi32, #tpu.memory_space<hbm>> -> memref<128xi32, #tpu.memory_space<hbm>>
    tpu.wait_dma2 semaphore(%arg22 : memref<!tpu.dma_semaphore, #tpu.memory_space<semaphore_mem>>) src(%dma_wait3A_53 : memref<128xi32, #tpu.memory_space<hbm>>) dst(%arg8 : memref<128xi32, #tpu.memory_space<vmem>>)
    %dma_start3A_54 = arith.constant 0 : i32
    %dma_start3A_55 = arith.constant 0 : i32
    %dma_start3A_56 = tpu.memref_slice %arg15[%dma_start3A_54, %dma_start3A_55] : memref<10112x64xf32, #tpu.memory_space<vmem_shared>> -> memref<10112x64xf32, #tpu.memory_space<vmem_shared>>
    tpu.enqueue_indirect_dma source(%arg11 : memref<128x64xf32, #tpu.memory_space<vmem>>) target(%dma_start3A_56 : memref<10112x64xf32, #tpu.memory_space<vmem_shared>>) offsets(%arg8 : memref<128xi32, #tpu.memory_space<vmem>>) semaphore(%arg19 : memref<!tpu.dma_semaphore, #tpu.memory_space<semaphore_mem>>) {add = true}
    %add3A_57 = arith.constant 2 : i32
    %add3A_58 = arith.addi %mul3A_10, %add3A_57 : i32
    %dma_start3A_59 = arith.constant 0 : i32
    %dma_start3A_60 = tpu.memref_slice %arg3[%add3A_58, %dma_start3A_59] : memref<2592x128xi32, #tpu.memory_space<hbm>> -> memref<1x128xi32, #tpu.memory_space<hbm>>
    %dma_start3A_61 = tpu.memref_squeeze %dma_start3A_60 : memref<1x128xi32, #tpu.memory_space<hbm>> -> memref<128xi32, #tpu.memory_space<hbm>>
    %dma_start3A_62 = arith.constant 0 : i32
    %dma_start3A_63 = tpu.memref_slice %arg3[%add3A_58, %dma_start3A_62] : memref<2592x128xi32, #tpu.memory_space<hbm>> -> memref<1x128xi32, #tpu.memory_space<hbm>>
    %dma_start3A_64 = tpu.memref_squeeze %dma_start3A_63 : memref<1x128xi32, #tpu.memory_space<hbm>> -> memref<128xi32, #tpu.memory_space<hbm>>
    tpu.enqueue_dma source(%dma_start3A_64 : memref<128xi32, #tpu.memory_space<hbm>>) target(%arg10 : memref<128xi32, #tpu.memory_space<vmem>>) target_semaphore(%arg24 : memref<!tpu.dma_semaphore, #tpu.memory_space<semaphore_mem>>)
    %dma_start3A_65 = arith.constant 2 : i32
    %dma_start3A_66 = arith.constant 0 : i32
    %dma_start3A_67 = tpu.memref_slice %arg7[%dma_start3A_65, %dma_start3A_66] : memref<162x128xi32, #tpu.memory_space<vmem>> -> memref<1x128xi32, #tpu.memory_space<vmem>>
    %dma_start3A_68 = tpu.memref_squeeze %dma_start3A_67 : memref<1x128xi32, #tpu.memory_space<vmem>> -> memref<128xi32, #tpu.memory_space<vmem>>
    %dma_start3A_69 = arith.constant 0 : i32
    %dma_start3A_70 = arith.constant 0 : i32
    %dma_start3A_71 = tpu.memref_slice %arg14[%dma_start3A_69, %dma_start3A_70] : memref<10112x64xf32, #tpu.memory_space<vmem_shared>> -> memref<10112x64xf32, #tpu.memory_space<vmem_shared>>
    tpu.enqueue_indirect_dma source(%dma_start3A_71 : memref<10112x64xf32, #tpu.memory_space<vmem_shared>>) target(%arg13 : memref<128x64xf32, #tpu.memory_space<vmem>>) offsets(%dma_start3A_68 : memref<128xi32, #tpu.memory_space<vmem>>) semaphore(%arg18 : memref<!tpu.dma_semaphore, #tpu.memory_space<semaphore_mem>>)
    %dma_wait3A_72 = arith.constant 1 : i32
    %dma_wait3A_73 = arith.constant 0 : i32
    %dma_wait3A_74 = tpu.memref_slice %arg7[%dma_wait3A_72, %dma_wait3A_73] : memref<162x128xi32, #tpu.memory_space<vmem>> -> memref<1x128xi32, #tpu.memory_space<vmem>>
    %dma_wait3A_75 = tpu.memref_squeeze %dma_wait3A_74 : memref<1x128xi32, #tpu.memory_space<vmem>> -> memref<128xi32, #tpu.memory_space<vmem>>
    %dma_wait3A_76 = arith.constant 0 : i32
    %dma_wait3A_77 = arith.constant 0 : i32
    %dma_wait3A_78 = tpu.memref_slice %arg14[%dma_wait3A_76, %dma_wait3A_77] : memref<10112x64xf32, #tpu.memory_space<vmem_shared>> -> memref<10112x64xf32, #tpu.memory_space<vmem_shared>>
    tpu.wait_indirect_dma semaphore(%arg17 : memref<!tpu.dma_semaphore, #tpu.memory_space<semaphore_mem>>) src(%dma_wait3A_78 : memref<10112x64xf32, #tpu.memory_space<vmem_shared>>) dst(%arg12 : memref<128x64xf32, #tpu.memory_space<vmem>>)
    %add3A_79 = arith.constant 1 : i32
    %add3A_80 = arith.addi %mul3A_10, %add3A_79 : i32
    %dma_wait3A_81 = arith.constant 0 : i32
    %dma_wait3A_82 = tpu.memref_slice %arg3[%add3A_80, %dma_wait3A_81] : memref<2592x128xi32, #tpu.memory_space<hbm>> -> memref<1x128xi32, #tpu.memory_space<hbm>>
    %dma_wait3A_83 = tpu.memref_squeeze %dma_wait3A_82 : memref<1x128xi32, #tpu.memory_space<hbm>> -> memref<128xi32, #tpu.memory_space<hbm>>
    %dma_wait3A_84 = arith.constant 0 : i32
    %dma_wait3A_85 = tpu.memref_slice %arg3[%add3A_80, %dma_wait3A_84] : memref<2592x128xi32, #tpu.memory_space<hbm>> -> memref<1x128xi32, #tpu.memory_space<hbm>>
    %dma_wait3A_86 = tpu.memref_squeeze %dma_wait3A_85 : memref<1x128xi32, #tpu.memory_space<hbm>> -> memref<128xi32, #tpu.memory_space<hbm>>
    tpu.wait_dma2 semaphore(%arg23 : memref<!tpu.dma_semaphore, #tpu.memory_space<semaphore_mem>>) src(%dma_wait3A_86 : memref<128xi32, #tpu.memory_space<hbm>>) dst(%arg9 : memref<128xi32, #tpu.memory_space<vmem>>)
    %dma_start3A_87 = arith.constant 0 : i32
    %dma_start3A_88 = arith.constant 0 : i32
    %dma_start3A_89 = tpu.memref_slice %arg15[%dma_start3A_87, %dma_start3A_88] : memref<10112x64xf32, #tpu.memory_space<vmem_shared>> -> memref<10112x64xf32, #tpu.memory_space<vmem_shared>>
    tpu.enqueue_indirect_dma source(%arg12 : memref<128x64xf32, #tpu.memory_space<vmem>>) target(%dma_start3A_89 : memref<10112x64xf32, #tpu.memory_space<vmem_shared>>) offsets(%arg9 : memref<128xi32, #tpu.memory_space<vmem>>) semaphore(%arg20 : memref<!tpu.dma_semaphore, #tpu.memory_space<semaphore_mem>>) {add = true}
    %dma_wait3A_90 = arith.constant 0 : i32
    %dma_wait3A_91 = arith.constant 0 : i32
    %dma_wait3A_92 = tpu.memref_slice %arg15[%dma_wait3A_90, %dma_wait3A_91] : memref<10112x64xf32, #tpu.memory_space<vmem_shared>> -> memref<10112x64xf32, #tpu.memory_space<vmem_shared>>
    tpu.wait_indirect_dma semaphore(%arg19 : memref<!tpu.dma_semaphore, #tpu.memory_space<semaphore_mem>>) src(%arg11 : memref<128x64xf32, #tpu.memory_space<vmem>>) dst(%dma_wait3A_92 : memref<10112x64xf32, #tpu.memory_space<vmem_shared>>)
    %add3A_93 = arith.constant 3 : i32
    %add3A_94 = arith.addi %mul3A_10, %add3A_93 : i32
    %dma_start3A_95 = arith.constant 0 : i32
    %dma_start3A_96 = tpu.memref_slice %arg3[%add3A_94, %dma_start3A_95] : memref<2592x128xi32, #tpu.memory_space<hbm>> -> memref<1x128xi32, #tpu.memory_space<hbm>>
    %dma_start3A_97 = tpu.memref_squeeze %dma_start3A_96 : memref<1x128xi32, #tpu.memory_space<hbm>> -> memref<128xi32, #tpu.memory_space<hbm>>
    %dma_start3A_98 = arith.constant 0 : i32
    %dma_start3A_99 = tpu.memref_slice %arg3[%add3A_94, %dma_start3A_98] : memref<2592x128xi32, #tpu.memory_space<hbm>> -> memref<1x128xi32, #tpu.memory_space<hbm>>
    %dma_start3A_100 = tpu.memref_squeeze %dma_start3A_99 : memref<1x128xi32, #tpu.memory_space<hbm>> -> memref<128xi32, #tpu.memory_space<hbm>>
    tpu.enqueue_dma source(%dma_start3A_100 : memref<128xi32, #tpu.memory_space<hbm>>) target(%arg8 : memref<128xi32, #tpu.memory_space<vmem>>) target_semaphore(%arg22 : memref<!tpu.dma_semaphore, #tpu.memory_space<semaphore_mem>>)
    %dma_start3A_101 = arith.constant 3 : i32
    %dma_start3A_102 = arith.constant 0 : i32
    %dma_start3A_103 = tpu.memref_slice %arg7[%dma_start3A_101, %dma_start3A_102] : memref<162x128xi32, #tpu.memory_space<vmem>> -> memref<1x128xi32, #tpu.memory_space<vmem>>
    %dma_start3A_104 = tpu.memref_squeeze %dma_start3A_103 : memref<1x128xi32, #tpu.memory_space<vmem>> -> memref<128xi32, #tpu.memory_space<vmem>>
    %dma_start3A_105 = arith.constant 0 : i32
    %dma_start3A_106 = arith.constant 0 : i32
    %dma_start3A_107 = tpu.memref_slice %arg14[%dma_start3A_105, %dma_start3A_106] : memref<10112x64xf32, #tpu.memory_space<vmem_shared>> -> memref<10112x64xf32, #tpu.memory_space<vmem_shared>>
    tpu.enqueue_indirect_dma source(%dma_start3A_107 : memref<10112x64xf32, #tpu.memory_space<vmem_shared>>) target(%arg11 : memref<128x64xf32, #tpu.memory_space<vmem>>) offsets(%dma_start3A_104 : memref<128xi32, #tpu.memory_space<vmem>>) semaphore(%arg16 : memref<!tpu.dma_semaphore, #tpu.memory_space<semaphore_mem>>)
    %dma_wait3A_108 = arith.constant 2 : i32
    %dma_wait3A_109 = arith.constant 0 : i32
    %dma_wait3A_110 = tpu.memref_slice %arg7[%dma_wait3A_108, %dma_wait3A_109] : memref<162x128xi32, #tpu.memory_space<vmem>> -> memref<1x128xi32, #tpu.memory_space<vmem>>
    %dma_wait3A_111 = tpu.memref_squeeze %dma_wait3A_110 : memref<1x128xi32, #tpu.memory_space<vmem>> -> memref<128xi32, #tpu.memory_space<vmem>>
    %dma_wait3A_112 = arith.constant 0 : i32
    %dma_wait3A_113 = arith.constant 0 : i32
    %dma_wait3A_114 = tpu.memref_slice %arg14[%dma_wait3A_112, %dma_wait3A_113] : memref<10112x64xf32, #tpu.memory_space<vmem_shared>> -> memref<10112x64xf32, #tpu.memory_space<vmem_shared>>
    tpu.wait_indirect_dma semaphore(%arg18 : memref<!tpu.dma_semaphore, #tpu.memory_space<semaphore_mem>>) src(%dma_wait3A_114 : memref<10112x64xf32, #tpu.memory_space<vmem_shared>>) dst(%arg13 : memref<128x64xf32, #tpu.memory_space<vmem>>)
    %add3A_115 = arith.constant 2 : i32
    %add3A_116 = arith.addi %mul3A_10, %add3A_115 : i32
    %dma_wait3A_117 = arith.constant 0 : i32
    %dma_wait3A_118 = tpu.memref_slice %arg3[%add3A_116, %dma_wait3A_117] : memref<2592x128xi32, #tpu.memory_space<hbm>> -> memref<1x128xi32, #tpu.memory_space<hbm>>
    %dma_wait3A_119 = tpu.memref_squeeze %dma_wait3A_118 : memref<1x128xi32, #tpu.memory_space<hbm>> -> memref<128xi32, #tpu.memory_space<hbm>>
    %dma_wait3A_120 = arith.constant 0 : i32
    %dma_wait3A_121 = tpu.memref_slice %arg3[%add3A_116, %dma_wait3A_120] : memref<2592x128xi32, #tpu.memory_space<hbm>> -> memref<1x128xi32, #tpu.memory_space<hbm>>
    %dma_wait3A_122 = tpu.memref_squeeze %dma_wait3A_121 : memref<1x128xi32, #tpu.memory_space<hbm>> -> memref<128xi32, #tpu.memory_space<hbm>>
    tpu.wait_dma2 semaphore(%arg24 : memref<!tpu.dma_semaphore, #tpu.memory_space<semaphore_mem>>) src(%dma_wait3A_122 : memref<128xi32, #tpu.memory_space<hbm>>) dst(%arg10 : memref<128xi32, #tpu.memory_space<vmem>>)
    %dma_start3A_123 = arith.constant 0 : i32
    %dma_start3A_124 = arith.constant 0 : i32
    %dma_start3A_125 = tpu.memref_slice %arg15[%dma_start3A_123, %dma_start3A_124] : memref<10112x64xf32, #tpu.memory_space<vmem_shared>> -> memref<10112x64xf32, #tpu.memory_space<vmem_shared>>
    tpu.enqueue_indirect_dma source(%arg13 : memref<128x64xf32, #tpu.memory_space<vmem>>) target(%dma_start3A_125 : memref<10112x64xf32, #tpu.memory_space<vmem_shared>>) offsets(%arg10 : memref<128xi32, #tpu.memory_space<vmem>>) semaphore(%arg21 : memref<!tpu.dma_semaphore, #tpu.memory_space<semaphore_mem>>) {add = true}
    %dma_wait3A_126 = arith.constant 0 : i32
    %dma_wait3A_127 = arith.constant 0 : i32
    %dma_wait3A_128 = tpu.memref_slice %arg15[%dma_wait3A_126, %dma_wait3A_127] : memref<10112x64xf32, #tpu.memory_space<vmem_shared>> -> memref<10112x64xf32, #tpu.memory_space<vmem_shared>>
    tpu.wait_indirect_dma semaphore(%arg20 : memref<!tpu.dma_semaphore, #tpu.memory_space<semaphore_mem>>) src(%arg12 : memref<128x64xf32, #tpu.memory_space<vmem>>) dst(%dma_wait3A_128 : memref<10112x64xf32, #tpu.memory_space<vmem_shared>>)
    %add3A_129 = arith.constant 4 : i32
    %add3A_130 = arith.addi %mul3A_10, %add3A_129 : i32
    %dma_start3A_131 = arith.constant 0 : i32
    %dma_start3A_132 = tpu.memref_slice %arg3[%add3A_130, %dma_start3A_131] : memref<2592x128xi32, #tpu.memory_space<hbm>> -> memref<1x128xi32, #tpu.memory_space<hbm>>
    %dma_start3A_133 = tpu.memref_squeeze %dma_start3A_132 : memref<1x128xi32, #tpu.memory_space<hbm>> -> memref<128xi32, #tpu.memory_space<hbm>>
    %dma_start3A_134 = arith.constant 0 : i32
    %dma_start3A_135 = tpu.memref_slice %arg3[%add3A_130, %dma_start3A_134] : memref<2592x128xi32, #tpu.memory_space<hbm>> -> memref<1x128xi32, #tpu.memory_space<hbm>>
    %dma_start3A_136 = tpu.memref_squeeze %dma_start3A_135 : memref<1x128xi32, #tpu.memory_space<hbm>> -> memref<128xi32, #tpu.memory_space<hbm>>
    tpu.enqueue_dma source(%dma_start3A_136 : memref<128xi32, #tpu.memory_space<hbm>>) target(%arg9 : memref<128xi32, #tpu.memory_space<vmem>>) target_semaphore(%arg23 : memref<!tpu.dma_semaphore, #tpu.memory_space<semaphore_mem>>)
    %dma_start3A_137 = arith.constant 4 : i32
    %dma_start3A_138 = arith.constant 0 : i32
    %dma_start3A_139 = tpu.memref_slice %arg7[%dma_start3A_137, %dma_start3A_138] : memref<162x128xi32, #tpu.memory_space<vmem>> -> memref<1x128xi32, #tpu.memory_space<vmem>>
    %dma_start3A_140 = tpu.memref_squeeze %dma_start3A_139 : memref<1x128xi32, #tpu.memory_space<vmem>> -> memref<128xi32, #tpu.memory_space<vmem>>
    %dma_start3A_141 = arith.constant 0 : i32
    %dma_start3A_142 = arith.constant 0 : i32
    %dma_start3A_143 = tpu.memref_slice %arg14[%dma_start3A_141, %dma_start3A_142] : memref<10112x64xf32, #tpu.memory_space<vmem_shared>> -> memref<10112x64xf32, #tpu.memory_space<vmem_shared>>
    tpu.enqueue_indirect_dma source(%dma_start3A_143 : memref<10112x64xf32, #tpu.memory_space<vmem_shared>>) target(%arg12 : memref<128x64xf32, #tpu.memory_space<vmem>>) offsets(%dma_start3A_140 : memref<128xi32, #tpu.memory_space<vmem>>) semaphore(%arg17 : memref<!tpu.dma_semaphore, #tpu.memory_space<semaphore_mem>>)
    %scan3A = arith.constant 0 : i32
    %scan3A_144 = arith.constant 1 : i32
    %scan3A_145 = arith.constant 52 : i32
    %scan3A_146 = arith.addi %scan3A_144, %scan3A_145 : i32
    %scan3A_147 = arith.constant 1 : i32
    scf.for %scan3A_238 = %scan3A_144 to %scan3A_146 step %scan3A_147  : i32 {
      %mul3A_239 = arith.constant 3 : i32
      %mul3A_240 = arith.muli %scan3A_238, %mul3A_239 : i32
      %add3A_241 = arith.constant 0 : i32
      %add3A_242 = arith.addi %mul3A_240, %add3A_241 : i32
      %dma_wait3A_243 = arith.constant 0 : i32
      %dma_wait3A_244 = tpu.memref_slice %arg7[%add3A_242, %dma_wait3A_243] : memref<162x128xi32, #tpu.memory_space<vmem>> -> memref<1x128xi32, #tpu.memory_space<vmem>>
      %dma_wait3A_245 = tpu.memref_squeeze %dma_wait3A_244 : memref<1x128xi32, #tpu.memory_space<vmem>> -> memref<128xi32, #tpu.memory_space<vmem>>
      %dma_wait3A_246 = arith.constant 0 : i32
      %dma_wait3A_247 = arith.constant 0 : i32
      %dma_wait3A_248 = tpu.memref_slice %arg14[%dma_wait3A_246, %dma_wait3A_247] : memref<10112x64xf32, #tpu.memory_space<vmem_shared>> -> memref<10112x64xf32, #tpu.memory_space<vmem_shared>>
      tpu.wait_indirect_dma semaphore(%arg16 : memref<!tpu.dma_semaphore, #tpu.memory_space<semaphore_mem>>) src(%dma_wait3A_248 : memref<10112x64xf32, #tpu.memory_space<vmem_shared>>) dst(%arg11 : memref<128x64xf32, #tpu.memory_space<vmem>>)
      %add3A_249 = arith.addi %mul3A_10, %add3A_242 : i32
      %dma_wait3A_250 = arith.constant 0 : i32
      %dma_wait3A_251 = tpu.memref_slice %arg3[%add3A_249, %dma_wait3A_250] : memref<2592x128xi32, #tpu.memory_space<hbm>> -> memref<1x128xi32, #tpu.memory_space<hbm>>
      %dma_wait3A_252 = tpu.memref_squeeze %dma_wait3A_251 : memref<1x128xi32, #tpu.memory_space<hbm>> -> memref<128xi32, #tpu.memory_space<hbm>>
      %dma_wait3A_253 = arith.constant 0 : i32
      %dma_wait3A_254 = tpu.memref_slice %arg3[%add3A_249, %dma_wait3A_253] : memref<2592x128xi32, #tpu.memory_space<hbm>> -> memref<1x128xi32, #tpu.memory_space<hbm>>
      %dma_wait3A_255 = tpu.memref_squeeze %dma_wait3A_254 : memref<1x128xi32, #tpu.memory_space<hbm>> -> memref<128xi32, #tpu.memory_space<hbm>>
      tpu.wait_dma2 semaphore(%arg22 : memref<!tpu.dma_semaphore, #tpu.memory_space<semaphore_mem>>) src(%dma_wait3A_255 : memref<128xi32, #tpu.memory_space<hbm>>) dst(%arg8 : memref<128xi32, #tpu.memory_space<vmem>>)
      %dma_start3A_256 = arith.constant 0 : i32
      %dma_start3A_257 = arith.constant 0 : i32
      %dma_start3A_258 = tpu.memref_slice %arg15[%dma_start3A_256, %dma_start3A_257] : memref<10112x64xf32, #tpu.memory_space<vmem_shared>> -> memref<10112x64xf32, #tpu.memory_space<vmem_shared>>
      tpu.enqueue_indirect_dma source(%arg11 : memref<128x64xf32, #tpu.memory_space<vmem>>) target(%dma_start3A_258 : memref<10112x64xf32, #tpu.memory_space<vmem_shared>>) offsets(%arg8 : memref<128xi32, #tpu.memory_space<vmem>>) semaphore(%arg19 : memref<!tpu.dma_semaphore, #tpu.memory_space<semaphore_mem>>) {add = true}
      %sub3A = arith.constant 1 : i32
      %sub3A_259 = arith.subi %add3A_242, %sub3A : i32
      %dma_wait3A_260 = arith.constant 0 : i32
      %dma_wait3A_261 = arith.constant 0 : i32
      %dma_wait3A_262 = tpu.memref_slice %arg15[%dma_wait3A_260, %dma_wait3A_261] : memref<10112x64xf32, #tpu.memory_space<vmem_shared>> -> memref<10112x64xf32, #tpu.memory_space<vmem_shared>>
      tpu.wait_indirect_dma semaphore(%arg21 : memref<!tpu.dma_semaphore, #tpu.memory_space<semaphore_mem>>) src(%arg13 : memref<128x64xf32, #tpu.memory_space<vmem>>) dst(%dma_wait3A_262 : memref<10112x64xf32, #tpu.memory_space<vmem_shared>>)
      %add3A_263 = arith.constant 2 : i32
      %add3A_264 = arith.addi %add3A_242, %add3A_263 : i32
      %add3A_265 = arith.addi %mul3A_10, %add3A_264 : i32
      %dma_start3A_266 = arith.constant 0 : i32
      %dma_start3A_267 = tpu.memref_slice %arg3[%add3A_265, %dma_start3A_266] : memref<2592x128xi32, #tpu.memory_space<hbm>> -> memref<1x128xi32, #tpu.memory_space<hbm>>
      %dma_start3A_268 = tpu.memref_squeeze %dma_start3A_267 : memref<1x128xi32, #tpu.memory_space<hbm>> -> memref<128xi32, #tpu.memory_space<hbm>>
      %dma_start3A_269 = arith.constant 0 : i32
      %dma_start3A_270 = tpu.memref_slice %arg3[%add3A_265, %dma_start3A_269] : memref<2592x128xi32, #tpu.memory_space<hbm>> -> memref<1x128xi32, #tpu.memory_space<hbm>>
      %dma_start3A_271 = tpu.memref_squeeze %dma_start3A_270 : memref<1x128xi32, #tpu.memory_space<hbm>> -> memref<128xi32, #tpu.memory_space<hbm>>
      tpu.enqueue_dma source(%dma_start3A_271 : memref<128xi32, #tpu.memory_space<hbm>>) target(%arg10 : memref<128xi32, #tpu.memory_space<vmem>>) target_semaphore(%arg24 : memref<!tpu.dma_semaphore, #tpu.memory_space<semaphore_mem>>)
      %add3A_272 = arith.constant 2 : i32
      %add3A_273 = arith.addi %add3A_242, %add3A_272 : i32
      %dma_start3A_274 = arith.constant 0 : i32
      %dma_start3A_275 = tpu.memref_slice %arg7[%add3A_273, %dma_start3A_274] : memref<162x128xi32, #tpu.memory_space<vmem>> -> memref<1x128xi32, #tpu.memory_space<vmem>>
      %dma_start3A_276 = tpu.memref_squeeze %dma_start3A_275 : memref<1x128xi32, #tpu.memory_space<vmem>> -> memref<128xi32, #tpu.memory_space<vmem>>
      %dma_start3A_277 = arith.constant 0 : i32
      %dma_start3A_278 = arith.constant 0 : i32
      %dma_start3A_279 = tpu.memref_slice %arg14[%dma_start3A_277, %dma_start3A_278] : memref<10112x64xf32, #tpu.memory_space<vmem_shared>> -> memref<10112x64xf32, #tpu.memory_space<vmem_shared>>
      tpu.enqueue_indirect_dma source(%dma_start3A_279 : memref<10112x64xf32, #tpu.memory_space<vmem_shared>>) target(%arg13 : memref<128x64xf32, #tpu.memory_space<vmem>>) offsets(%dma_start3A_276 : memref<128xi32, #tpu.memory_space<vmem>>) semaphore(%arg18 : memref<!tpu.dma_semaphore, #tpu.memory_space<semaphore_mem>>)
      %mul3A_280 = arith.constant 3 : i32
      %mul3A_281 = arith.muli %scan3A_238, %mul3A_280 : i32
      %add3A_282 = arith.constant 1 : i32
      %add3A_283 = arith.addi %mul3A_281, %add3A_282 : i32
      %dma_wait3A_284 = arith.constant 0 : i32
      %dma_wait3A_285 = tpu.memref_slice %arg7[%add3A_283, %dma_wait3A_284] : memref<162x128xi32, #tpu.memory_space<vmem>> -> memref<1x128xi32, #tpu.memory_space<vmem>>
      %dma_wait3A_286 = tpu.memref_squeeze %dma_wait3A_285 : memref<1x128xi32, #tpu.memory_space<vmem>> -> memref<128xi32, #tpu.memory_space<vmem>>
      %dma_wait3A_287 = arith.constant 0 : i32
      %dma_wait3A_288 = arith.constant 0 : i32
      %dma_wait3A_289 = tpu.memref_slice %arg14[%dma_wait3A_287, %dma_wait3A_288] : memref<10112x64xf32, #tpu.memory_space<vmem_shared>> -> memref<10112x64xf32, #tpu.memory_space<vmem_shared>>
      tpu.wait_indirect_dma semaphore(%arg17 : memref<!tpu.dma_semaphore, #tpu.memory_space<semaphore_mem>>) src(%dma_wait3A_289 : memref<10112x64xf32, #tpu.memory_space<vmem_shared>>) dst(%arg12 : memref<128x64xf32, #tpu.memory_space<vmem>>)
      %add3A_290 = arith.addi %mul3A_10, %add3A_283 : i32
      %dma_wait3A_291 = arith.constant 0 : i32
      %dma_wait3A_292 = tpu.memref_slice %arg3[%add3A_290, %dma_wait3A_291] : memref<2592x128xi32, #tpu.memory_space<hbm>> -> memref<1x128xi32, #tpu.memory_space<hbm>>
      %dma_wait3A_293 = tpu.memref_squeeze %dma_wait3A_292 : memref<1x128xi32, #tpu.memory_space<hbm>> -> memref<128xi32, #tpu.memory_space<hbm>>
      %dma_wait3A_294 = arith.constant 0 : i32
      %dma_wait3A_295 = tpu.memref_slice %arg3[%add3A_290, %dma_wait3A_294] : memref<2592x128xi32, #tpu.memory_space<hbm>> -> memref<1x128xi32, #tpu.memory_space<hbm>>
      %dma_wait3A_296 = tpu.memref_squeeze %dma_wait3A_295 : memref<1x128xi32, #tpu.memory_space<hbm>> -> memref<128xi32, #tpu.memory_space<hbm>>
      tpu.wait_dma2 semaphore(%arg23 : memref<!tpu.dma_semaphore, #tpu.memory_space<semaphore_mem>>) src(%dma_wait3A_296 : memref<128xi32, #tpu.memory_space<hbm>>) dst(%arg9 : memref<128xi32, #tpu.memory_space<vmem>>)
      %dma_start3A_297 = arith.constant 0 : i32
      %dma_start3A_298 = arith.constant 0 : i32
      %dma_start3A_299 = tpu.memref_slice %arg15[%dma_start3A_297, %dma_start3A_298] : memref<10112x64xf32, #tpu.memory_space<vmem_shared>> -> memref<10112x64xf32, #tpu.memory_space<vmem_shared>>
      tpu.enqueue_indirect_dma source(%arg12 : memref<128x64xf32, #tpu.memory_space<vmem>>) target(%dma_start3A_299 : memref<10112x64xf32, #tpu.memory_space<vmem_shared>>) offsets(%arg9 : memref<128xi32, #tpu.memory_space<vmem>>) semaphore(%arg20 : memref<!tpu.dma_semaphore, #tpu.memory_space<semaphore_mem>>) {add = true}
      %sub3A_300 = arith.constant 1 : i32
      %sub3A_301 = arith.subi %add3A_283, %sub3A_300 : i32
      %dma_wait3A_302 = arith.constant 0 : i32
      %dma_wait3A_303 = arith.constant 0 : i32
      %dma_wait3A_304 = tpu.memref_slice %arg15[%dma_wait3A_302, %dma_wait3A_303] : memref<10112x64xf32, #tpu.memory_space<vmem_shared>> -> memref<10112x64xf32, #tpu.memory_space<vmem_shared>>
      tpu.wait_indirect_dma semaphore(%arg19 : memref<!tpu.dma_semaphore, #tpu.memory_space<semaphore_mem>>) src(%arg11 : memref<128x64xf32, #tpu.memory_space<vmem>>) dst(%dma_wait3A_304 : memref<10112x64xf32, #tpu.memory_space<vmem_shared>>)
      %add3A_305 = arith.constant 2 : i32
      %add3A_306 = arith.addi %add3A_283, %add3A_305 : i32
      %add3A_307 = arith.addi %mul3A_10, %add3A_306 : i32
      %dma_start3A_308 = arith.constant 0 : i32
      %dma_start3A_309 = tpu.memref_slice %arg3[%add3A_307, %dma_start3A_308] : memref<2592x128xi32, #tpu.memory_space<hbm>> -> memref<1x128xi32, #tpu.memory_space<hbm>>
      %dma_start3A_310 = tpu.memref_squeeze %dma_start3A_309 : memref<1x128xi32, #tpu.memory_space<hbm>> -> memref<128xi32, #tpu.memory_space<hbm>>
      %dma_start3A_311 = arith.constant 0 : i32
      %dma_start3A_312 = tpu.memref_slice %arg3[%add3A_307, %dma_start3A_311] : memref<2592x128xi32, #tpu.memory_space<hbm>> -> memref<1x128xi32, #tpu.memory_space<hbm>>
      %dma_start3A_313 = tpu.memref_squeeze %dma_start3A_312 : memref<1x128xi32, #tpu.memory_space<hbm>> -> memref<128xi32, #tpu.memory_space<hbm>>
      tpu.enqueue_dma source(%dma_start3A_313 : memref<128xi32, #tpu.memory_space<hbm>>) target(%arg8 : memref<128xi32, #tpu.memory_space<vmem>>) target_semaphore(%arg22 : memref<!tpu.dma_semaphore, #tpu.memory_space<semaphore_mem>>)
      %add3A_314 = arith.constant 2 : i32
      %add3A_315 = arith.addi %add3A_283, %add3A_314 : i32
      %dma_start3A_316 = arith.constant 0 : i32
      %dma_start3A_317 = tpu.memref_slice %arg7[%add3A_315, %dma_start3A_316] : memref<162x128xi32, #tpu.memory_space<vmem>> -> memref<1x128xi32, #tpu.memory_space<vmem>>
      %dma_start3A_318 = tpu.memref_squeeze %dma_start3A_317 : memref<1x128xi32, #tpu.memory_space<vmem>> -> memref<128xi32, #tpu.memory_space<vmem>>
      %dma_start3A_319 = arith.constant 0 : i32
      %dma_start3A_320 = arith.constant 0 : i32
      %dma_start3A_321 = tpu.memref_slice %arg14[%dma_start3A_319, %dma_start3A_320] : memref<10112x64xf32, #tpu.memory_space<vmem_shared>> -> memref<10112x64xf32, #tpu.memory_space<vmem_shared>>
      tpu.enqueue_indirect_dma source(%dma_start3A_321 : memref<10112x64xf32, #tpu.memory_space<vmem_shared>>) target(%arg11 : memref<128x64xf32, #tpu.memory_space<vmem>>) offsets(%dma_start3A_318 : memref<128xi32, #tpu.memory_space<vmem>>) semaphore(%arg16 : memref<!tpu.dma_semaphore, #tpu.memory_space<semaphore_mem>>)
      %mul3A_322 = arith.constant 3 : i32
      %mul3A_323 = arith.muli %scan3A_238, %mul3A_322 : i32
      %add3A_324 = arith.constant 2 : i32
      %add3A_325 = arith.addi %mul3A_323, %add3A_324 : i32
      %dma_wait3A_326 = arith.constant 0 : i32
      %dma_wait3A_327 = tpu.memref_slice %arg7[%add3A_325, %dma_wait3A_326] : memref<162x128xi32, #tpu.memory_space<vmem>> -> memref<1x128xi32, #tpu.memory_space<vmem>>
      %dma_wait3A_328 = tpu.memref_squeeze %dma_wait3A_327 : memref<1x128xi32, #tpu.memory_space<vmem>> -> memref<128xi32, #tpu.memory_space<vmem>>
      %dma_wait3A_329 = arith.constant 0 : i32
      %dma_wait3A_330 = arith.constant 0 : i32
      %dma_wait3A_331 = tpu.memref_slice %arg14[%dma_wait3A_329, %dma_wait3A_330] : memref<10112x64xf32, #tpu.memory_space<vmem_shared>> -> memref<10112x64xf32, #tpu.memory_space<vmem_shared>>
      tpu.wait_indirect_dma semaphore(%arg18 : memref<!tpu.dma_semaphore, #tpu.memory_space<semaphore_mem>>) src(%dma_wait3A_331 : memref<10112x64xf32, #tpu.memory_space<vmem_shared>>) dst(%arg13 : memref<128x64xf32, #tpu.memory_space<vmem>>)
      %add3A_332 = arith.addi %mul3A_10, %add3A_325 : i32
      %dma_wait3A_333 = arith.constant 0 : i32
      %dma_wait3A_334 = tpu.memref_slice %arg3[%add3A_332, %dma_wait3A_333] : memref<2592x128xi32, #tpu.memory_space<hbm>> -> memref<1x128xi32, #tpu.memory_space<hbm>>
      %dma_wait3A_335 = tpu.memref_squeeze %dma_wait3A_334 : memref<1x128xi32, #tpu.memory_space<hbm>> -> memref<128xi32, #tpu.memory_space<hbm>>
      %dma_wait3A_336 = arith.constant 0 : i32
      %dma_wait3A_337 = tpu.memref_slice %arg3[%add3A_332, %dma_wait3A_336] : memref<2592x128xi32, #tpu.memory_space<hbm>> -> memref<1x128xi32, #tpu.memory_space<hbm>>
      %dma_wait3A_338 = tpu.memref_squeeze %dma_wait3A_337 : memref<1x128xi32, #tpu.memory_space<hbm>> -> memref<128xi32, #tpu.memory_space<hbm>>
      tpu.wait_dma2 semaphore(%arg24 : memref<!tpu.dma_semaphore, #tpu.memory_space<semaphore_mem>>) src(%dma_wait3A_338 : memref<128xi32, #tpu.memory_space<hbm>>) dst(%arg10 : memref<128xi32, #tpu.memory_space<vmem>>)
      %dma_start3A_339 = arith.constant 0 : i32
      %dma_start3A_340 = arith.constant 0 : i32
      %dma_start3A_341 = tpu.memref_slice %arg15[%dma_start3A_339, %dma_start3A_340] : memref<10112x64xf32, #tpu.memory_space<vmem_shared>> -> memref<10112x64xf32, #tpu.memory_space<vmem_shared>>
      tpu.enqueue_indirect_dma source(%arg13 : memref<128x64xf32, #tpu.memory_space<vmem>>) target(%dma_start3A_341 : memref<10112x64xf32, #tpu.memory_space<vmem_shared>>) offsets(%arg10 : memref<128xi32, #tpu.memory_space<vmem>>) semaphore(%arg21 : memref<!tpu.dma_semaphore, #tpu.memory_space<semaphore_mem>>) {add = true}
      %sub3A_342 = arith.constant 1 : i32
      %sub3A_343 = arith.subi %add3A_325, %sub3A_342 : i32
      %dma_wait3A_344 = arith.constant 0 : i32
      %dma_wait3A_345 = arith.constant 0 : i32
      %dma_wait3A_346 = tpu.memref_slice %arg15[%dma_wait3A_344, %dma_wait3A_345] : memref<10112x64xf32, #tpu.memory_space<vmem_shared>> -> memref<10112x64xf32, #tpu.memory_space<vmem_shared>>
      tpu.wait_indirect_dma semaphore(%arg20 : memref<!tpu.dma_semaphore, #tpu.memory_space<semaphore_mem>>) src(%arg12 : memref<128x64xf32, #tpu.memory_space<vmem>>) dst(%dma_wait3A_346 : memref<10112x64xf32, #tpu.memory_space<vmem_shared>>)
      %add3A_347 = arith.constant 2 : i32
      %add3A_348 = arith.addi %add3A_325, %add3A_347 : i32
      %add3A_349 = arith.addi %mul3A_10, %add3A_348 : i32
      %dma_start3A_350 = arith.constant 0 : i32
      %dma_start3A_351 = tpu.memref_slice %arg3[%add3A_349, %dma_start3A_350] : memref<2592x128xi32, #tpu.memory_space<hbm>> -> memref<1x128xi32, #tpu.memory_space<hbm>>
      %dma_start3A_352 = tpu.memref_squeeze %dma_start3A_351 : memref<1x128xi32, #tpu.memory_space<hbm>> -> memref<128xi32, #tpu.memory_space<hbm>>
      %dma_start3A_353 = arith.constant 0 : i32
      %dma_start3A_354 = tpu.memref_slice %arg3[%add3A_349, %dma_start3A_353] : memref<2592x128xi32, #tpu.memory_space<hbm>> -> memref<1x128xi32, #tpu.memory_space<hbm>>
      %dma_start3A_355 = tpu.memref_squeeze %dma_start3A_354 : memref<1x128xi32, #tpu.memory_space<hbm>> -> memref<128xi32, #tpu.memory_space<hbm>>
      tpu.enqueue_dma source(%dma_start3A_355 : memref<128xi32, #tpu.memory_space<hbm>>) target(%arg9 : memref<128xi32, #tpu.memory_space<vmem>>) target_semaphore(%arg23 : memref<!tpu.dma_semaphore, #tpu.memory_space<semaphore_mem>>)
      %add3A_356 = arith.constant 2 : i32
      %add3A_357 = arith.addi %add3A_325, %add3A_356 : i32
      %dma_start3A_358 = arith.constant 0 : i32
      %dma_start3A_359 = tpu.memref_slice %arg7[%add3A_357, %dma_start3A_358] : memref<162x128xi32, #tpu.memory_space<vmem>> -> memref<1x128xi32, #tpu.memory_space<vmem>>
      %dma_start3A_360 = tpu.memref_squeeze %dma_start3A_359 : memref<1x128xi32, #tpu.memory_space<vmem>> -> memref<128xi32, #tpu.memory_space<vmem>>
      %dma_start3A_361 = arith.constant 0 : i32
      %dma_start3A_362 = arith.constant 0 : i32
      %dma_start3A_363 = tpu.memref_slice %arg14[%dma_start3A_361, %dma_start3A_362] : memref<10112x64xf32, #tpu.memory_space<vmem_shared>> -> memref<10112x64xf32, #tpu.memory_space<vmem_shared>>
      tpu.enqueue_indirect_dma source(%dma_start3A_363 : memref<10112x64xf32, #tpu.memory_space<vmem_shared>>) target(%arg12 : memref<128x64xf32, #tpu.memory_space<vmem>>) offsets(%dma_start3A_360 : memref<128xi32, #tpu.memory_space<vmem>>) semaphore(%arg17 : memref<!tpu.dma_semaphore, #tpu.memory_space<semaphore_mem>>)
    }
    %scan3A_148 = arith.constant 52 : i32
    %dma_wait3A_149 = arith.constant 159 : i32
    %dma_wait3A_150 = arith.constant 0 : i32
    %dma_wait3A_151 = tpu.memref_slice %arg7[%dma_wait3A_149, %dma_wait3A_150] : memref<162x128xi32, #tpu.memory_space<vmem>> -> memref<1x128xi32, #tpu.memory_space<vmem>>
    %dma_wait3A_152 = tpu.memref_squeeze %dma_wait3A_151 : memref<1x128xi32, #tpu.memory_space<vmem>> -> memref<128xi32, #tpu.memory_space<vmem>>
    %dma_wait3A_153 = arith.constant 0 : i32
    %dma_wait3A_154 = arith.constant 0 : i32
    %dma_wait3A_155 = tpu.memref_slice %arg14[%dma_wait3A_153, %dma_wait3A_154] : memref<10112x64xf32, #tpu.memory_space<vmem_shared>> -> memref<10112x64xf32, #tpu.memory_space<vmem_shared>>
    tpu.wait_indirect_dma semaphore(%arg16 : memref<!tpu.dma_semaphore, #tpu.memory_space<semaphore_mem>>) src(%dma_wait3A_155 : memref<10112x64xf32, #tpu.memory_space<vmem_shared>>) dst(%arg11 : memref<128x64xf32, #tpu.memory_space<vmem>>)
    %add3A_156 = arith.constant 159 : i32
    %add3A_157 = arith.addi %mul3A_10, %add3A_156 : i32
    %dma_wait3A_158 = arith.constant 0 : i32
    %dma_wait3A_159 = tpu.memref_slice %arg3[%add3A_157, %dma_wait3A_158] : memref<2592x128xi32, #tpu.memory_space<hbm>> -> memref<1x128xi32, #tpu.memory_space<hbm>>
    %dma_wait3A_160 = tpu.memref_squeeze %dma_wait3A_159 : memref<1x128xi32, #tpu.memory_space<hbm>> -> memref<128xi32, #tpu.memory_space<hbm>>
    %dma_wait3A_161 = arith.constant 0 : i32
    %dma_wait3A_162 = tpu.memref_slice %arg3[%add3A_157, %dma_wait3A_161] : memref<2592x128xi32, #tpu.memory_space<hbm>> -> memref<1x128xi32, #tpu.memory_space<hbm>>
    %dma_wait3A_163 = tpu.memref_squeeze %dma_wait3A_162 : memref<1x128xi32, #tpu.memory_space<hbm>> -> memref<128xi32, #tpu.memory_space<hbm>>
    tpu.wait_dma2 semaphore(%arg22 : memref<!tpu.dma_semaphore, #tpu.memory_space<semaphore_mem>>) src(%dma_wait3A_163 : memref<128xi32, #tpu.memory_space<hbm>>) dst(%arg8 : memref<128xi32, #tpu.memory_space<vmem>>)
    %dma_start3A_164 = arith.constant 0 : i32
    %dma_start3A_165 = arith.constant 0 : i32
    %dma_start3A_166 = tpu.memref_slice %arg15[%dma_start3A_164, %dma_start3A_165] : memref<10112x64xf32, #tpu.memory_space<vmem_shared>> -> memref<10112x64xf32, #tpu.memory_space<vmem_shared>>
    tpu.enqueue_indirect_dma source(%arg11 : memref<128x64xf32, #tpu.memory_space<vmem>>) target(%dma_start3A_166 : memref<10112x64xf32, #tpu.memory_space<vmem_shared>>) offsets(%arg8 : memref<128xi32, #tpu.memory_space<vmem>>) semaphore(%arg19 : memref<!tpu.dma_semaphore, #tpu.memory_space<semaphore_mem>>) {add = true}
    %dma_wait3A_167 = arith.constant 0 : i32
    %dma_wait3A_168 = arith.constant 0 : i32
    %dma_wait3A_169 = tpu.memref_slice %arg15[%dma_wait3A_167, %dma_wait3A_168] : memref<10112x64xf32, #tpu.memory_space<vmem_shared>> -> memref<10112x64xf32, #tpu.memory_space<vmem_shared>>
    tpu.wait_indirect_dma semaphore(%arg21 : memref<!tpu.dma_semaphore, #tpu.memory_space<semaphore_mem>>) src(%arg13 : memref<128x64xf32, #tpu.memory_space<vmem>>) dst(%dma_wait3A_169 : memref<10112x64xf32, #tpu.memory_space<vmem_shared>>)
    %add3A_170 = arith.constant 161 : i32
    %add3A_171 = arith.addi %mul3A_10, %add3A_170 : i32
    %dma_start3A_172 = arith.constant 0 : i32
    %dma_start3A_173 = tpu.memref_slice %arg3[%add3A_171, %dma_start3A_172] : memref<2592x128xi32, #tpu.memory_space<hbm>> -> memref<1x128xi32, #tpu.memory_space<hbm>>
    %dma_start3A_174 = tpu.memref_squeeze %dma_start3A_173 : memref<1x128xi32, #tpu.memory_space<hbm>> -> memref<128xi32, #tpu.memory_space<hbm>>
    %dma_start3A_175 = arith.constant 0 : i32
    %dma_start3A_176 = tpu.memref_slice %arg3[%add3A_171, %dma_start3A_175] : memref<2592x128xi32, #tpu.memory_space<hbm>> -> memref<1x128xi32, #tpu.memory_space<hbm>>
    %dma_start3A_177 = tpu.memref_squeeze %dma_start3A_176 : memref<1x128xi32, #tpu.memory_space<hbm>> -> memref<128xi32, #tpu.memory_space<hbm>>
    tpu.enqueue_dma source(%dma_start3A_177 : memref<128xi32, #tpu.memory_space<hbm>>) target(%arg10 : memref<128xi32, #tpu.memory_space<vmem>>) target_semaphore(%arg24 : memref<!tpu.dma_semaphore, #tpu.memory_space<semaphore_mem>>)
    %dma_start3A_178 = arith.constant 161 : i32
    %dma_start3A_179 = arith.constant 0 : i32
    %dma_start3A_180 = tpu.memref_slice %arg7[%dma_start3A_178, %dma_start3A_179] : memref<162x128xi32, #tpu.memory_space<vmem>> -> memref<1x128xi32, #tpu.memory_space<vmem>>
    %dma_start3A_181 = tpu.memref_squeeze %dma_start3A_180 : memref<1x128xi32, #tpu.memory_space<vmem>> -> memref<128xi32, #tpu.memory_space<vmem>>
    %dma_start3A_182 = arith.constant 0 : i32
    %dma_start3A_183 = arith.constant 0 : i32
    %dma_start3A_184 = tpu.memref_slice %arg14[%dma_start3A_182, %dma_start3A_183] : memref<10112x64xf32, #tpu.memory_space<vmem_shared>> -> memref<10112x64xf32, #tpu.memory_space<vmem_shared>>
    tpu.enqueue_indirect_dma source(%dma_start3A_184 : memref<10112x64xf32, #tpu.memory_space<vmem_shared>>) target(%arg13 : memref<128x64xf32, #tpu.memory_space<vmem>>) offsets(%dma_start3A_181 : memref<128xi32, #tpu.memory_space<vmem>>) semaphore(%arg18 : memref<!tpu.dma_semaphore, #tpu.memory_space<semaphore_mem>>)
    %dma_wait3A_185 = arith.constant 160 : i32
    %dma_wait3A_186 = arith.constant 0 : i32
    %dma_wait3A_187 = tpu.memref_slice %arg7[%dma_wait3A_185, %dma_wait3A_186] : memref<162x128xi32, #tpu.memory_space<vmem>> -> memref<1x128xi32, #tpu.memory_space<vmem>>
    %dma_wait3A_188 = tpu.memref_squeeze %dma_wait3A_187 : memref<1x128xi32, #tpu.memory_space<vmem>> -> memref<128xi32, #tpu.memory_space<vmem>>
    %dma_wait3A_189 = arith.constant 0 : i32
    %dma_wait3A_190 = arith.constant 0 : i32
    %dma_wait3A_191 = tpu.memref_slice %arg14[%dma_wait3A_189, %dma_wait3A_190] : memref<10112x64xf32, #tpu.memory_space<vmem_shared>> -> memref<10112x64xf32, #tpu.memory_space<vmem_shared>>
    tpu.wait_indirect_dma semaphore(%arg17 : memref<!tpu.dma_semaphore, #tpu.memory_space<semaphore_mem>>) src(%dma_wait3A_191 : memref<10112x64xf32, #tpu.memory_space<vmem_shared>>) dst(%arg12 : memref<128x64xf32, #tpu.memory_space<vmem>>)
    %add3A_192 = arith.constant 160 : i32
    %add3A_193 = arith.addi %mul3A_10, %add3A_192 : i32
    %dma_wait3A_194 = arith.constant 0 : i32
    %dma_wait3A_195 = tpu.memref_slice %arg3[%add3A_193, %dma_wait3A_194] : memref<2592x128xi32, #tpu.memory_space<hbm>> -> memref<1x128xi32, #tpu.memory_space<hbm>>
    %dma_wait3A_196 = tpu.memref_squeeze %dma_wait3A_195 : memref<1x128xi32, #tpu.memory_space<hbm>> -> memref<128xi32, #tpu.memory_space<hbm>>
    %dma_wait3A_197 = arith.constant 0 : i32
    %dma_wait3A_198 = tpu.memref_slice %arg3[%add3A_193, %dma_wait3A_197] : memref<2592x128xi32, #tpu.memory_space<hbm>> -> memref<1x128xi32, #tpu.memory_space<hbm>>
    %dma_wait3A_199 = tpu.memref_squeeze %dma_wait3A_198 : memref<1x128xi32, #tpu.memory_space<hbm>> -> memref<128xi32, #tpu.memory_space<hbm>>
    tpu.wait_dma2 semaphore(%arg23 : memref<!tpu.dma_semaphore, #tpu.memory_space<semaphore_mem>>) src(%dma_wait3A_199 : memref<128xi32, #tpu.memory_space<hbm>>) dst(%arg9 : memref<128xi32, #tpu.memory_space<vmem>>)
    %dma_start3A_200 = arith.constant 0 : i32
    %dma_start3A_201 = arith.constant 0 : i32
    %dma_start3A_202 = tpu.memref_slice %arg15[%dma_start3A_200, %dma_start3A_201] : memref<10112x64xf32, #tpu.memory_space<vmem_shared>> -> memref<10112x64xf32, #tpu.memory_space<vmem_shared>>
    tpu.enqueue_indirect_dma source(%arg12 : memref<128x64xf32, #tpu.memory_space<vmem>>) target(%dma_start3A_202 : memref<10112x64xf32, #tpu.memory_space<vmem_shared>>) offsets(%arg9 : memref<128xi32, #tpu.memory_space<vmem>>) semaphore(%arg20 : memref<!tpu.dma_semaphore, #tpu.memory_space<semaphore_mem>>) {add = true}
    %dma_wait3A_203 = arith.constant 0 : i32
    %dma_wait3A_204 = arith.constant 0 : i32
    %dma_wait3A_205 = tpu.memref_slice %arg15[%dma_wait3A_203, %dma_wait3A_204] : memref<10112x64xf32, #tpu.memory_space<vmem_shared>> -> memref<10112x64xf32, #tpu.memory_space<vmem_shared>>
    tpu.wait_indirect_dma semaphore(%arg19 : memref<!tpu.dma_semaphore, #tpu.memory_space<semaphore_mem>>) src(%arg11 : memref<128x64xf32, #tpu.memory_space<vmem>>) dst(%dma_wait3A_205 : memref<10112x64xf32, #tpu.memory_space<vmem_shared>>)
    %dma_wait3A_206 = arith.constant 161 : i32
    %dma_wait3A_207 = arith.constant 0 : i32
    %dma_wait3A_208 = tpu.memref_slice %arg7[%dma_wait3A_206, %dma_wait3A_207] : memref<162x128xi32, #tpu.memory_space<vmem>> -> memref<1x128xi32, #tpu.memory_space<vmem>>
    %dma_wait3A_209 = tpu.memref_squeeze %dma_wait3A_208 : memref<1x128xi32, #tpu.memory_space<vmem>> -> memref<128xi32, #tpu.memory_space<vmem>>
    %dma_wait3A_210 = arith.constant 0 : i32
    %dma_wait3A_211 = arith.constant 0 : i32
    %dma_wait3A_212 = tpu.memref_slice %arg14[%dma_wait3A_210, %dma_wait3A_211] : memref<10112x64xf32, #tpu.memory_space<vmem_shared>> -> memref<10112x64xf32, #tpu.memory_space<vmem_shared>>
    tpu.wait_indirect_dma semaphore(%arg18 : memref<!tpu.dma_semaphore, #tpu.memory_space<semaphore_mem>>) src(%dma_wait3A_212 : memref<10112x64xf32, #tpu.memory_space<vmem_shared>>) dst(%arg13 : memref<128x64xf32, #tpu.memory_space<vmem>>)
    %add3A_213 = arith.constant 161 : i32
    %add3A_214 = arith.addi %mul3A_10, %add3A_213 : i32
    %dma_wait3A_215 = arith.constant 0 : i32
    %dma_wait3A_216 = tpu.memref_slice %arg3[%add3A_214, %dma_wait3A_215] : memref<2592x128xi32, #tpu.memory_space<hbm>> -> memref<1x128xi32, #tpu.memory_space<hbm>>
    %dma_wait3A_217 = tpu.memref_squeeze %dma_wait3A_216 : memref<1x128xi32, #tpu.memory_space<hbm>> -> memref<128xi32, #tpu.memory_space<hbm>>
    %dma_wait3A_218 = arith.constant 0 : i32
    %dma_wait3A_219 = tpu.memref_slice %arg3[%add3A_214, %dma_wait3A_218] : memref<2592x128xi32, #tpu.memory_space<hbm>> -> memref<1x128xi32, #tpu.memory_space<hbm>>
    %dma_wait3A_220 = tpu.memref_squeeze %dma_wait3A_219 : memref<1x128xi32, #tpu.memory_space<hbm>> -> memref<128xi32, #tpu.memory_space<hbm>>
    tpu.wait_dma2 semaphore(%arg24 : memref<!tpu.dma_semaphore, #tpu.memory_space<semaphore_mem>>) src(%dma_wait3A_220 : memref<128xi32, #tpu.memory_space<hbm>>) dst(%arg10 : memref<128xi32, #tpu.memory_space<vmem>>)
    %dma_start3A_221 = arith.constant 0 : i32
    %dma_start3A_222 = arith.constant 0 : i32
    %dma_start3A_223 = tpu.memref_slice %arg15[%dma_start3A_221, %dma_start3A_222] : memref<10112x64xf32, #tpu.memory_space<vmem_shared>> -> memref<10112x64xf32, #tpu.memory_space<vmem_shared>>
    tpu.enqueue_indirect_dma source(%arg13 : memref<128x64xf32, #tpu.memory_space<vmem>>) target(%dma_start3A_223 : memref<10112x64xf32, #tpu.memory_space<vmem_shared>>) offsets(%arg10 : memref<128xi32, #tpu.memory_space<vmem>>) semaphore(%arg21 : memref<!tpu.dma_semaphore, #tpu.memory_space<semaphore_mem>>) {add = true}
    %dma_wait3A_224 = arith.constant 0 : i32
    %dma_wait3A_225 = arith.constant 0 : i32
    %dma_wait3A_226 = tpu.memref_slice %arg15[%dma_wait3A_224, %dma_wait3A_225] : memref<10112x64xf32, #tpu.memory_space<vmem_shared>> -> memref<10112x64xf32, #tpu.memory_space<vmem_shared>>
    tpu.wait_indirect_dma semaphore(%arg20 : memref<!tpu.dma_semaphore, #tpu.memory_space<semaphore_mem>>) src(%arg12 : memref<128x64xf32, #tpu.memory_space<vmem>>) dst(%dma_wait3A_226 : memref<10112x64xf32, #tpu.memory_space<vmem_shared>>)
    %dma_wait3A_227 = arith.constant 0 : i32
    %dma_wait3A_228 = arith.constant 0 : i32
    %dma_wait3A_229 = tpu.memref_slice %arg15[%dma_wait3A_227, %dma_wait3A_228] : memref<10112x64xf32, #tpu.memory_space<vmem_shared>> -> memref<10112x64xf32, #tpu.memory_space<vmem_shared>>
    tpu.wait_indirect_dma semaphore(%arg21 : memref<!tpu.dma_semaphore, #tpu.memory_space<semaphore_mem>>) src(%arg13 : memref<128x64xf32, #tpu.memory_space<vmem>>) dst(%dma_wait3A_229 : memref<10112x64xf32, #tpu.memory_space<vmem_shared>>)
    %barrier3A_230 = arith.constant 0 : index
    tpu.barrier barrier_id(%barrier3A_230)
    %mul3A_231 = arith.constant 632 : i32
    %mul3A_232 = arith.muli %arg1, %mul3A_231 : i32
    %mul3A_233 = arith.constant 12800 : i32
    %mul3A_234 = arith.muli %arg0, %mul3A_233 : i32
    %mul3A_235 = arith.constant 632 : i32
    %mul3A_236 = arith.muli %arg1, %mul3A_235 : i32
    %add3A_237 = arith.addi %mul3A_234, %mul3A_236 : i32
    "tpu.region"() ({
      %run_scoped3A = tpu.sem_alloc : memref<!tpu.dma_semaphore, #tpu.memory_space<semaphore_mem>>
      %dma_start3A_238 = arith.constant 0 : i32
      %dma_start3A_239 = tpu.memref_slice %arg6[%add3A_237, %dma_start3A_238] : memref<25600x64xf32, #tpu.memory_space<hbm>> -> memref<632x64xf32, #tpu.memory_space<hbm>>
      %dma_start3A_240 = arith.constant 0 : i32
      %dma_start3A_241 = tpu.memref_slice %arg15[%mul3A_232, %dma_start3A_240] : memref<10112x64xf32, #tpu.memory_space<vmem_shared>> -> memref<632x64xf32, #tpu.memory_space<vmem_shared>>
      tpu.enqueue_dma source(%dma_start3A_241 : memref<632x64xf32, #tpu.memory_space<vmem_shared>>) target(%dma_start3A_239 : memref<632x64xf32, #tpu.memory_space<hbm>>) target_semaphore(%run_scoped3A : memref<!tpu.dma_semaphore, #tpu.memory_space<semaphore_mem>>)
      %dma_wait3A_242 = arith.constant 0 : i32
      %dma_wait3A_243 = tpu.memref_slice %arg6[%add3A_237, %dma_wait3A_242] : memref<25600x64xf32, #tpu.memory_space<hbm>> -> memref<632x64xf32, #tpu.memory_space<hbm>>
      %dma_wait3A_244 = arith.constant 0 : i32
      %dma_wait3A_245 = tpu.memref_slice %arg15[%mul3A_232, %dma_wait3A_244] : memref<10112x64xf32, #tpu.memory_space<vmem_shared>> -> memref<632x64xf32, #tpu.memory_space<vmem_shared>>
      tpu.wait_dma2 semaphore(%run_scoped3A : memref<!tpu.dma_semaphore, #tpu.memory_space<semaphore_mem>>) src(%dma_wait3A_245 : memref<632x64xf32, #tpu.memory_space<vmem_shared>>) dst(%dma_wait3A_243 : memref<632x64xf32, #tpu.memory_space<hbm>>)
      tpu.yield
    }) : () -> ()
    return
  }
}

module attributes {stable_mosaic.version = 14 : i64} {
  func.func @_prep_body(%arg0: i32, %arg1: memref<400x16xf32, #tpu.memory_space<vmem>>, %arg2: memref<400x16xf32, #tpu.memory_space<vmem>>, %arg3: memref<400x128xf32, #tpu.memory_space<vmem>>, %arg4: memref<400x1xf32, #tpu.memory_space<vmem>>, %arg5: memref<2x400x64xf32, #tpu.memory_space<vmem>>) attributes {dimension_semantics = [#tpu.dimension_semantics<arbitrary>], iteration_bounds = array<i64: 25>, scalar_prefetch = 0 : i64, scratch_operands = 0 : i64, tpu.core_type = #tpu.core_type<tc>, window_params = [{transform_indices = @transform_0, window_bounds = array<i64: 400, 16>}, {transform_indices = @transform_1, window_bounds = array<i64: 400, 16>}, {transform_indices = @transform_2, window_bounds = array<i64: 400, 128>}, {transform_indices = @transform_3, window_bounds = array<i64: 400, 1>}, {transform_indices = @transform_4, window_bounds = array<i64: 2, 400, 64>}]} {
    %get3A = arith.constant 0 : index
    %get3A_0 = arith.constant 0 : index
    %get3A_1 = vector.load %arg1[%get3A, %get3A_0] : memref<400x16xf32, #tpu.memory_space<vmem>>, vector<400x16xf32>
    %get3A_2 = arith.constant 0 : index
    %get3A_3 = arith.constant 0 : index
    %get3A_4 = vector.load %arg2[%get3A_2, %get3A_3] : memref<400x16xf32, #tpu.memory_space<vmem>>, vector<400x16xf32>
    %add3A = arith.addf %get3A_1, %get3A_4 : vector<400x16xf32>
    %slice3A = vector.extract_strided_slice %add3A {offsets = [0, 0], sizes = [400, 1], strides = [1, 1]} : vector<400x16xf32> to vector<400x1xf32>
    %max3A = arith.constant 1.000000e+00 : f32
    %max3A_5 = vector.broadcast %max3A : f32 to vector<400x1xf32>
    %max3A_6 = arith.maximumf %slice3A, %max3A_5 : vector<400x1xf32>
    %rsqrt3A = math.rsqrt %max3A_6 : vector<400x1xf32>
    %swap3A = arith.constant 0 : index
    %swap3A_7 = arith.constant 0 : index
    %swap3A_8 = vector.load %arg4[%swap3A, %swap3A_7] : memref<400x1xf32, #tpu.memory_space<vmem>>, vector<400x1xf32>
    tpu.vector_store %arg4[%swap3A, %swap3A_7], %rsqrt3A {strides = array<i32>} : memref<400x1xf32, #tpu.memory_space<vmem>>, vector<400x1xf32>,
    %get3A_9 = arith.constant 0 : index
    %get3A_10 = arith.constant 0 : index
    %get3A_11 = vector.load %arg3[%get3A_9, %get3A_10] : memref<400x128xf32, #tpu.memory_space<vmem>>, vector<400x128xf32>
    %mul3A = vector.broadcast %rsqrt3A : vector<400x1xf32> to vector<400x128xf32>
    %mul3A_12 = arith.mulf %get3A_11, %mul3A : vector<400x128xf32>
    %slice3A_13 = vector.extract_strided_slice %mul3A_12 {offsets = [0, 0], sizes = [400, 64], strides = [1, 1]} : vector<400x128xf32> to vector<400x64xf32>
    %swap3A_14 = arith.constant 0 : index
    %swap3A_15 = arith.constant 0 : index
    %swap3A_16 = arith.constant 0 : index
    %swap3A_17 = vector.load %arg5[%swap3A_14, %swap3A_15, %swap3A_16] : memref<2x400x64xf32, #tpu.memory_space<vmem>>, vector<1x400x64xf32>
    %swap3A_18 = vector.shape_cast %swap3A_17 : vector<1x400x64xf32> to vector<400x64xf32>
    %swap3A_19 = vector.shape_cast %slice3A_13 : vector<400x64xf32> to vector<1x400x64xf32>
    tpu.vector_store %arg5[%swap3A_14, %swap3A_15, %swap3A_16], %swap3A_19 {strides = array<i32>} : memref<2x400x64xf32, #tpu.memory_space<vmem>>, vector<1x400x64xf32>,
    %slice3A_20 = vector.extract_strided_slice %mul3A_12 {offsets = [0, 64], sizes = [400, 64], strides = [1, 1]} : vector<400x128xf32> to vector<400x64xf32>
    %swap3A_21 = arith.constant 1 : index
    %swap3A_22 = arith.constant 0 : index
    %swap3A_23 = arith.constant 0 : index
    %swap3A_24 = vector.load %arg5[%swap3A_21, %swap3A_22, %swap3A_23] : memref<2x400x64xf32, #tpu.memory_space<vmem>>, vector<1x400x64xf32>
    %swap3A_25 = vector.shape_cast %swap3A_24 : vector<1x400x64xf32> to vector<400x64xf32>
    %swap3A_26 = vector.shape_cast %slice3A_20 : vector<400x64xf32> to vector<1x400x64xf32>
    tpu.vector_store %arg5[%swap3A_21, %swap3A_22, %swap3A_23], %swap3A_26 {strides = array<i32>} : memref<2x400x64xf32, #tpu.memory_space<vmem>>, vector<1x400x64xf32>,
    return
  }
  func.func @transform_0(%arg0: i32) -> (i32, i32) {
    %c0_i32 = arith.constant 0 : i32
    %c0_i32_0 = arith.constant 0 : i32
    return %arg0, %c0_i32 : i32, i32
  }
  func.func @transform_1(%arg0: i32) -> (i32, i32) {
    %add3A = arith.constant 32 : i32
    %add3A_0 = arith.addi %arg0, %add3A : i32
    %c0_i32 = arith.constant 0 : i32
    %c0_i32_1 = arith.constant 0 : i32
    return %add3A_0, %c0_i32 : i32, i32
  }
  func.func @transform_2(%arg0: i32) -> (i32, i32) {
    %c0_i32 = arith.constant 0 : i32
    %c0_i32_0 = arith.constant 0 : i32
    return %arg0, %c0_i32 : i32, i32
  }
  func.func @transform_3(%arg0: i32) -> (i32, i32) {
    %c0_i32 = arith.constant 0 : i32
    %c0_i32_0 = arith.constant 0 : i32
    return %arg0, %c0_i32 : i32, i32
  }
  func.func @transform_4(%arg0: i32) -> (i32, i32, i32) {
    %c0_i32 = arith.constant 0 : i32
    %c0_i32_0 = arith.constant 0 : i32
    %c0_i32_1 = arith.constant 0 : i32
    return %c0_i32, %arg0, %c0_i32_0 : i32, i32, i32
  }
}

module attributes {stable_mosaic.version = 14 : i64} {
  func.func @_layer_body(%arg0: i32, %arg1: memref<400x64xf32, #tpu.memory_space<vmem>>, %arg2: memref<400x64xf32, #tpu.memory_space<vmem>>, %arg3: memref<400x1xf32, #tpu.memory_space<vmem>>, %arg4: memref<128x128xf32, #tpu.memory_space<vmem>>, %arg5: memref<400x128xf32, #tpu.memory_space<vmem>>, %arg6: memref<2x400x64xf32, #tpu.memory_space<vmem>>) attributes {dimension_semantics = [#tpu.dimension_semantics<arbitrary>], iteration_bounds = array<i64: 25>, scalar_prefetch = 0 : i64, scratch_operands = 0 : i64, tpu.core_type = #tpu.core_type<tc>, window_params = [{transform_indices = @transform_0, window_bounds = array<i64: 400, 64>}, {transform_indices = @transform_1, window_bounds = array<i64: 400, 64>}, {transform_indices = @transform_2, window_bounds = array<i64: 400, 1>}, {pipeline_mode = #tpu.pipeline_mode<synchronous>, transform_indices = @transform_3, window_bounds = array<i64: 128, 128>}, {transform_indices = @transform_4, window_bounds = array<i64: 400, 128>}, {transform_indices = @transform_5, window_bounds = array<i64: 2, 400, 64>}]} {
    %get3A = arith.constant 0 : index
    %get3A_0 = arith.constant 0 : index
    %get3A_1 = vector.load %arg1[%get3A, %get3A_0] : memref<400x64xf32, #tpu.memory_space<vmem>>, vector<400x64xf32>
    %get3A_2 = arith.constant 0 : index
    %get3A_3 = arith.constant 0 : index
    %get3A_4 = vector.load %arg2[%get3A_2, %get3A_3] : memref<400x64xf32, #tpu.memory_space<vmem>>, vector<400x64xf32>
    %concatenate3A = tpu.concatenate %get3A_1, %get3A_4 in 1 : vector<400x64xf32>, vector<400x64xf32> -> vector<400x128xf32>
    %get3A_5 = arith.constant 0 : index
    %get3A_6 = arith.constant 0 : index
    %get3A_7 = vector.load %arg3[%get3A_5, %get3A_6] : memref<400x1xf32, #tpu.memory_space<vmem>>, vector<400x1xf32>
    %mul3A = vector.broadcast %get3A_7 : vector<400x1xf32> to vector<400x128xf32>
    %mul3A_8 = arith.mulf %concatenate3A, %mul3A : vector<400x128xf32>
    %get3A_9 = arith.constant 0 : index
    %get3A_10 = arith.constant 0 : index
    %get3A_11 = vector.load %arg4[%get3A_9, %get3A_10] : memref<128x128xf32, #tpu.memory_space<vmem>>, vector<128x128xf32>
    %dot_general3A = arith.constant dense<0.000000e+00> : vector<400x128xf32>
    %dot_general3A_12 = tpu.matmul %mul3A_8, %get3A_11, %dot_general3A {dimension_numbers = #tpu.dot_dimension_numbers<[1], [0], [0], [1], [0, 0, 1, 1], [], []>, transpose_lhs_hint = false} : vector<400x128xf32>, vector<128x128xf32>, vector<400x128xf32> -> vector<400x128xf32>
    %swap3A = arith.constant 0 : index
    %swap3A_13 = arith.constant 0 : index
    %swap3A_14 = vector.load %arg5[%swap3A, %swap3A_13] : memref<400x128xf32, #tpu.memory_space<vmem>>, vector<400x128xf32>
    tpu.vector_store %arg5[%swap3A, %swap3A_13], %dot_general3A_12 {strides = array<i32>} : memref<400x128xf32, #tpu.memory_space<vmem>>, vector<400x128xf32>,
    %max3A = arith.constant 0.000000e+00 : f32
    %max3A_15 = vector.broadcast %max3A : f32 to vector<400x128xf32>
    %max3A_16 = arith.maximumf %dot_general3A_12, %max3A_15 : vector<400x128xf32>
    %get3A_17 = arith.constant 0 : index
    %get3A_18 = arith.constant 0 : index
    %get3A_19 = vector.load %arg3[%get3A_17, %get3A_18] : memref<400x1xf32, #tpu.memory_space<vmem>>, vector<400x1xf32>
    %mul3A_20 = vector.broadcast %get3A_19 : vector<400x1xf32> to vector<400x128xf32>
    %mul3A_21 = arith.mulf %max3A_16, %mul3A_20 : vector<400x128xf32>
    %slice3A = vector.extract_strided_slice %mul3A_21 {offsets = [0, 0], sizes = [400, 64], strides = [1, 1]} : vector<400x128xf32> to vector<400x64xf32>
    %swap3A_22 = arith.constant 0 : index
    %swap3A_23 = arith.constant 0 : index
    %swap3A_24 = arith.constant 0 : index
    %swap3A_25 = vector.load %arg6[%swap3A_22, %swap3A_23, %swap3A_24] : memref<2x400x64xf32, #tpu.memory_space<vmem>>, vector<1x400x64xf32>
    %swap3A_26 = vector.shape_cast %swap3A_25 : vector<1x400x64xf32> to vector<400x64xf32>
    %swap3A_27 = vector.shape_cast %slice3A : vector<400x64xf32> to vector<1x400x64xf32>
    tpu.vector_store %arg6[%swap3A_22, %swap3A_23, %swap3A_24], %swap3A_27 {strides = array<i32>} : memref<2x400x64xf32, #tpu.memory_space<vmem>>, vector<1x400x64xf32>,
    %slice3A_28 = vector.extract_strided_slice %mul3A_21 {offsets = [0, 64], sizes = [400, 64], strides = [1, 1]} : vector<400x128xf32> to vector<400x64xf32>
    %swap3A_29 = arith.constant 1 : index
    %swap3A_30 = arith.constant 0 : index
    %swap3A_31 = arith.constant 0 : index
    %swap3A_32 = vector.load %arg6[%swap3A_29, %swap3A_30, %swap3A_31] : memref<2x400x64xf32, #tpu.memory_space<vmem>>, vector<1x400x64xf32>
    %swap3A_33 = vector.shape_cast %swap3A_32 : vector<1x400x64xf32> to vector<400x64xf32>
    %swap3A_34 = vector.shape_cast %slice3A_28 : vector<400x64xf32> to vector<1x400x64xf32>
    tpu.vector_store %arg6[%swap3A_29, %swap3A_30, %swap3A_31], %swap3A_34 {strides = array<i32>} : memref<2x400x64xf32, #tpu.memory_space<vmem>>, vector<1x400x64xf32>,
    return
  }
  func.func @transform_0(%arg0: i32) -> (i32, i32) {
    %c0_i32 = arith.constant 0 : i32
    %c0_i32_0 = arith.constant 0 : i32
    return %arg0, %c0_i32 : i32, i32
  }
  func.func @transform_1(%arg0: i32) -> (i32, i32) {
    %add3A = arith.constant 32 : i32
    %add3A_0 = arith.addi %arg0, %add3A : i32
    %c0_i32 = arith.constant 0 : i32
    %c0_i32_1 = arith.constant 0 : i32
    return %add3A_0, %c0_i32 : i32, i32
  }
  func.func @transform_2(%arg0: i32) -> (i32, i32) {
    %c0_i32 = arith.constant 0 : i32
    %c0_i32_0 = arith.constant 0 : i32
    return %arg0, %c0_i32 : i32, i32
  }
  func.func @transform_3(%arg0: i32) -> (i32, i32) {
    %c0_i32 = arith.constant 0 : i32
    %c0_i32_0 = arith.constant 0 : i32
    %c0_i32_1 = arith.constant 0 : i32
    return %c0_i32, %c0_i32_0 : i32, i32
  }
  func.func @transform_4(%arg0: i32) -> (i32, i32) {
    %c0_i32 = arith.constant 0 : i32
    %c0_i32_0 = arith.constant 0 : i32
    return %arg0, %c0_i32 : i32, i32
  }
  func.func @transform_5(%arg0: i32) -> (i32, i32, i32) {
    %c0_i32 = arith.constant 0 : i32
    %c0_i32_0 = arith.constant 0 : i32
    %c0_i32_1 = arith.constant 0 : i32
    return %c0_i32, %arg0, %c0_i32_0 : i32, i32, i32
  }
}

module attributes {stable_mosaic.version = 14 : i64} {
  func.func @_layer_body(%arg0: i32, %arg1: memref<400x64xf32, #tpu.memory_space<vmem>>, %arg2: memref<400x64xf32, #tpu.memory_space<vmem>>, %arg3: memref<400x1xf32, #tpu.memory_space<vmem>>, %arg4: memref<128x128xf32, #tpu.memory_space<vmem>>, %arg5: memref<400x128xf32, #tpu.memory_space<vmem>>, %arg6: memref<2x400x64xf32, #tpu.memory_space<vmem>>) attributes {dimension_semantics = [#tpu.dimension_semantics<arbitrary>], iteration_bounds = array<i64: 25>, scalar_prefetch = 0 : i64, scratch_operands = 0 : i64, tpu.core_type = #tpu.core_type<tc>, window_params = [{transform_indices = @transform_0, window_bounds = array<i64: 400, 64>}, {transform_indices = @transform_1, window_bounds = array<i64: 400, 64>}, {transform_indices = @transform_2, window_bounds = array<i64: 400, 1>}, {pipeline_mode = #tpu.pipeline_mode<synchronous>, transform_indices = @transform_3, window_bounds = array<i64: 128, 128>}, {transform_indices = @transform_4, window_bounds = array<i64: 400, 128>}, {transform_indices = @transform_5, window_bounds = array<i64: 2, 400, 64>}]} {
    %get3A = arith.constant 0 : index
    %get3A_0 = arith.constant 0 : index
    %get3A_1 = vector.load %arg1[%get3A, %get3A_0] : memref<400x64xf32, #tpu.memory_space<vmem>>, vector<400x64xf32>
    %get3A_2 = arith.constant 0 : index
    %get3A_3 = arith.constant 0 : index
    %get3A_4 = vector.load %arg2[%get3A_2, %get3A_3] : memref<400x64xf32, #tpu.memory_space<vmem>>, vector<400x64xf32>
    %concatenate3A = tpu.concatenate %get3A_1, %get3A_4 in 1 : vector<400x64xf32>, vector<400x64xf32> -> vector<400x128xf32>
    %get3A_5 = arith.constant 0 : index
    %get3A_6 = arith.constant 0 : index
    %get3A_7 = vector.load %arg3[%get3A_5, %get3A_6] : memref<400x1xf32, #tpu.memory_space<vmem>>, vector<400x1xf32>
    %mul3A = vector.broadcast %get3A_7 : vector<400x1xf32> to vector<400x128xf32>
    %mul3A_8 = arith.mulf %concatenate3A, %mul3A : vector<400x128xf32>
    %get3A_9 = arith.constant 0 : index
    %get3A_10 = arith.constant 0 : index
    %get3A_11 = vector.load %arg4[%get3A_9, %get3A_10] : memref<128x128xf32, #tpu.memory_space<vmem>>, vector<128x128xf32>
    %dot_general3A = arith.constant dense<0.000000e+00> : vector<400x128xf32>
    %dot_general3A_12 = tpu.matmul %mul3A_8, %get3A_11, %dot_general3A {dimension_numbers = #tpu.dot_dimension_numbers<[1], [0], [0], [1], [0, 0, 1, 1], [], []>, transpose_lhs_hint = false} : vector<400x128xf32>, vector<128x128xf32>, vector<400x128xf32> -> vector<400x128xf32>
    %swap3A = arith.constant 0 : index
    %swap3A_13 = arith.constant 0 : index
    %swap3A_14 = vector.load %arg5[%swap3A, %swap3A_13] : memref<400x128xf32, #tpu.memory_space<vmem>>, vector<400x128xf32>
    tpu.vector_store %arg5[%swap3A, %swap3A_13], %dot_general3A_12 {strides = array<i32>} : memref<400x128xf32, #tpu.memory_space<vmem>>, vector<400x128xf32>,
    %max3A = arith.constant 0.000000e+00 : f32
    %max3A_15 = vector.broadcast %max3A : f32 to vector<400x128xf32>
    %max3A_16 = arith.maximumf %dot_general3A_12, %max3A_15 : vector<400x128xf32>
    %get3A_17 = arith.constant 0 : index
    %get3A_18 = arith.constant 0 : index
    %get3A_19 = vector.load %arg3[%get3A_17, %get3A_18] : memref<400x1xf32, #tpu.memory_space<vmem>>, vector<400x1xf32>
    %mul3A_20 = vector.broadcast %get3A_19 : vector<400x1xf32> to vector<400x128xf32>
    %mul3A_21 = arith.mulf %max3A_16, %mul3A_20 : vector<400x128xf32>
    %slice3A = vector.extract_strided_slice %mul3A_21 {offsets = [0, 0], sizes = [400, 64], strides = [1, 1]} : vector<400x128xf32> to vector<400x64xf32>
    %swap3A_22 = arith.constant 0 : index
    %swap3A_23 = arith.constant 0 : index
    %swap3A_24 = arith.constant 0 : index
    %swap3A_25 = vector.load %arg6[%swap3A_22, %swap3A_23, %swap3A_24] : memref<2x400x64xf32, #tpu.memory_space<vmem>>, vector<1x400x64xf32>
    %swap3A_26 = vector.shape_cast %swap3A_25 : vector<1x400x64xf32> to vector<400x64xf32>
    %swap3A_27 = vector.shape_cast %slice3A : vector<400x64xf32> to vector<1x400x64xf32>
    tpu.vector_store %arg6[%swap3A_22, %swap3A_23, %swap3A_24], %swap3A_27 {strides = array<i32>} : memref<2x400x64xf32, #tpu.memory_space<vmem>>, vector<1x400x64xf32>,
    %slice3A_28 = vector.extract_strided_slice %mul3A_21 {offsets = [0, 64], sizes = [400, 64], strides = [1, 1]} : vector<400x128xf32> to vector<400x64xf32>
    %swap3A_29 = arith.constant 1 : index
    %swap3A_30 = arith.constant 0 : index
    %swap3A_31 = arith.constant 0 : index
    %swap3A_32 = vector.load %arg6[%swap3A_29, %swap3A_30, %swap3A_31] : memref<2x400x64xf32, #tpu.memory_space<vmem>>, vector<1x400x64xf32>
    %swap3A_33 = vector.shape_cast %swap3A_32 : vector<1x400x64xf32> to vector<400x64xf32>
    %swap3A_34 = vector.shape_cast %slice3A_28 : vector<400x64xf32> to vector<1x400x64xf32>
    tpu.vector_store %arg6[%swap3A_29, %swap3A_30, %swap3A_31], %swap3A_34 {strides = array<i32>} : memref<2x400x64xf32, #tpu.memory_space<vmem>>, vector<1x400x64xf32>,
    return
  }
  func.func @transform_0(%arg0: i32) -> (i32, i32) {
    %c0_i32 = arith.constant 0 : i32
    %c0_i32_0 = arith.constant 0 : i32
    return %arg0, %c0_i32 : i32, i32
  }
  func.func @transform_1(%arg0: i32) -> (i32, i32) {
    %add3A = arith.constant 32 : i32
    %add3A_0 = arith.addi %arg0, %add3A : i32
    %c0_i32 = arith.constant 0 : i32
    %c0_i32_1 = arith.constant 0 : i32
    return %add3A_0, %c0_i32 : i32, i32
  }
  func.func @transform_2(%arg0: i32) -> (i32, i32) {
    %c0_i32 = arith.constant 0 : i32
    %c0_i32_0 = arith.constant 0 : i32
    return %arg0, %c0_i32 : i32, i32
  }
  func.func @transform_3(%arg0: i32) -> (i32, i32) {
    %c0_i32 = arith.constant 0 : i32
    %c0_i32_0 = arith.constant 0 : i32
    %c0_i32_1 = arith.constant 0 : i32
    return %c0_i32, %c0_i32_0 : i32, i32
  }
  func.func @transform_4(%arg0: i32) -> (i32, i32) {
    %c0_i32 = arith.constant 0 : i32
    %c0_i32_0 = arith.constant 0 : i32
    return %arg0, %c0_i32 : i32, i32
  }
  func.func @transform_5(%arg0: i32) -> (i32, i32, i32) {
    %c0_i32 = arith.constant 0 : i32
    %c0_i32_0 = arith.constant 0 : i32
    %c0_i32_1 = arith.constant 0 : i32
    return %c0_i32, %arg0, %c0_i32_0 : i32, i32, i32
  }
}

</mosaic_0001>

<sc_bundles>
// kernel: closed_call.20.cloned.1.call-start
scs
__scs_entry_jumppad:
0x0: {  	(pc) =	sbr.rel $0x88, $3  }
0x1: {  	(tag) =	ssettag $0x0;
	lr =	simm.s32 $0x1  }
0x2: {  	[smem:$0x3F9C] =	sst lr;
	_ =	strace $0xD0000000  }
0x3: {  	_ = 	snop  }
0x4: {  	_ = 	snop  }
0x5: {  	_ = 	snop  }
0x6: {  	_ = 	snop  }
0x7: {  	_ = 	snop  }
__scs_overlays_trampoline_lowered:
0x8: {  	[smem:$0x3FAB] =	sst s0  }
0x9: {  	[smem:$0x3FAC] =	sst s1  }
0xa: {  	[smem:$0x3FAD] =	sst s2  }
0xb: {  	[smem:$0x3FAE] =	sst s3  }
0xc: {  	[smem:$0x3FAF] =	sst s4  }
0xd: {  	[smem:$0x3FB0] =	sst s5  }
0xe: {  	[smem:$0x3FB1] =	sst s6  }
0xf: {  	[smem:$0x3FB2] =	sst s7  }
0x10: {  	[smem:$0x3FB3] =	sst s8  }
0x11: {  	[smem:$0x3FB4] =	sst s9;
	s0 =	simm.s32 @!p0 $0x0  }
0x12: {  	s1 =	sld [smem:$0x3F9A];
	s0 =	simm.s32 @p0 $0x1  }
0x13: {  	[smem:$0x3FB5] =	sst s0;
	s0 =	simm.s32 @!p1 $0x0  }
0x14: {  	s2 =	sld [smem:$0x3F99];
	s0 =	simm.s32 @p1 $0x1  }
0x15: {  	[smem:$0x3FB6] =	sst s0;
	s0 =	simm.s32 @!p2 $0x0  }
0x16: {  	s3 =	sld [smem:$0x3FDB];
	s0 =	simm.s32 @p2 $0x1  }
0x17: {  	s4 =	simm.s32 $0x1BF5;
	[smem:$0x3FB8] =	sst s0  }
0x18: {  	s0 =	sld [smem:$0x3F9B];
	_ =	swait.ge [sflag:s4], $0x0  }
0x19: {  	s7 =	sld [smem:$0x3F9C]  }
0x1a: {  	s8 =	sadd.s32 $0xFFFFE003, lr  }
0x1b: {  	s9 =	sadd.s32 $0xFFFFFEF7, lr;
	s5 =	simm.s32 $0xFFFFFFFF;
	p2 =	slt.u32 s8, $0xFFFFF086  }
0x1c: {  	p1 =	slt.u32 s9, $0xF7A;
	s5 =	simm.s32 @!p2 $0x0  }
0x1d: {  	s5 =	simm.s32 @p1 $0x1;
	p0 =	seq.s32 s7, s2  }
0x1e: {  	s7 =	smul.u32 @!p0 $0xF7A, s2;
	p2 =	seq.s32 @!p0 s5, $0x0  }
0x1f: {  	s9 =	smul.u32 $0xF7A, s1;
	s8 =	simm.s32 @!p0 $0x1BF5;
	p2 =	por !p2, p0  }
0x20: {  	[sflag:s8] =	ssyncset.s32 @!p0 $0xFFFFF086;
	s6 =	sadd.s32 @!p0 s3, s7;
	s7 =	simm.s32 @!p0 $0x108  }
0x21: {  	s3 =	sadd.s32 s3, s9;
	s6 =	sadd.s32 @!p0 $0x88, s6;
	s7 =	simm.s32 @p2 $0x1082  }
0x22: {  	[simem:s7], [sflag:s8] =	dma.local @!p0 [hbm:s6], $0xF7A  }
0x23: {  	s9 =	sor.u32 $0xD0000000, s2;
	s6 =	simm.s32 $0x108;
	_ =	swait.ge @!p0 [sflag:s8], $0x0  }
0x24: {  	s3 =	sadd.s32 $0x88, s3;
	s6 =	simm.s32 @!p1 $0x1082;
	[sflag:s4] =	ssyncset.s32 $0xFFFFF086  }
0x25: {  	[simem:s6], [sflag:s4] =	dma.local [hbm:s3], $0xF7A  }
0x26: {  	[smem:$0x3F9C] =	sst s1;
	(tag) =	ssettag s2;
	_ =	strace s9  }
0x27: {  	s1 =	sld [smem:$0x3FAC]  }
0x28: {  	s2 =	sld [smem:$0x3FAD]  }
0x29: {  	s4 =	sld [smem:$0x3FAF]  }
0x2a: {  	p0 =	seq.s32 s5, $0x0;
	s5 =	sld [smem:$0x3FB0]  }
0x2b: {  	s6 =	sld [smem:$0x3FB1]  }
0x2c: {  	s7 =	sld [smem:$0x3FB2]  }
0x2d: {  	s3 =	simm.s32 $0x108;
	s8 =	sld [smem:$0x3FB3]  }
0x2e: {  	s3 =	simm.s32 @!p0 $0x1082;
	s9 =	sld [smem:$0x3FB4]  }
0x2f: {  	lr =	sadd.s32 s0, s3;
	s0 =	sld [smem:$0x3FAB]  }
0x30: {  	s3 =	sld [smem:$0x3FAE]  }
0x31: {  	[smem:$0x3FB7] =	sst s10  }
0x32: {  	s10 =	sld [smem:$0x3FB5];
	_ =	sdelay $0x3  }
0x33: {  	p0 =	seq.s32 s10, $0x1;
	s10 =	sld [smem:$0x3FB7];
	_ =	sdelay $0x3  }
0x34: {  	[smem:$0x3FB7] =	sst s10  }
0x35: {  	s10 =	sld [smem:$0x3FB6];
	_ =	sdelay $0x3  }
0x36: {  	p1 =	seq.s32 s10, $0x1;
	s10 =	sld [smem:$0x3FB7];
	_ =	sdelay $0x3  }
0x37: {  	[smem:$0x3FB7] =	sst s10  }
0x38: {  	s10 =	sld [smem:$0x3FB8]  }
0x39: {  	_ = 	snop;
	(pc) =	sbr.ind lr, $3  }
0x3a: {  	_ = 	snop  }
0x3b: {  	_ = 	snop  }
0x3c: {  	p2 =	seq.s32 s10, $0x1;
	s10 =	sld [smem:$0x3FB7]  }
0x3d: {  	_ =	shalt  }
0x3e: {  	_ =	shalt  }
0x3f: {  	_ =	shalt  }
0x40: {  	_ =	shalt  }
0x41: {  	_ =	shalt  }
0x42: {  	_ =	shalt  }
0x43: {  	_ =	shalt  }
0x44: {  	_ =	shalt  }
0x45: {  	_ =	shalt  }
0x46: {  	_ =	shalt  }
0x47: {  	_ =	shalt  }
0x48: {  	_ =	shalt  }
0x49: {  	_ =	shalt  }
0x4a: {  	_ =	shalt  }
0x4b: {  	_ =	shalt  }
0x4c: {  	_ =	shalt  }
0x4d: {  	_ =	shalt  }
0x4e: {  	_ =	shalt  }
0x4f: {  	_ =	shalt  }
0x50: {  	_ =	shalt  }
0x51: {  	_ =	shalt  }
0x52: {  	_ =	shalt  }
0x53: {  	_ =	shalt  }
0x54: {  	_ =	shalt  }
0x55: {  	_ =	shalt  }
0x56: {  	_ =	shalt  }
0x57: {  	_ =	shalt  }
0x58: {  	_ =	shalt  }
0x59: {  	_ =	shalt  }
0x5a: {  	_ =	shalt  }
0x5b: {  	_ =	shalt  }
0x5c: {  	_ =	shalt  }
0x5d: {  	_ =	shalt  }
0x5e: {  	_ =	shalt  }
0x5f: {  	_ =	shalt  }
0x60: {  	_ =	shalt  }
0x61: {  	_ =	shalt  }
0x62: {  	_ =	shalt  }
0x63: {  	_ =	shalt  }
0x64: {  	_ =	shalt  }
0x65: {  	_ =	shalt  }
0x66: {  	_ =	shalt  }
0x67: {  	_ =	shalt  }
0x68: {  	_ =	shalt  }
0x69: {  	_ =	shalt  }
0x6a: {  	_ =	shalt  }
0x6b: {  	_ =	shalt  }
0x6c: {  	_ =	shalt  }
0x6d: {  	_ =	shalt  }
0x6e: {  	_ =	shalt  }
0x6f: {  	_ =	shalt  }
0x70: {  	_ =	shalt  }
0x71: {  	_ =	shalt  }
0x72: {  	_ =	shalt  }
0x73: {  	_ =	shalt  }
0x74: {  	_ =	shalt  }
0x75: {  	_ =	shalt  }
0x76: {  	_ =	shalt  }
0x77: {  	_ =	shalt  }
0x78: {  	_ =	shalt  }
0x79: {  	_ =	shalt  }
0x7a: {  	_ =	shalt  }
0x7b: {  	_ =	shalt  }
0x7c: {  	_ =	shalt  }
0x7d: {  	_ =	shalt  }
0x7e: {  	_ =	shalt  }
0x7f: {  	_ =	shalt  }
0x80: {  	_ =	shalt  }
0x81: {  	_ =	shalt  }
0x82: {  	_ =	shalt  }
0x83: {  	_ =	shalt  }
0x84: {  	_ =	shalt  }
0x85: {  	_ =	shalt  }
0x86: {  	_ =	shalt  }
0x87: {  	_ =	shalt  }
.Lfunc_end0:
.L_simem_size_0:
called_computation.2_lowered:
.L_overlay_start_0:
0x88: {  	s2 =	sld [smem:$0x3FD9]  }
0x89: {  	s3 =	sld [smem:$0x3FFE];
	_ =	sdelay $0x1  }
0x8a: {  	s1 =	srdreg.scid  }
0x8b: {  	s0 =	sand.u32 $0x1, s1  }
0x8c: {  	s16 =	sshll.u32 s0, $0xA;
	s2 =	sadd.s32 s3, s2  }
0x8d: {  	s2 =	sadd.s32 s2, s16  }
0x8e: {  	[smem:$0x3FC3] =	sst s2  }
0x8f: {  	_ = 	snop  }
0x90: {  	(tm) =	ssettm $0x1  }
0x91: {  	s17 =	sld [smem:$0x3FFB];
	_ =	sdelay $0x3  }
0x92: {  	_ =	strace s17  }
0x93: {  	s2 =	sld [smem:$0x3FFC];
	_ =	sdelay $0x3  }
0x94: {  	_ =	strace s2  }
0x95: {  	s2 =	sld [smem:$0x3FFD];
	_ =	sdelay $0x3  }
0x96: {  	_ =	strace s2  }
0x97: {  	_ =	strace $0x8FFFFFFF  }
0x98: {  	s18 =	sld [smem:$0x3FDB];
	_ =	sdelay $0x1  }
0x99: {  	s19 =	simm.s32 $_scs_section_size  }
0x9a: {  	s4 =	simm.s32 $_size__tile_overlayer_lowered;
	s5 =	simm.s32 $_tile_overlayer_lowered  }
0x9b: {  	s22 =	simm.s32 $0x1BFF;
	s21 =	sshll.u32 s5, $0x1;
	s2 =	sadd.s32 s19, s18  }
0x9c: {  	s6 =	simm.s32 $0x0;
	s20 =	sshll.u32 s4, $0x1;
	s4 =	sadd.s32 s21, s2  }
0x9d: {  	[timem:s6], [sflag:s22] =	dma.local [hbm:s4], s20  }
0x9e: {  	_ =	swait.ge [sflag:s22], s20  }
0x9f: {  	s3 =	ssub.s32 $0x0, s20;
	[sflag:s22] =	ssyncset.done $0x0  }
0xa0: {  	[sflag:s22] =	ssyncadd.s32 s3;
	_ =	sdelay $0x1  }
0xa1: {  	s23 =	simm.s32 $0x1B8B  }
0xa2: {  	_ =	swait.ge [sflag:s23], $0x1  }
0xa3: {  	[sflag:s23] =	ssyncset.done $0x0  }
0xa4: {  	s25 =	simm.s32 $0x1B8E;
	s24 =	sld [smem:$0x3FFE];
	[sflag:s23] =	ssyncadd.s32 $0xFFFFFFFF  }
0xa5: {  	s26 =	simm.s32 $execute0_lowered;
	[smem:$0x3FD2] =	sst s25  }
0xa6: {  	s4 =	sshll.u32 s26, $0x1;
	_ =	strace $0x8000004C;
	[dreg:$0x1] =	wrdreg $0xFFFFFFFF  }
0xa7: {  	s28 =	simm.s32 $_size_execute0_lowered;
	s2 =	sadd.s32 s2, s4;
	[dreg:$0x0] =	wrdreg $0x0  }
0xa8: {  	s4 =	sshll.u32 s28, $0x1;
	[dreg:$0x2] =	wrdreg s2  }
0xa9: {  	[dreg:$0x3] =	wrdreg s4  }
0xaa: {  	[dreg:$0x4] =	wrdreg $0xC0  }
0xab: {  	_ =	task [dreg:s6], $0x5FFFF  }
0xac: {  	[dreg:$0x1] =	wrdreg $0xFFFFFFFF  }
0xad: {  	[dreg:$0x0] =	wrdreg $0x60  }
0xae: {  	[dreg:$0x2] =	wrdreg s24  }
0xaf: {  	[dreg:$0x3] =	wrdreg $0x150800  }
0xb0: {  	[dreg:$0x4] =	wrdreg $0xB2800  }
0xb1: {  	[dreg:$0x5] =	wrdreg $0x9  }
0xb2: {  	_ =	task.clear_ibuf [dreg:s6], $0x6FFFF;
	_ =	strace $0x9000004C  }
0xb3: {  	s29 =	simm.s32 $0x9;
	_ =	strace $0x8000004E  }
0xb4: {  	_ =	swait.ge [sflag:s29], $0x1  }
0xb5: {  	[sflag:s29] =	ssyncadd.s32 $0xFFFFFFFF  }
0xb6: {  	_ =	strace $0x9000004E  }
0xb7: {  	_ =	sfence  }
0xb8: {  	s30 =	sld [smem:$0x0];
	_ =	sdelay $0x2  }
0xb9: {  	s31 =	sshll.u32 s1, $0xD;
	s1 =	sshrl.u32 s1, $0x2  }
0xba: {  	s3 =	sand.u32 $0x4000, s31;
	s1 =	sadd.s32 s1, s30  }
0xbb: {  	s0 =	sor.u32 s3, s0;
	s1 =	sshll.u32 s1, $0x11  }
0xbc: {  	s0 =	sor.u32 s1, s0  }
0xbd: {  	s0 =	sadd.s32 $0x8F2B, s0  }
0xbe: {  	[sflag:s0] =	ssyncadd.remote.s32 $0x1  }
0xbf: {  	_ =	sfence.sel $0xFFFF  }
0xc0: {  	[dreg:$0x0] =	wrdreg $0xFFFFFFFF;
	(pc) =	sbr.abs _section_cstart, $3  }
0xc1: {  	[dreg:$0x1] =	wrdreg $0xFFFFFFFF  }
0xc2: {  	_ =	task.clear_ibuf [dreg:s6], $0x2FFFF;
	_ =	strace $0x9FFFFFFF  }
0xc3: {  	(tm) =	ssettm $0x7FFFFFFF  }
tec
execute0_lowered:
.L_overlay_start_1:
0x0: {  	(tag) =	ssettag $0x1  }
0x1: {  	s0 =	rddreg [dreg:$0x0]  }
0x2: {  	s2 =	rddreg [dreg:$0x1]  }
0x3: {  	s13 =	stileid.u32;
	s1 =	srdreg.scid  }
0x4: {  	s3 =	rddreg [dreg:$0x2];
	s4 =	simm.s32 $0x0;
	s5 =	smul.u32 $0x278, s13  }
0x5: {  	s28 =	simm.s32 $0x7;
	s29 =	simm.s32 $0x5200;
	s7 =	smul.u32 $0xA20, s13  }
0x6: {  	s31 =	simm.s32 $0x9280;
	s30 =	simm.s32 $0x4;
	s16 =	smul.u32 $0x9E00, s13  }
0x7: {  	s1 =	sand.u32 $0x1, s1;
	[smem:$0x7FF] =	sst s4;
	s12 =	smul.u32 $0x5100, s13  }
0x8: {  	s10 =	sadd.s32 $0x1E00, s0;
	s15 =	sadd.s32 $0x3E200, s0;
	s6 =	smul.u32 $0x2780, s1  }
0x9: {  	s19 =	sshll.u32 s13, $0x6;
	_ =	strace $0x8000004D;
	s8 =	smul.u32 $0x3200, s1  }
0xa: {  	[dreg:$0x4] =	wrdreg s15;
	s1 =	ssub.s32 $0x2, s1;
	s9 =	sadd.s32 s7, s0  }
0xb: {  	s17 =	sshrl.u32 s1, $0x1;
	s18 =	sadd.s32 s16, s2;
	s20 =	sadd.s32 s16, s3  }
0xc: {  	s12 =	sshrl.u32 s12, $0x3;
	s6 =	sadd.s32 s5, s6;
	s5 =	sadd.s32 s5, s8  }
0xd: {  	s1 =	ssub.s32 s1, s17;
	s8 =	sadd.s32 s10, s7;
	s22 =	sadd.s32 s10, s12  }
0xe: {  	s9 =	sadd.s32 $0xC800, s9;
	s18 =	sshrl.u32 s18, $0x3;
	s20 =	sshrl.u32 s20, $0x3  }
0xf: {  	s10 =	simm.s32 $0x6;
	s6 =	sshll.u32 s6, $0x3;
	s5 =	sshll.u32 s5, $0x3  }
0x10: {  	[dreg:$0x6] =	wrdreg s9;
	s23 =	sadd.s32 $0x10, s8;
	s24 =	sadd.s32 $0x20, s22  }
0x11: {  	s25 =	sadd.s32 $0x30, s22;
	s26 =	sadd.s32 $0x40, s22;
	s7 =	sadd.s32 $0xA10, s22  }
0x12: {  	s16 =	smax.u32 s1, $0x1;
	s17 =	sadd.s32 $0x70, s8;
	[dreg:$0x7] =	wrdreg s23  }
0x13: {  	s22 =	simm.s32 $0x80;
	s1 =	simm.s32 $0x2;
	[dreg:$0x8] =	wrdreg s24  }
0x14: {  	s9 =	simm.s32 $0x5;
	s11 =	sadd.s32 s6, s0;
	[dreg:$0x9] =	wrdreg s25  }
0x15: {  	s0 =	sadd.s32 s5, s0;
	s6 =	sor.u32 $0x1C0A, s19;
	[dreg:$0xa] =	wrdreg s26  }
0x16: {  	[dreg:$0xb] =	wrdreg s7;
	s19 =	simm.s32 $0xA;
	s23 =	simm.s32 $0x5280  }
0x17: {  	s24 =	simm.s32 $0x5180;
	s25 =	simm.s32 $0x7280;
	s26 =	simm.s32 $0x1  }
0x18: {  	s5 =	simm.s32 $0x3;
	s7 =	simm.s32 $0x9;
	s21 =	sadd.s32 $0x16A00, s11  }
0x19: {  	s0 =	sadd.s32 $0x3F600, s0;
	s11 =	simm.s32 $0x0;
	[dreg:$0x5] =	wrdreg s21  }
0x1a: {  	[dreg:$0xc] =	wrdreg s0;
	s21 =	simm.s32 $0x5100;
	s0 =	simm.s32 $0x8  }
.LBB2_1:
0x1b: {  	s12 =	rddreg [dreg:$0x4]  }
0x1c: {  	[spmem:s18], [sflag:s6] =	dma.local [hbm:s12], $0x13C0  }
0x1d: {  	_ =	swait.ge [sflag:s19], $0x13C0  }
0x1e: {  	[sflag:s19] =	ssyncset.done $0x0  }
0x1f: {  	s15 =	rddreg [dreg:$0x5];
	[sflag:s19] =	ssyncadd.s32 $0xFFFFEC40  }
0x20: {  	[spmem:s20], [sflag:s6] =	dma.local [hbm:s15], $0x13C0  }
0x21: {  	_ =	swait.ge [sflag:s19], $0x13C0  }
0x22: {  	[sflag:s19] =	ssyncset.done $0x0  }
0x23: {  	s13 =	rddreg [dreg:$0x6];
	[sflag:s19] =	ssyncadd.s32 $0xFFFFEC40  }
0x24: {  	[tilespmem:s4], [sflag:$0xA] =	stream.linear.gather [hbm4b:s13+s4], $0x5100, $0x38;
	[tilespmem:$0x1EE80] =	vst v63  }
0x25: {  	_ =	swait.ge [sflag:s19], $0x5100  }
0x26: {  	[sflag:s19] =	ssyncset.done $0x0  }
0x27: {  	[sflag:s19] =	ssyncadd.s32 $0xFFFFAF00  }
0x28: {  	[bflag:$0x0] =	sbarrier.arrive $0xFFFF  }
0x29: {  	[tilespmem:s21], [sflag:$0x7] =	stream.linear.gather [hbm4b:s8+s4], $0x80, $0x38;
	[tilespmem:$0x1EE80] =	vst v63  }
0x2a: {  	_ = 	snop  }
0x2b: {  	[tilespmem:s23], [sflag:$0x1] =	stream.indirect.gather [spmem:s3], $0x40, s4, s22, $0xb8;
	[tilespmem:$0x1EE80] =	vst v63  }
0x2c: {  	s14 =	rddreg [dreg:$0x7]  }
0x2d: {  	[tilespmem:s24], [sflag:$0x8] =	stream.linear.gather [hbm4b:s14+s4], $0x80, $0x38;
	[tilespmem:$0x1EE80] =	vst v63  }
0x2e: {  	_ = 	snop  }
0x2f: {  	[tilespmem:s25], [sflag:$0x2] =	stream.indirect.gather [spmem:s3], $0x40, s22, s22, $0xb8;
	[tilespmem:$0x1EE80] =	vst v63  }
0x30: {  	_ =	swait.ge [sflag:s26], $0x2000  }
0x31: {  	[sflag:s26] =	ssyncset.done $0x0  }
0x32: {  	[sflag:s26] =	ssyncadd.s32 $0xFFFFE000  }
0x33: {  	_ =	swait.ge [sflag:s28], $0x80  }
0x34: {  	[sflag:s28] =	ssyncset.done $0x0  }
0x35: {  	[sflag:s28] =	ssyncadd.s32 $0xFFFFFF80  }
0x36: {  	[spmem:s2] =	stream.indirect.scatter.add.f32 [tilespmem:s23], [sflag:$0x4], $0x40, s21, s22, $0xb8;
	[tilespmem:$0x1EE80] =	vst v63  }
0x37: {  	s15 =	rddreg [dreg:$0x8]  }
0x38: {  	[tilespmem:s29], [sflag:$0x9] =	stream.linear.gather [hbm4b:s15+s4], $0x80, $0x38;
	[tilespmem:$0x1EE80] =	vst v63  }
0x39: {  	s13 =	simm.s32 $0x100  }
0x3a: {  	[tilespmem:s31], [sflag:$0x3] =	stream.indirect.gather [spmem:s3], $0x40, s13, s22, $0xb8;
	[tilespmem:$0x1EE80] =	vst v63  }
0x3b: {  	_ =	swait.ge [sflag:s1], $0x2000  }
0x3c: {  	[sflag:s1] =	ssyncset.done $0x0  }
0x3d: {  	[sflag:s1] =	ssyncadd.s32 $0xFFFFE000  }
0x3e: {  	_ =	swait.ge [sflag:s0], $0x80  }
0x3f: {  	[sflag:s0] =	ssyncset.done $0x0  }
0x40: {  	[sflag:s0] =	ssyncadd.s32 $0xFFFFFF80  }
0x41: {  	[spmem:s2] =	stream.indirect.scatter.add.f32 [tilespmem:s25], [sflag:$0x5], $0x40, s24, s22, $0xb8;
	[tilespmem:$0x1EE80] =	vst v63  }
0x42: {  	_ =	swait.ge [sflag:s30], $0x2000  }
0x43: {  	[sflag:s30] =	ssyncset.done $0x0  }
0x44: {  	s14 =	rddreg [dreg:$0x9];
	[sflag:s30] =	ssyncadd.s32 $0xFFFFE000  }
0x45: {  	[tilespmem:s21], [sflag:$0x7] =	stream.linear.gather [hbm4b:s14+s4], $0x80, $0x38;
	[tilespmem:$0x1EE80] =	vst v63  }
0x46: {  	s15 =	simm.s32 $0x180  }
0x47: {  	[tilespmem:s23], [sflag:$0x1] =	stream.indirect.gather [spmem:s3], $0x40, s15, s22, $0xb8;
	[tilespmem:$0x1EE80] =	vst v63  }
0x48: {  	_ =	swait.ge [sflag:s5], $0x2000  }
0x49: {  	[sflag:s5] =	ssyncset.done $0x0  }
0x4a: {  	[sflag:s5] =	ssyncadd.s32 $0xFFFFE000  }
0x4b: {  	_ =	swait.ge [sflag:s7], $0x80  }
0x4c: {  	[sflag:s7] =	ssyncset.done $0x0  }
0x4d: {  	[sflag:s7] =	ssyncadd.s32 $0xFFFFFF80  }
0x4e: {  	[spmem:s2] =	stream.indirect.scatter.add.f32 [tilespmem:s31], [sflag:$0x6], $0x40, s29, s22, $0xb8;
	[tilespmem:$0x1EE80] =	vst v63  }
0x4f: {  	_ =	swait.ge [sflag:s9], $0x2000  }
0x50: {  	[sflag:s9] =	ssyncset.done $0x0  }
0x51: {  	s13 =	rddreg [dreg:$0xa];
	[sflag:s9] =	ssyncadd.s32 $0xFFFFE000  }
0x52: {  	[tilespmem:s24], [sflag:$0x8] =	stream.linear.gather [hbm4b:s13+s4], $0x80, $0x38;
	[tilespmem:$0x1EE80] =	vst v63  }
0x53: {  	s14 =	simm.s32 $0x200  }
0x54: {  	[tilespmem:s25], [sflag:$0x2] =	stream.indirect.gather [spmem:s3], $0x40, s14, s22, $0xb8;
	[tilespmem:$0x1EE80] =	vst v63  }
0x55: {  	_ =	swait.ge [sflag:s26], $0x2000  }
0x56: {  	[sflag:s26] =	ssyncset.done $0x0  }
0x57: {  	[sflag:s26] =	ssyncadd.s32 $0xFFFFE000  }
0x58: {  	_ =	swait.ge [sflag:s28], $0x80  }
0x59: {  	[sflag:s28] =	ssyncset.done $0x0  }
0x5a: {  	[sflag:s28] =	ssyncadd.s32 $0xFFFFFF80  }
0x5b: {  	[spmem:s2] =	stream.indirect.scatter.add.f32 [tilespmem:s23], [sflag:$0x4], $0x40, s21, s22, $0xb8;
	[tilespmem:$0x1EE80] =	vst v63  }
0x5c: {  	_ =	swait.ge [sflag:s10], $0x2000  }
0x5d: {  	[sflag:s10] =	ssyncset.done $0x0  }
0x5e: {  	s15 =	sadd.s32 $0xFFFFFFE0, s17;
	[sflag:s10] =	ssyncadd.s32 $0xFFFFE000  }
0x5f: {  	[tilespmem:s29], [sflag:$0x9] =	stream.linear.gather [hbm4b:s15+s4], $0x80, $0x38;
	[tilespmem:$0x1EE80] =	vst v63  }
0x60: {  	s13 =	simm.s32 $0x280  }
0x61: {  	[tilespmem:s31], [sflag:$0x3] =	stream.indirect.gather [spmem:s3], $0x40, s13, s22, $0xb8;
	[tilespmem:$0x1EE80] =	vst v63  }
0x62: {  	_ =	swait.ge [sflag:s1], $0x2000  }
0x63: {  	[sflag:s1] =	ssyncset.done $0x0  }
0x64: {  	[sflag:s1] =	ssyncadd.s32 $0xFFFFE000  }
0x65: {  	_ =	swait.ge [sflag:s0], $0x80  }
0x66: {  	[sflag:s0] =	ssyncset.done $0x0  }
0x67: {  	[sflag:s0] =	ssyncadd.s32 $0xFFFFFF80  }
0x68: {  	[spmem:s2] =	stream.indirect.scatter.add.f32 [tilespmem:s25], [sflag:$0x5], $0x40, s24, s22, $0xb8;
	[tilespmem:$0x1EE80] =	vst v63  }
0x69: {  	_ =	swait.ge [sflag:s30], $0x2000  }
0x6a: {  	[sflag:s30] =	ssyncset.done $0x0  }
0x6b: {  	s14 =	sadd.s32 $0xFFFFFFF0, s17;
	[sflag:s30] =	ssyncadd.s32 $0xFFFFE000  }
0x6c: {  	[tilespmem:s21], [sflag:$0x7] =	stream.linear.gather [hbm4b:s14+s4], $0x80, $0x38;
	[tilespmem:$0x1EE80] =	vst v63  }
0x6d: {  	s15 =	simm.s32 $0x300  }
0x6e: {  	[tilespmem:s23], [sflag:$0x1] =	stream.indirect.gather [spmem:s3], $0x40, s15, s22, $0xb8;
	[tilespmem:$0x1EE80] =	vst v63  }
0x6f: {  	_ =	swait.ge [sflag:s5], $0x2000  }
0x70: {  	[sflag:s5] =	ssyncset.done $0x0  }
0x71: {  	[sflag:s5] =	ssyncadd.s32 $0xFFFFE000  }
0x72: {  	_ =	swait.ge [sflag:s7], $0x80  }
0x73: {  	[sflag:s7] =	ssyncset.done $0x0  }
0x74: {  	[sflag:s7] =	ssyncadd.s32 $0xFFFFFF80  }
0x75: {  	[spmem:s2] =	stream.indirect.scatter.add.f32 [tilespmem:s31], [sflag:$0x6], $0x40, s29, s22, $0xb8;
	[tilespmem:$0x1EE80] =	vst v63  }
0x76: {  	_ =	swait.ge [sflag:s9], $0x2000  }
0x77: {  	s12 =	simm.s32 $0x600;
	[sflag:s9] =	ssyncset.done $0x0  }
0x78: {  	s13 =	sadd.s32 $0x30, s17;
	s14 =	simm.s32 $0x380;
	[sflag:s9] =	ssyncadd.s32 $0xFFFFE000  }
0x79: {  	[tilespmem:s24], [sflag:$0x8] =	stream.linear.gather [hbm4b:s17+s4], $0x80, $0x38;
	[tilespmem:$0x1EE80] =	vst v63  }
.LBB2_2:
0x7a: {  	[tilespmem:s25], [sflag:$0x2] =	stream.indirect.gather [spmem:s3], $0x40, s14, s22, $0xb8;
	[tilespmem:$0x1EE80] =	vst v63  }
0x7b: {  	s14 =	smov.u32 s12  }
0x7c: {  	p0 =	sne.s32 s12, $0x13200;
	s12 =	sadd.s32 $0x600, s12;
	_ =	swait.ge [sflag:s26], $0x2000  }
0x7d: {  	[sflag:s26] =	ssyncset.done $0x0  }
0x7e: {  	[sflag:s26] =	ssyncadd.s32 $0xFFFFE000  }
0x7f: {  	_ =	swait.ge [sflag:s28], $0x80  }
0x80: {  	[sflag:s28] =	ssyncset.done $0x0  }
0x81: {  	[sflag:s28] =	ssyncadd.s32 $0xFFFFFF80  }
0x82: {  	[spmem:s2] =	stream.indirect.scatter.add.f32 [tilespmem:s23], [sflag:$0x4], $0x40, s21, s22, $0xb8;
	[tilespmem:$0x1EE80] =	vst v63  }
0x83: {  	_ =	swait.ge [sflag:s10], $0x2000  }
0x84: {  	[sflag:s10] =	ssyncset.done $0x0  }
0x85: {  	s15 =	sadd.s32 $0xFFFFFFE0, s13;
	s14 =	sshra.s32 s14, $0x2;
	[sflag:s10] =	ssyncadd.s32 $0xFFFFE000  }
0x86: {  	[tilespmem:s29], [sflag:$0x9] =	stream.linear.gather [hbm4b:s15+s4], $0x80, $0x38;
	[tilespmem:$0x1EE80] =	vst v63  }
0x87: {  	s15 =	sadd.s32 $0x280, s14  }
0x88: {  	[tilespmem:s31], [sflag:$0x3] =	stream.indirect.gather [spmem:s3], $0x40, s15, s22, $0xb8;
	[tilespmem:$0x1EE80] =	vst v63  }
0x89: {  	_ =	swait.ge [sflag:s1], $0x2000  }
0x8a: {  	[sflag:s1] =	ssyncset.done $0x0  }
0x8b: {  	[sflag:s1] =	ssyncadd.s32 $0xFFFFE000  }
0x8c: {  	_ =	swait.ge [sflag:s0], $0x80  }
0x8d: {  	[sflag:s0] =	ssyncset.done $0x0  }
0x8e: {  	[sflag:s0] =	ssyncadd.s32 $0xFFFFFF80  }
0x8f: {  	[spmem:s2] =	stream.indirect.scatter.add.f32 [tilespmem:s25], [sflag:$0x5], $0x40, s24, s22, $0xb8;
	[tilespmem:$0x1EE80] =	vst v63  }
0x90: {  	_ =	swait.ge [sflag:s30], $0x2000  }
0x91: {  	[sflag:s30] =	ssyncset.done $0x0  }
0x92: {  	s15 =	sadd.s32 $0xFFFFFFF0, s13;
	[sflag:s30] =	ssyncadd.s32 $0xFFFFE000  }
0x93: {  	[tilespmem:s21], [sflag:$0x7] =	stream.linear.gather [hbm4b:s15+s4], $0x80, $0x38;
	[tilespmem:$0x1EE80] =	vst v63  }
0x94: {  	s15 =	sadd.s32 $0x300, s14  }
0x95: {  	[tilespmem:s23], [sflag:$0x1] =	stream.indirect.gather [spmem:s3], $0x40, s15, s22, $0xb8;
	[tilespmem:$0x1EE80] =	vst v63  }
0x96: {  	_ =	swait.ge [sflag:s5], $0x2000  }
0x97: {  	[sflag:s5] =	ssyncset.done $0x0  }
0x98: {  	[sflag:s5] =	ssyncadd.s32 $0xFFFFE000  }
0x99: {  	_ =	swait.ge [sflag:s7], $0x80  }
0x9a: {  	[sflag:s7] =	ssyncset.done $0x0  }
0x9b: {  	[sflag:s7] =	ssyncadd.s32 $0xFFFFFF80  }
0x9c: {  	[spmem:s2] =	stream.indirect.scatter.add.f32 [tilespmem:s31], [sflag:$0x6], $0x40, s29, s22, $0xb8;
	[tilespmem:$0x1EE80] =	vst v63  }
.Ltmp0:
0x9d: {  	_ =	swait.ge [sflag:s9], $0x2000;
	(pc) =	sbr.rel @p0 .LBB2_2-.Ltmp0, $4  }
0x9e: {  	[sflag:s9] =	ssyncset.done $0x0  }
0x9f: {  	[sflag:s9] =	ssyncadd.s32 $0xFFFFE000  }
0xa0: {  	[tilespmem:s24], [sflag:$0x8] =	stream.linear.gather [hbm4b:s13+s4], $0x80, $0x38;
	[tilespmem:$0x1EE80] =	vst v63  }
0xa1: {  	s14 =	sadd.s32 $0x380, s14;
	s13 =	sadd.s32 $0x30, s13  }
0xa2: {  	[tilespmem:s25], [sflag:$0x2] =	stream.indirect.gather [spmem:s3], $0x40, s14, s22, $0xb8;
	[tilespmem:$0x1EE80] =	vst v63  }
0xa3: {  	_ =	swait.ge [sflag:s26], $0x2000  }
0xa4: {  	[sflag:s26] =	ssyncset.done $0x0  }
0xa5: {  	[sflag:s26] =	ssyncadd.s32 $0xFFFFE000  }
0xa6: {  	_ =	swait.ge [sflag:s28], $0x80  }
0xa7: {  	[sflag:s28] =	ssyncset.done $0x0  }
0xa8: {  	[sflag:s28] =	ssyncadd.s32 $0xFFFFFF80  }
0xa9: {  	[spmem:s2] =	stream.indirect.scatter.add.f32 [tilespmem:s23], [sflag:$0x4], $0x40, s21, s22, $0xb8;
	[tilespmem:$0x1EE80] =	vst v63  }
0xaa: {  	_ =	swait.ge [sflag:s10], $0x2000  }
0xab: {  	[sflag:s10] =	ssyncset.done $0x0  }
0xac: {  	s12 =	rddreg [dreg:$0xb];
	[sflag:s10] =	ssyncadd.s32 $0xFFFFE000  }
0xad: {  	[tilespmem:s29], [sflag:$0x9] =	stream.linear.gather [hbm4b:s12+s4], $0x80, $0x38;
	[tilespmem:$0x1EE80] =	vst v63  }
0xae: {  	s14 =	simm.s32 $0x5080  }
0xaf: {  	[tilespmem:s31], [sflag:$0x3] =	stream.indirect.gather [spmem:s3], $0x40, s14, s22, $0xb8;
	[tilespmem:$0x1EE80] =	vst v63  }
0xb0: {  	_ =	swait.ge [sflag:s1], $0x2000  }
0xb1: {  	[sflag:s1] =	ssyncset.done $0x0  }
0xb2: {  	[sflag:s1] =	ssyncadd.s32 $0xFFFFE000  }
0xb3: {  	_ =	swait.ge [sflag:s0], $0x80  }
0xb4: {  	[sflag:s0] =	ssyncset.done $0x0  }
0xb5: {  	[sflag:s0] =	ssyncadd.s32 $0xFFFFFF80  }
0xb6: {  	[spmem:s2] =	stream.indirect.scatter.add.f32 [tilespmem:s25], [sflag:$0x5], $0x40, s24, s22, $0xb8;
	[tilespmem:$0x1EE80] =	vst v63  }
0xb7: {  	_ =	swait.ge [sflag:s30], $0x2000  }
0xb8: {  	[sflag:s30] =	ssyncset.done $0x0  }
0xb9: {  	[sflag:s30] =	ssyncadd.s32 $0xFFFFE000  }
0xba: {  	_ =	swait.ge [sflag:s5], $0x2000  }
0xbb: {  	[sflag:s5] =	ssyncset.done $0x0  }
0xbc: {  	[sflag:s5] =	ssyncadd.s32 $0xFFFFE000  }
0xbd: {  	_ =	swait.ge [sflag:s7], $0x80  }
0xbe: {  	[sflag:s7] =	ssyncset.done $0x0  }
0xbf: {  	[sflag:s7] =	ssyncadd.s32 $0xFFFFFF80  }
0xc0: {  	[spmem:s2] =	stream.indirect.scatter.add.f32 [tilespmem:s31], [sflag:$0x6], $0x40, s29, s22, $0xb8;
	[tilespmem:$0x1EE80] =	vst v63  }
0xc1: {  	_ =	swait.ge [sflag:s9], $0x2000  }
0xc2: {  	[sflag:s9] =	ssyncset.done $0x0  }
0xc3: {  	[sflag:s9] =	ssyncadd.s32 $0xFFFFE000  }
0xc4: {  	_ =	swait.ge [sflag:s10], $0x2000  }
0xc5: {  	[sflag:s10] =	ssyncset.done $0x0  }
0xc6: {  	s11 =	sadd.s32 $0x1, s11;
	[sflag:s10] =	ssyncadd.s32 $0xFFFFE000  }
0xc7: {  	p0 =	sne.s32 s11, s16;
	[bflag:$0x0] =	sbarrier.arrive $0xFFFF  }
.Ltmp1:
0xc8: {  	s15 =	rddreg [dreg:$0xc];
	(pc) =	sbr.rel @p0 .LBB2_1-.Ltmp1, $4  }
0xc9: {  	[hbm:s15], [sflag:s6] =	dma.local [spmem:s18], $0x13C0  }
0xca: {  	_ =	swait.ge [sflag:s19], $0x13C0  }
0xcb: {  	[sflag:s19] =	ssyncset.done $0x0  }
0xcc: {  	[sflag:s19] =	ssyncadd.s32 $0xFFFFEC40  }
0xcd: {  	_ =	sfence.sel $0x180000  }
0xce: {  	[bflag:$0x0] =	sbarrier.arrive $0xFFFF  }
0xcf: {  	_ =	strace $0x9000004D  }
0xd0: {  	s0 =	stileid.u32;
	[bflag:$0x2] =	sbarrier.arrive $0xFFFF  }
0xd1: {  	p0 =	sne.s32 s0, $0x0;
	s0 =	rddreg [dreg:$0x3]  }
0xd2: {  	s0 =	sadd.s32 @!p0 $0x100000, s0  }
0xd3: {  	[sflag:s0] =	ssyncadd.tile.s32 @!p0 $0x1;
	_ =	shalt  }
.Lfunc_end2:
_tile_overlayer_lowered:
.L_overlay_start_2:
0xd4: {  	(tag) =	ssettag $0x2  }
0xd5: {  	s0 =	rddreg [dreg:$0x0];
	s2 =	stileid.u32  }
0xd6: {  	s1 =	rddreg [dreg:$0x1];
	p0 =	sne.s32 s2, $0x0  }
0xd7: {  	s3 =	rddreg [dreg:$0x2];
	[bflag:$0x3] =	sbarrier.arrive $0xFFFF;
	s2 =	simm.s32 @!p0 $0x1C0A  }
0xd8: {  	[timem:s3], [sflag:s2] =	dma.local @!p0 [hbm:s0], s1  }
0xd9: {  	s0 =	simm.s32 @!p0 $0xA  }
0xda: {  	_ =	swait.ge @!p0 [sflag:s0], s1  }
0xdb: {  	s1 =	ssub.s32 @!p0 $0x0, s1;
	[sflag:s0] =	ssyncset.done @!p0 $0x0  }
0xdc: {  	[sflag:s0] =	ssyncadd.s32 @!p0 s1  }
0xdd: {  	[bflag:$0x3] =	sbarrier.arrive $0xFFFF  }
0xde: {  	_ =	shalt  }

// kernel: closed_call.23.cloned.1.call-start
scs
__scs_entry_jumppad:
0x0: {  	(pc) =	sbr.rel $0x88, $3  }
0x1: {  	(tag) =	ssettag $0x0;
	lr =	simm.s32 $0x1  }
0x2: {  	[smem:$0x3F9C] =	sst lr;
	_ =	strace $0xD0000000  }
0x3: {  	_ = 	snop  }
0x4: {  	_ = 	snop  }
0x5: {  	_ = 	snop  }
0x6: {  	_ = 	snop  }
0x7: {  	_ = 	snop  }
__scs_overlays_trampoline_lowered:
0x8: {  	[smem:$0x3FAB] =	sst s0  }
0x9: {  	[smem:$0x3FAC] =	sst s1  }
0xa: {  	[smem:$0x3FAD] =	sst s2  }
0xb: {  	[smem:$0x3FAE] =	sst s3  }
0xc: {  	[smem:$0x3FAF] =	sst s4  }
0xd: {  	[smem:$0x3FB0] =	sst s5  }
0xe: {  	[smem:$0x3FB1] =	sst s6  }
0xf: {  	[smem:$0x3FB2] =	sst s7  }
0x10: {  	[smem:$0x3FB3] =	sst s8  }
0x11: {  	[smem:$0x3FB4] =	sst s9;
	s0 =	simm.s32 @!p0 $0x0  }
0x12: {  	s1 =	sld [smem:$0x3F9A];
	s0 =	simm.s32 @p0 $0x1  }
0x13: {  	[smem:$0x3FB5] =	sst s0;
	s0 =	simm.s32 @!p1 $0x0  }
0x14: {  	s2 =	sld [smem:$0x3F99];
	s0 =	simm.s32 @p1 $0x1  }
0x15: {  	[smem:$0x3FB6] =	sst s0;
	s0 =	simm.s32 @!p2 $0x0  }
0x16: {  	s3 =	sld [smem:$0x3FDB];
	s0 =	simm.s32 @p2 $0x1  }
0x17: {  	s4 =	simm.s32 $0x1BF5;
	[smem:$0x3FB8] =	sst s0  }
0x18: {  	s0 =	sld [smem:$0x3F9B];
	_ =	swait.ge [sflag:s4], $0x0  }
0x19: {  	s7 =	sld [smem:$0x3F9C]  }
0x1a: {  	s8 =	sadd.s32 $0xFFFFE003, lr  }
0x1b: {  	s9 =	sadd.s32 $0xFFFFFEF7, lr;
	s5 =	simm.s32 $0xFFFFFFFF;
	p2 =	slt.u32 s8, $0xFFFFF086  }
0x1c: {  	p1 =	slt.u32 s9, $0xF7A;
	s5 =	simm.s32 @!p2 $0x0  }
0x1d: {  	s5 =	simm.s32 @p1 $0x1;
	p0 =	seq.s32 s7, s2  }
0x1e: {  	s7 =	smul.u32 @!p0 $0xF7A, s2;
	p2 =	seq.s32 @!p0 s5, $0x0  }
0x1f: {  	s9 =	smul.u32 $0xF7A, s1;
	s8 =	simm.s32 @!p0 $0x1BF5;
	p2 =	por !p2, p0  }
0x20: {  	[sflag:s8] =	ssyncset.s32 @!p0 $0xFFFFF086;
	s6 =	sadd.s32 @!p0 s3, s7;
	s7 =	simm.s32 @!p0 $0x108  }
0x21: {  	s3 =	sadd.s32 s3, s9;
	s6 =	sadd.s32 @!p0 $0x88, s6;
	s7 =	simm.s32 @p2 $0x1082  }
0x22: {  	[simem:s7], [sflag:s8] =	dma.local @!p0 [hbm:s6], $0xF7A  }
0x23: {  	s9 =	sor.u32 $0xD0000000, s2;
	s6 =	simm.s32 $0x108;
	_ =	swait.ge @!p0 [sflag:s8], $0x0  }
0x24: {  	s3 =	sadd.s32 $0x88, s3;
	s6 =	simm.s32 @!p1 $0x1082;
	[sflag:s4] =	ssyncset.s32 $0xFFFFF086  }
0x25: {  	[simem:s6], [sflag:s4] =	dma.local [hbm:s3], $0xF7A  }
0x26: {  	[smem:$0x3F9C] =	sst s1;
	(tag) =	ssettag s2;
	_ =	strace s9  }
0x27: {  	s1 =	sld [smem:$0x3FAC]  }
0x28: {  	s2 =	sld [smem:$0x3FAD]  }
0x29: {  	s4 =	sld [smem:$0x3FAF]  }
0x2a: {  	p0 =	seq.s32 s5, $0x0;
	s5 =	sld [smem:$0x3FB0]  }
0x2b: {  	s6 =	sld [smem:$0x3FB1]  }
0x2c: {  	s7 =	sld [smem:$0x3FB2]  }
0x2d: {  	s3 =	simm.s32 $0x108;
	s8 =	sld [smem:$0x3FB3]  }
0x2e: {  	s3 =	simm.s32 @!p0 $0x1082;
	s9 =	sld [smem:$0x3FB4]  }
0x2f: {  	lr =	sadd.s32 s0, s3;
	s0 =	sld [smem:$0x3FAB]  }
0x30: {  	s3 =	sld [smem:$0x3FAE]  }
0x31: {  	[smem:$0x3FB7] =	sst s10  }
0x32: {  	s10 =	sld [smem:$0x3FB5];
	_ =	sdelay $0x3  }
0x33: {  	p0 =	seq.s32 s10, $0x1;
	s10 =	sld [smem:$0x3FB7];
	_ =	sdelay $0x3  }
0x34: {  	[smem:$0x3FB7] =	sst s10  }
0x35: {  	s10 =	sld [smem:$0x3FB6];
	_ =	sdelay $0x3  }
0x36: {  	p1 =	seq.s32 s10, $0x1;
	s10 =	sld [smem:$0x3FB7];
	_ =	sdelay $0x3  }
0x37: {  	[smem:$0x3FB7] =	sst s10  }
0x38: {  	s10 =	sld [smem:$0x3FB8]  }
0x39: {  	_ = 	snop;
	(pc) =	sbr.ind lr, $3  }
0x3a: {  	_ = 	snop  }
0x3b: {  	_ = 	snop  }
0x3c: {  	p2 =	seq.s32 s10, $0x1;
	s10 =	sld [smem:$0x3FB7]  }
0x3d: {  	_ =	shalt  }
0x3e: {  	_ =	shalt  }
0x3f: {  	_ =	shalt  }
0x40: {  	_ =	shalt  }
0x41: {  	_ =	shalt  }
0x42: {  	_ =	shalt  }
0x43: {  	_ =	shalt  }
0x44: {  	_ =	shalt  }
0x45: {  	_ =	shalt  }
0x46: {  	_ =	shalt  }
0x47: {  	_ =	shalt  }
0x48: {  	_ =	shalt  }
0x49: {  	_ =	shalt  }
0x4a: {  	_ =	shalt  }
0x4b: {  	_ =	shalt  }
0x4c: {  	_ =	shalt  }
0x4d: {  	_ =	shalt  }
0x4e: {  	_ =	shalt  }
0x4f: {  	_ =	shalt  }
0x50: {  	_ =	shalt  }
0x51: {  	_ =	shalt  }
0x52: {  	_ =	shalt  }
0x53: {  	_ =	shalt  }
0x54: {  	_ =	shalt  }
0x55: {  	_ =	shalt  }
0x56: {  	_ =	shalt  }
0x57: {  	_ =	shalt  }
0x58: {  	_ =	shalt  }
0x59: {  	_ =	shalt  }
0x5a: {  	_ =	shalt  }
0x5b: {  	_ =	shalt  }
0x5c: {  	_ =	shalt  }
0x5d: {  	_ =	shalt  }
0x5e: {  	_ =	shalt  }
0x5f: {  	_ =	shalt  }
0x60: {  	_ =	shalt  }
0x61: {  	_ =	shalt  }
0x62: {  	_ =	shalt  }
0x63: {  	_ =	shalt  }
0x64: {  	_ =	shalt  }
0x65: {  	_ =	shalt  }
0x66: {  	_ =	shalt  }
0x67: {  	_ =	shalt  }
0x68: {  	_ =	shalt  }
0x69: {  	_ =	shalt  }
0x6a: {  	_ =	shalt  }
0x6b: {  	_ =	shalt  }
0x6c: {  	_ =	shalt  }
0x6d: {  	_ =	shalt  }
0x6e: {  	_ =	shalt  }
0x6f: {  	_ =	shalt  }
0x70: {  	_ =	shalt  }
0x71: {  	_ =	shalt  }
0x72: {  	_ =	shalt  }
0x73: {  	_ =	shalt  }
0x74: {  	_ =	shalt  }
0x75: {  	_ =	shalt  }
0x76: {  	_ =	shalt  }
0x77: {  	_ =	shalt  }
0x78: {  	_ =	shalt  }
0x79: {  	_ =	shalt  }
0x7a: {  	_ =	shalt  }
0x7b: {  	_ =	shalt  }
0x7c: {  	_ =	shalt  }
0x7d: {  	_ =	shalt  }
0x7e: {  	_ =	shalt  }
0x7f: {  	_ =	shalt  }
0x80: {  	_ =	shalt  }
0x81: {  	_ =	shalt  }
0x82: {  	_ =	shalt  }
0x83: {  	_ =	shalt  }
0x84: {  	_ =	shalt  }
0x85: {  	_ =	shalt  }
0x86: {  	_ =	shalt  }
0x87: {  	_ =	shalt  }
.Lfunc_end0:
.L_simem_size_0:
called_computation.3_lowered:
.L_overlay_start_0:
0x88: {  	s2 =	sld [smem:$0x3FD9]  }
0x89: {  	s3 =	sld [smem:$0x3FFE];
	_ =	sdelay $0x1  }
0x8a: {  	s1 =	srdreg.scid  }
0x8b: {  	s0 =	sand.u32 $0x1, s1  }
0x8c: {  	s16 =	sshll.u32 s0, $0xA;
	s2 =	sadd.s32 s3, s2  }
0x8d: {  	s2 =	sadd.s32 s2, s16  }
0x8e: {  	[smem:$0x3FC3] =	sst s2  }
0x8f: {  	_ = 	snop  }
0x90: {  	(tm) =	ssettm $0x1  }
0x91: {  	s17 =	sld [smem:$0x3FFB];
	_ =	sdelay $0x3  }
0x92: {  	_ =	strace s17  }
0x93: {  	s2 =	sld [smem:$0x3FFC];
	_ =	sdelay $0x3  }
0x94: {  	_ =	strace s2  }
0x95: {  	s2 =	sld [smem:$0x3FFD];
	_ =	sdelay $0x3  }
0x96: {  	_ =	strace s2  }
0x97: {  	_ =	strace $0x8FFFFFFF  }
0x98: {  	s18 =	sld [smem:$0x3FDB];
	_ =	sdelay $0x1  }
0x99: {  	s19 =	simm.s32 $_scs_section_size  }
0x9a: {  	s4 =	simm.s32 $_size__tile_overlayer_lowered;
	s5 =	simm.s32 $_tile_overlayer_lowered  }
0x9b: {  	s22 =	simm.s32 $0x1BFF;
	s21 =	sshll.u32 s5, $0x1;
	s2 =	sadd.s32 s19, s18  }
0x9c: {  	s6 =	simm.s32 $0x0;
	s20 =	sshll.u32 s4, $0x1;
	s4 =	sadd.s32 s21, s2  }
0x9d: {  	[timem:s6], [sflag:s22] =	dma.local [hbm:s4], s20  }
0x9e: {  	_ =	swait.ge [sflag:s22], s20  }
0x9f: {  	s3 =	ssub.s32 $0x0, s20;
	[sflag:s22] =	ssyncset.done $0x0  }
0xa0: {  	[sflag:s22] =	ssyncadd.s32 s3;
	_ =	sdelay $0x1  }
0xa1: {  	s23 =	simm.s32 $0x1B8B  }
0xa2: {  	_ =	swait.ge [sflag:s23], $0x1  }
0xa3: {  	[sflag:s23] =	ssyncset.done $0x0  }
0xa4: {  	s25 =	simm.s32 $0x1B8E;
	s24 =	sld [smem:$0x3FFE];
	[sflag:s23] =	ssyncadd.s32 $0xFFFFFFFF  }
0xa5: {  	s26 =	simm.s32 $execute0_lowered;
	[smem:$0x3FD2] =	sst s25  }
0xa6: {  	s4 =	sshll.u32 s26, $0x1;
	_ =	strace $0x8000004F;
	[dreg:$0x1] =	wrdreg $0xFFFFFFFF  }
0xa7: {  	s28 =	simm.s32 $_size_execute0_lowered;
	s2 =	sadd.s32 s2, s4;
	[dreg:$0x0] =	wrdreg $0x0  }
0xa8: {  	s4 =	sshll.u32 s28, $0x1;
	[dreg:$0x2] =	wrdreg s2  }
0xa9: {  	[dreg:$0x3] =	wrdreg s4  }
0xaa: {  	[dreg:$0x4] =	wrdreg $0xC0  }
0xab: {  	_ =	task [dreg:s6], $0x5FFFF  }
0xac: {  	[dreg:$0x1] =	wrdreg $0xFFFFFFFF  }
0xad: {  	[dreg:$0x0] =	wrdreg $0x60  }
0xae: {  	[dreg:$0x2] =	wrdreg s24  }
0xaf: {  	[dreg:$0x3] =	wrdreg $0x150800  }
0xb0: {  	[dreg:$0x4] =	wrdreg $0xB2800  }
0xb1: {  	[dreg:$0x5] =	wrdreg $0x9  }
0xb2: {  	_ =	task.clear_ibuf [dreg:s6], $0x6FFFF;
	_ =	strace $0x9000004F  }
0xb3: {  	s29 =	simm.s32 $0x9;
	_ =	strace $0x80000051  }
0xb4: {  	_ =	swait.ge [sflag:s29], $0x1  }
0xb5: {  	[sflag:s29] =	ssyncadd.s32 $0xFFFFFFFF  }
0xb6: {  	_ =	strace $0x90000051  }
0xb7: {  	_ =	sfence  }
0xb8: {  	s30 =	sld [smem:$0x0];
	_ =	sdelay $0x2  }
0xb9: {  	s31 =	sshll.u32 s1, $0xD;
	s1 =	sshrl.u32 s1, $0x2  }
0xba: {  	s3 =	sand.u32 $0x4000, s31;
	s1 =	sadd.s32 s1, s30  }
0xbb: {  	s0 =	sor.u32 s3, s0;
	s1 =	sshll.u32 s1, $0x11  }
0xbc: {  	s0 =	sor.u32 s1, s0  }
0xbd: {  	s0 =	sadd.s32 $0x8F2B, s0  }
0xbe: {  	[sflag:s0] =	ssyncadd.remote.s32 $0x1  }
0xbf: {  	_ =	sfence.sel $0xFFFF  }
0xc0: {  	[dreg:$0x0] =	wrdreg $0xFFFFFFFF;
	(pc) =	sbr.abs _section_cstart, $3  }
0xc1: {  	[dreg:$0x1] =	wrdreg $0xFFFFFFFF  }
0xc2: {  	_ =	task.clear_ibuf [dreg:s6], $0x2FFFF;
	_ =	strace $0x9FFFFFFF  }
0xc3: {  	(tm) =	ssettm $0x7FFFFFFF  }
tec
execute0_lowered:
.L_overlay_start_1:
0x0: {  	(tag) =	ssettag $0x1  }
0x1: {  	s0 =	rddreg [dreg:$0x0]  }
0x2: {  	s2 =	rddreg [dreg:$0x1]  }
0x3: {  	s13 =	stileid.u32;
	s1 =	srdreg.scid  }
0x4: {  	s3 =	rddreg [dreg:$0x2];
	s4 =	simm.s32 $0x0;
	s5 =	smul.u32 $0x278, s13  }
0x5: {  	s28 =	simm.s32 $0x7;
	s29 =	simm.s32 $0x5200;
	s7 =	smul.u32 $0xA20, s13  }
0x6: {  	s31 =	simm.s32 $0x9280;
	s30 =	simm.s32 $0x4;
	s16 =	smul.u32 $0x9E00, s13  }
0x7: {  	s1 =	sand.u32 $0x1, s1;
	[smem:$0x7FF] =	sst s4;
	s12 =	smul.u32 $0x5100, s13  }
0x8: {  	s10 =	sadd.s32 $0x1E00, s0;
	s15 =	sadd.s32 $0x3E200, s0;
	s6 =	smul.u32 $0x2780, s1  }
0x9: {  	s19 =	sshll.u32 s13, $0x6;
	_ =	strace $0x80000050;
	s8 =	smul.u32 $0x3200, s1  }
0xa: {  	[dreg:$0x4] =	wrdreg s15;
	s1 =	ssub.s32 $0x2, s1;
	s9 =	sadd.s32 s7, s0  }
0xb: {  	s17 =	sshrl.u32 s1, $0x1;
	s18 =	sadd.s32 s16, s2;
	s20 =	sadd.s32 s16, s3  }
0xc: {  	s12 =	sshrl.u32 s12, $0x3;
	s6 =	sadd.s32 s5, s6;
	s5 =	sadd.s32 s5, s8  }
0xd: {  	s1 =	ssub.s32 s1, s17;
	s8 =	sadd.s32 s10, s7;
	s22 =	sadd.s32 s10, s12  }
0xe: {  	s9 =	sadd.s32 $0xC800, s9;
	s18 =	sshrl.u32 s18, $0x3;
	s20 =	sshrl.u32 s20, $0x3  }
0xf: {  	s10 =	simm.s32 $0x6;
	s6 =	sshll.u32 s6, $0x3;
	s5 =	sshll.u32 s5, $0x3  }
0x10: {  	[dreg:$0x6] =	wrdreg s9;
	s23 =	sadd.s32 $0x10, s8;
	s24 =	sadd.s32 $0x20, s22  }
0x11: {  	s25 =	sadd.s32 $0x30, s22;
	s26 =	sadd.s32 $0x40, s22;
	s7 =	sadd.s32 $0xA10, s22  }
0x12: {  	s16 =	smax.u32 s1, $0x1;
	s17 =	sadd.s32 $0x70, s8;
	[dreg:$0x7] =	wrdreg s23  }
0x13: {  	s22 =	simm.s32 $0x80;
	s1 =	simm.s32 $0x2;
	[dreg:$0x8] =	wrdreg s24  }
0x14: {  	s9 =	simm.s32 $0x5;
	s11 =	sadd.s32 s6, s0;
	[dreg:$0x9] =	wrdreg s25  }
0x15: {  	s0 =	sadd.s32 s5, s0;
	s6 =	sor.u32 $0x1C0A, s19;
	[dreg:$0xa] =	wrdreg s26  }
0x16: {  	[dreg:$0xb] =	wrdreg s7;
	s19 =	simm.s32 $0xA;
	s23 =	simm.s32 $0x5280  }
0x17: {  	s24 =	simm.s32 $0x5180;
	s25 =	simm.s32 $0x7280;
	s26 =	simm.s32 $0x1  }
0x18: {  	s5 =	simm.s32 $0x3;
	s7 =	simm.s32 $0x9;
	s21 =	sadd.s32 $0x16A00, s11  }
0x19: {  	s0 =	sadd.s32 $0x3F600, s0;
	s11 =	simm.s32 $0x0;
	[dreg:$0x5] =	wrdreg s21  }
0x1a: {  	[dreg:$0xc] =	wrdreg s0;
	s21 =	simm.s32 $0x5100;
	s0 =	simm.s32 $0x8  }
.LBB2_1:
0x1b: {  	s12 =	rddreg [dreg:$0x4]  }
0x1c: {  	[spmem:s18], [sflag:s6] =	dma.local [hbm:s12], $0x13C0  }
0x1d: {  	_ =	swait.ge [sflag:s19], $0x13C0  }
0x1e: {  	[sflag:s19] =	ssyncset.done $0x0  }
0x1f: {  	s15 =	rddreg [dreg:$0x5];
	[sflag:s19] =	ssyncadd.s32 $0xFFFFEC40  }
0x20: {  	[spmem:s20], [sflag:s6] =	dma.local [hbm:s15], $0x13C0  }
0x21: {  	_ =	swait.ge [sflag:s19], $0x13C0  }
0x22: {  	[sflag:s19] =	ssyncset.done $0x0  }
0x23: {  	s13 =	rddreg [dreg:$0x6];
	[sflag:s19] =	ssyncadd.s32 $0xFFFFEC40  }
0x24: {  	[tilespmem:s4], [sflag:$0xA] =	stream.linear.gather [hbm4b:s13+s4], $0x5100, $0x38;
	[tilespmem:$0x1EE80] =	vst v63  }
0x25: {  	_ =	swait.ge [sflag:s19], $0x5100  }
0x26: {  	[sflag:s19] =	ssyncset.done $0x0  }
0x27: {  	[sflag:s19] =	ssyncadd.s32 $0xFFFFAF00  }
0x28: {  	[bflag:$0x0] =	sbarrier.arrive $0xFFFF  }
0x29: {  	[tilespmem:s21], [sflag:$0x7] =	stream.linear.gather [hbm4b:s8+s4], $0x80, $0x38;
	[tilespmem:$0x1EE80] =	vst v63  }
0x2a: {  	_ = 	snop  }
0x2b: {  	[tilespmem:s23], [sflag:$0x1] =	stream.indirect.gather [spmem:s3], $0x40, s4, s22, $0xb8;
	[tilespmem:$0x1EE80] =	vst v63  }
0x2c: {  	s14 =	rddreg [dreg:$0x7]  }
0x2d: {  	[tilespmem:s24], [sflag:$0x8] =	stream.linear.gather [hbm4b:s14+s4], $0x80, $0x38;
	[tilespmem:$0x1EE80] =	vst v63  }
0x2e: {  	_ = 	snop  }
0x2f: {  	[tilespmem:s25], [sflag:$0x2] =	stream.indirect.gather [spmem:s3], $0x40, s22, s22, $0xb8;
	[tilespmem:$0x1EE80] =	vst v63  }
0x30: {  	_ =	swait.ge [sflag:s26], $0x2000  }
0x31: {  	[sflag:s26] =	ssyncset.done $0x0  }
0x32: {  	[sflag:s26] =	ssyncadd.s32 $0xFFFFE000  }
0x33: {  	_ =	swait.ge [sflag:s28], $0x80  }
0x34: {  	[sflag:s28] =	ssyncset.done $0x0  }
0x35: {  	[sflag:s28] =	ssyncadd.s32 $0xFFFFFF80  }
0x36: {  	[spmem:s2] =	stream.indirect.scatter.add.f32 [tilespmem:s23], [sflag:$0x4], $0x40, s21, s22, $0xb8;
	[tilespmem:$0x1EE80] =	vst v63  }
0x37: {  	s15 =	rddreg [dreg:$0x8]  }
0x38: {  	[tilespmem:s29], [sflag:$0x9] =	stream.linear.gather [hbm4b:s15+s4], $0x80, $0x38;
	[tilespmem:$0x1EE80] =	vst v63  }
0x39: {  	s13 =	simm.s32 $0x100  }
0x3a: {  	[tilespmem:s31], [sflag:$0x3] =	stream.indirect.gather [spmem:s3], $0x40, s13, s22, $0xb8;
	[tilespmem:$0x1EE80] =	vst v63  }
0x3b: {  	_ =	swait.ge [sflag:s1], $0x2000  }
0x3c: {  	[sflag:s1] =	ssyncset.done $0x0  }
0x3d: {  	[sflag:s1] =	ssyncadd.s32 $0xFFFFE000  }
0x3e: {  	_ =	swait.ge [sflag:s0], $0x80  }
0x3f: {  	[sflag:s0] =	ssyncset.done $0x0  }
0x40: {  	[sflag:s0] =	ssyncadd.s32 $0xFFFFFF80  }
0x41: {  	[spmem:s2] =	stream.indirect.scatter.add.f32 [tilespmem:s25], [sflag:$0x5], $0x40, s24, s22, $0xb8;
	[tilespmem:$0x1EE80] =	vst v63  }
0x42: {  	_ =	swait.ge [sflag:s30], $0x2000  }
0x43: {  	[sflag:s30] =	ssyncset.done $0x0  }
0x44: {  	s14 =	rddreg [dreg:$0x9];
	[sflag:s30] =	ssyncadd.s32 $0xFFFFE000  }
0x45: {  	[tilespmem:s21], [sflag:$0x7] =	stream.linear.gather [hbm4b:s14+s4], $0x80, $0x38;
	[tilespmem:$0x1EE80] =	vst v63  }
0x46: {  	s15 =	simm.s32 $0x180  }
0x47: {  	[tilespmem:s23], [sflag:$0x1] =	stream.indirect.gather [spmem:s3], $0x40, s15, s22, $0xb8;
	[tilespmem:$0x1EE80] =	vst v63  }
0x48: {  	_ =	swait.ge [sflag:s5], $0x2000  }
0x49: {  	[sflag:s5] =	ssyncset.done $0x0  }
0x4a: {  	[sflag:s5] =	ssyncadd.s32 $0xFFFFE000  }
0x4b: {  	_ =	swait.ge [sflag:s7], $0x80  }
0x4c: {  	[sflag:s7] =	ssyncset.done $0x0  }
0x4d: {  	[sflag:s7] =	ssyncadd.s32 $0xFFFFFF80  }
0x4e: {  	[spmem:s2] =	stream.indirect.scatter.add.f32 [tilespmem:s31], [sflag:$0x6], $0x40, s29, s22, $0xb8;
	[tilespmem:$0x1EE80] =	vst v63  }
0x4f: {  	_ =	swait.ge [sflag:s9], $0x2000  }
0x50: {  	[sflag:s9] =	ssyncset.done $0x0  }
0x51: {  	s13 =	rddreg [dreg:$0xa];
	[sflag:s9] =	ssyncadd.s32 $0xFFFFE000  }
0x52: {  	[tilespmem:s24], [sflag:$0x8] =	stream.linear.gather [hbm4b:s13+s4], $0x80, $0x38;
	[tilespmem:$0x1EE80] =	vst v63  }
0x53: {  	s14 =	simm.s32 $0x200  }
0x54: {  	[tilespmem:s25], [sflag:$0x2] =	stream.indirect.gather [spmem:s3], $0x40, s14, s22, $0xb8;
	[tilespmem:$0x1EE80] =	vst v63  }
0x55: {  	_ =	swait.ge [sflag:s26], $0x2000  }
0x56: {  	[sflag:s26] =	ssyncset.done $0x0  }
0x57: {  	[sflag:s26] =	ssyncadd.s32 $0xFFFFE000  }
0x58: {  	_ =	swait.ge [sflag:s28], $0x80  }
0x59: {  	[sflag:s28] =	ssyncset.done $0x0  }
0x5a: {  	[sflag:s28] =	ssyncadd.s32 $0xFFFFFF80  }
0x5b: {  	[spmem:s2] =	stream.indirect.scatter.add.f32 [tilespmem:s23], [sflag:$0x4], $0x40, s21, s22, $0xb8;
	[tilespmem:$0x1EE80] =	vst v63  }
0x5c: {  	_ =	swait.ge [sflag:s10], $0x2000  }
0x5d: {  	[sflag:s10] =	ssyncset.done $0x0  }
0x5e: {  	s15 =	sadd.s32 $0xFFFFFFE0, s17;
	[sflag:s10] =	ssyncadd.s32 $0xFFFFE000  }
0x5f: {  	[tilespmem:s29], [sflag:$0x9] =	stream.linear.gather [hbm4b:s15+s4], $0x80, $0x38;
	[tilespmem:$0x1EE80] =	vst v63  }
0x60: {  	s13 =	simm.s32 $0x280  }
0x61: {  	[tilespmem:s31], [sflag:$0x3] =	stream.indirect.gather [spmem:s3], $0x40, s13, s22, $0xb8;
	[tilespmem:$0x1EE80] =	vst v63  }
0x62: {  	_ =	swait.ge [sflag:s1], $0x2000  }
0x63: {  	[sflag:s1] =	ssyncset.done $0x0  }
0x64: {  	[sflag:s1] =	ssyncadd.s32 $0xFFFFE000  }
0x65: {  	_ =	swait.ge [sflag:s0], $0x80  }
0x66: {  	[sflag:s0] =	ssyncset.done $0x0  }
0x67: {  	[sflag:s0] =	ssyncadd.s32 $0xFFFFFF80  }
0x68: {  	[spmem:s2] =	stream.indirect.scatter.add.f32 [tilespmem:s25], [sflag:$0x5], $0x40, s24, s22, $0xb8;
	[tilespmem:$0x1EE80] =	vst v63  }
0x69: {  	_ =	swait.ge [sflag:s30], $0x2000  }
0x6a: {  	[sflag:s30] =	ssyncset.done $0x0  }
0x6b: {  	s14 =	sadd.s32 $0xFFFFFFF0, s17;
	[sflag:s30] =	ssyncadd.s32 $0xFFFFE000  }
0x6c: {  	[tilespmem:s21], [sflag:$0x7] =	stream.linear.gather [hbm4b:s14+s4], $0x80, $0x38;
	[tilespmem:$0x1EE80] =	vst v63  }
0x6d: {  	s15 =	simm.s32 $0x300  }
0x6e: {  	[tilespmem:s23], [sflag:$0x1] =	stream.indirect.gather [spmem:s3], $0x40, s15, s22, $0xb8;
	[tilespmem:$0x1EE80] =	vst v63  }
0x6f: {  	_ =	swait.ge [sflag:s5], $0x2000  }
0x70: {  	[sflag:s5] =	ssyncset.done $0x0  }
0x71: {  	[sflag:s5] =	ssyncadd.s32 $0xFFFFE000  }
0x72: {  	_ =	swait.ge [sflag:s7], $0x80  }
0x73: {  	[sflag:s7] =	ssyncset.done $0x0  }
0x74: {  	[sflag:s7] =	ssyncadd.s32 $0xFFFFFF80  }
0x75: {  	[spmem:s2] =	stream.indirect.scatter.add.f32 [tilespmem:s31], [sflag:$0x6], $0x40, s29, s22, $0xb8;
	[tilespmem:$0x1EE80] =	vst v63  }
0x76: {  	_ =	swait.ge [sflag:s9], $0x2000  }
0x77: {  	s12 =	simm.s32 $0x600;
	[sflag:s9] =	ssyncset.done $0x0  }
0x78: {  	s13 =	sadd.s32 $0x30, s17;
	s14 =	simm.s32 $0x380;
	[sflag:s9] =	ssyncadd.s32 $0xFFFFE000  }
0x79: {  	[tilespmem:s24], [sflag:$0x8] =	stream.linear.gather [hbm4b:s17+s4], $0x80, $0x38;
	[tilespmem:$0x1EE80] =	vst v63  }
.LBB2_2:
0x7a: {  	[tilespmem:s25], [sflag:$0x2] =	stream.indirect.gather [spmem:s3], $0x40, s14, s22, $0xb8;
	[tilespmem:$0x1EE80] =	vst v63  }
0x7b: {  	s14 =	smov.u32 s12  }
0x7c: {  	p0 =	sne.s32 s12, $0x13200;
	s12 =	sadd.s32 $0x600, s12;
	_ =	swait.ge [sflag:s26], $0x2000  }
0x7d: {  	[sflag:s26] =	ssyncset.done $0x0  }
0x7e: {  	[sflag:s26] =	ssyncadd.s32 $0xFFFFE000  }
0x7f: {  	_ =	swait.ge [sflag:s28], $0x80  }
0x80: {  	[sflag:s28] =	ssyncset.done $0x0  }
0x81: {  	[sflag:s28] =	ssyncadd.s32 $0xFFFFFF80  }
0x82: {  	[spmem:s2] =	stream.indirect.scatter.add.f32 [tilespmem:s23], [sflag:$0x4], $0x40, s21, s22, $0xb8;
	[tilespmem:$0x1EE80] =	vst v63  }
0x83: {  	_ =	swait.ge [sflag:s10], $0x2000  }
0x84: {  	[sflag:s10] =	ssyncset.done $0x0  }
0x85: {  	s15 =	sadd.s32 $0xFFFFFFE0, s13;
	s14 =	sshra.s32 s14, $0x2;
	[sflag:s10] =	ssyncadd.s32 $0xFFFFE000  }
0x86: {  	[tilespmem:s29], [sflag:$0x9] =	stream.linear.gather [hbm4b:s15+s4], $0x80, $0x38;
	[tilespmem:$0x1EE80] =	vst v63  }
0x87: {  	s15 =	sadd.s32 $0x280, s14  }
0x88: {  	[tilespmem:s31], [sflag:$0x3] =	stream.indirect.gather [spmem:s3], $0x40, s15, s22, $0xb8;
	[tilespmem:$0x1EE80] =	vst v63  }
0x89: {  	_ =	swait.ge [sflag:s1], $0x2000  }
0x8a: {  	[sflag:s1] =	ssyncset.done $0x0  }
0x8b: {  	[sflag:s1] =	ssyncadd.s32 $0xFFFFE000  }
0x8c: {  	_ =	swait.ge [sflag:s0], $0x80  }
0x8d: {  	[sflag:s0] =	ssyncset.done $0x0  }
0x8e: {  	[sflag:s0] =	ssyncadd.s32 $0xFFFFFF80  }
0x8f: {  	[spmem:s2] =	stream.indirect.scatter.add.f32 [tilespmem:s25], [sflag:$0x5], $0x40, s24, s22, $0xb8;
	[tilespmem:$0x1EE80] =	vst v63  }
0x90: {  	_ =	swait.ge [sflag:s30], $0x2000  }
0x91: {  	[sflag:s30] =	ssyncset.done $0x0  }
0x92: {  	s15 =	sadd.s32 $0xFFFFFFF0, s13;
	[sflag:s30] =	ssyncadd.s32 $0xFFFFE000  }
0x93: {  	[tilespmem:s21], [sflag:$0x7] =	stream.linear.gather [hbm4b:s15+s4], $0x80, $0x38;
	[tilespmem:$0x1EE80] =	vst v63  }
0x94: {  	s15 =	sadd.s32 $0x300, s14  }
0x95: {  	[tilespmem:s23], [sflag:$0x1] =	stream.indirect.gather [spmem:s3], $0x40, s15, s22, $0xb8;
	[tilespmem:$0x1EE80] =	vst v63  }
0x96: {  	_ =	swait.ge [sflag:s5], $0x2000  }
0x97: {  	[sflag:s5] =	ssyncset.done $0x0  }
0x98: {  	[sflag:s5] =	ssyncadd.s32 $0xFFFFE000  }
0x99: {  	_ =	swait.ge [sflag:s7], $0x80  }
0x9a: {  	[sflag:s7] =	ssyncset.done $0x0  }
0x9b: {  	[sflag:s7] =	ssyncadd.s32 $0xFFFFFF80  }
0x9c: {  	[spmem:s2] =	stream.indirect.scatter.add.f32 [tilespmem:s31], [sflag:$0x6], $0x40, s29, s22, $0xb8;
	[tilespmem:$0x1EE80] =	vst v63  }
.Ltmp0:
0x9d: {  	_ =	swait.ge [sflag:s9], $0x2000;
	(pc) =	sbr.rel @p0 .LBB2_2-.Ltmp0, $4  }
0x9e: {  	[sflag:s9] =	ssyncset.done $0x0  }
0x9f: {  	[sflag:s9] =	ssyncadd.s32 $0xFFFFE000  }
0xa0: {  	[tilespmem:s24], [sflag:$0x8] =	stream.linear.gather [hbm4b:s13+s4], $0x80, $0x38;
	[tilespmem:$0x1EE80] =	vst v63  }
0xa1: {  	s14 =	sadd.s32 $0x380, s14;
	s13 =	sadd.s32 $0x30, s13  }
0xa2: {  	[tilespmem:s25], [sflag:$0x2] =	stream.indirect.gather [spmem:s3], $0x40, s14, s22, $0xb8;
	[tilespmem:$0x1EE80] =	vst v63  }
0xa3: {  	_ =	swait.ge [sflag:s26], $0x2000  }
0xa4: {  	[sflag:s26] =	ssyncset.done $0x0  }
0xa5: {  	[sflag:s26] =	ssyncadd.s32 $0xFFFFE000  }
0xa6: {  	_ =	swait.ge [sflag:s28], $0x80  }
0xa7: {  	[sflag:s28] =	ssyncset.done $0x0  }
0xa8: {  	[sflag:s28] =	ssyncadd.s32 $0xFFFFFF80  }
0xa9: {  	[spmem:s2] =	stream.indirect.scatter.add.f32 [tilespmem:s23], [sflag:$0x4], $0x40, s21, s22, $0xb8;
	[tilespmem:$0x1EE80] =	vst v63  }
0xaa: {  	_ =	swait.ge [sflag:s10], $0x2000  }
0xab: {  	[sflag:s10] =	ssyncset.done $0x0  }
0xac: {  	s12 =	rddreg [dreg:$0xb];
	[sflag:s10] =	ssyncadd.s32 $0xFFFFE000  }
0xad: {  	[tilespmem:s29], [sflag:$0x9] =	stream.linear.gather [hbm4b:s12+s4], $0x80, $0x38;
	[tilespmem:$0x1EE80] =	vst v63  }
0xae: {  	s14 =	simm.s32 $0x5080  }
0xaf: {  	[tilespmem:s31], [sflag:$0x3] =	stream.indirect.gather [spmem:s3], $0x40, s14, s22, $0xb8;
	[tilespmem:$0x1EE80] =	vst v63  }
0xb0: {  	_ =	swait.ge [sflag:s1], $0x2000  }
0xb1: {  	[sflag:s1] =	ssyncset.done $0x0  }
0xb2: {  	[sflag:s1] =	ssyncadd.s32 $0xFFFFE000  }
0xb3: {  	_ =	swait.ge [sflag:s0], $0x80  }
0xb4: {  	[sflag:s0] =	ssyncset.done $0x0  }
0xb5: {  	[sflag:s0] =	ssyncadd.s32 $0xFFFFFF80  }
0xb6: {  	[spmem:s2] =	stream.indirect.scatter.add.f32 [tilespmem:s25], [sflag:$0x5], $0x40, s24, s22, $0xb8;
	[tilespmem:$0x1EE80] =	vst v63  }
0xb7: {  	_ =	swait.ge [sflag:s30], $0x2000  }
0xb8: {  	[sflag:s30] =	ssyncset.done $0x0  }
0xb9: {  	[sflag:s30] =	ssyncadd.s32 $0xFFFFE000  }
0xba: {  	_ =	swait.ge [sflag:s5], $0x2000  }
0xbb: {  	[sflag:s5] =	ssyncset.done $0x0  }
0xbc: {  	[sflag:s5] =	ssyncadd.s32 $0xFFFFE000  }
0xbd: {  	_ =	swait.ge [sflag:s7], $0x80  }
0xbe: {  	[sflag:s7] =	ssyncset.done $0x0  }
0xbf: {  	[sflag:s7] =	ssyncadd.s32 $0xFFFFFF80  }
0xc0: {  	[spmem:s2] =	stream.indirect.scatter.add.f32 [tilespmem:s31], [sflag:$0x6], $0x40, s29, s22, $0xb8;
	[tilespmem:$0x1EE80] =	vst v63  }
0xc1: {  	_ =	swait.ge [sflag:s9], $0x2000  }
0xc2: {  	[sflag:s9] =	ssyncset.done $0x0  }
0xc3: {  	[sflag:s9] =	ssyncadd.s32 $0xFFFFE000  }
0xc4: {  	_ =	swait.ge [sflag:s10], $0x2000  }
0xc5: {  	[sflag:s10] =	ssyncset.done $0x0  }
0xc6: {  	s11 =	sadd.s32 $0x1, s11;
	[sflag:s10] =	ssyncadd.s32 $0xFFFFE000  }
0xc7: {  	p0 =	sne.s32 s11, s16;
	[bflag:$0x0] =	sbarrier.arrive $0xFFFF  }
.Ltmp1:
0xc8: {  	s15 =	rddreg [dreg:$0xc];
	(pc) =	sbr.rel @p0 .LBB2_1-.Ltmp1, $4  }
0xc9: {  	[hbm:s15], [sflag:s6] =	dma.local [spmem:s18], $0x13C0  }
0xca: {  	_ =	swait.ge [sflag:s19], $0x13C0  }
0xcb: {  	[sflag:s19] =	ssyncset.done $0x0  }
0xcc: {  	[sflag:s19] =	ssyncadd.s32 $0xFFFFEC40  }
0xcd: {  	_ =	sfence.sel $0x180000  }
0xce: {  	[bflag:$0x0] =	sbarrier.arrive $0xFFFF  }
0xcf: {  	_ =	strace $0x90000050  }
0xd0: {  	s0 =	stileid.u32;
	[bflag:$0x2] =	sbarrier.arrive $0xFFFF  }
0xd1: {  	p0 =	sne.s32 s0, $0x0;
	s0 =	rddreg [dreg:$0x3]  }
0xd2: {  	s0 =	sadd.s32 @!p0 $0x100000, s0  }
0xd3: {  	[sflag:s0] =	ssyncadd.tile.s32 @!p0 $0x1;
	_ =	shalt  }
.Lfunc_end2:
_tile_overlayer_lowered:
.L_overlay_start_2:
0xd4: {  	(tag) =	ssettag $0x2  }
0xd5: {  	s0 =	rddreg [dreg:$0x0];
	s2 =	stileid.u32  }
0xd6: {  	s1 =	rddreg [dreg:$0x1];
	p0 =	sne.s32 s2, $0x0  }
0xd7: {  	s3 =	rddreg [dreg:$0x2];
	[bflag:$0x3] =	sbarrier.arrive $0xFFFF;
	s2 =	simm.s32 @!p0 $0x1C0A  }
0xd8: {  	[timem:s3], [sflag:s2] =	dma.local @!p0 [hbm:s0], s1  }
0xd9: {  	s0 =	simm.s32 @!p0 $0xA  }
0xda: {  	_ =	swait.ge @!p0 [sflag:s0], s1  }
0xdb: {  	s1 =	ssub.s32 @!p0 $0x0, s1;
	[sflag:s0] =	ssyncset.done @!p0 $0x0  }
0xdc: {  	[sflag:s0] =	ssyncadd.s32 @!p0 s1  }
0xdd: {  	[bflag:$0x3] =	sbarrier.arrive $0xFFFF  }
0xde: {  	_ =	shalt  }

// kernel: closed_call.8.cloned.1.call-start
scs
__scs_entry_jumppad:
0x0: {  	(pc) =	sbr.rel $0x88, $3  }
0x1: {  	(tag) =	ssettag $0x0;
	lr =	simm.s32 $0x1  }
0x2: {  	[smem:$0x3F9C] =	sst lr;
	_ =	strace $0xD0000000  }
0x3: {  	_ = 	snop  }
0x4: {  	_ = 	snop  }
0x5: {  	_ = 	snop  }
0x6: {  	_ = 	snop  }
0x7: {  	_ = 	snop  }
__scs_overlays_trampoline_lowered:
0x8: {  	[smem:$0x3FAB] =	sst s0  }
0x9: {  	[smem:$0x3FAC] =	sst s1  }
0xa: {  	[smem:$0x3FAD] =	sst s2  }
0xb: {  	[smem:$0x3FAE] =	sst s3  }
0xc: {  	[smem:$0x3FAF] =	sst s4  }
0xd: {  	[smem:$0x3FB0] =	sst s5  }
0xe: {  	[smem:$0x3FB1] =	sst s6  }
0xf: {  	[smem:$0x3FB2] =	sst s7  }
0x10: {  	[smem:$0x3FB3] =	sst s8  }
0x11: {  	[smem:$0x3FB4] =	sst s9;
	s0 =	simm.s32 @!p0 $0x0  }
0x12: {  	s1 =	sld [smem:$0x3F9A];
	s0 =	simm.s32 @p0 $0x1  }
0x13: {  	[smem:$0x3FB5] =	sst s0;
	s0 =	simm.s32 @!p1 $0x0  }
0x14: {  	s2 =	sld [smem:$0x3F99];
	s0 =	simm.s32 @p1 $0x1  }
0x15: {  	[smem:$0x3FB6] =	sst s0;
	s0 =	simm.s32 @!p2 $0x0  }
0x16: {  	s3 =	sld [smem:$0x3FDB];
	s0 =	simm.s32 @p2 $0x1  }
0x17: {  	s4 =	simm.s32 $0x1BF5;
	[smem:$0x3FB8] =	sst s0  }
0x18: {  	s0 =	sld [smem:$0x3F9B];
	_ =	swait.ge [sflag:s4], $0x0  }
0x19: {  	s7 =	sld [smem:$0x3F9C]  }
0x1a: {  	s8 =	sadd.s32 $0xFFFFE003, lr  }
0x1b: {  	s9 =	sadd.s32 $0xFFFFFEF7, lr;
	s5 =	simm.s32 $0xFFFFFFFF;
	p2 =	slt.u32 s8, $0xFFFFF086  }
0x1c: {  	p1 =	slt.u32 s9, $0xF7A;
	s5 =	simm.s32 @!p2 $0x0  }
0x1d: {  	s5 =	simm.s32 @p1 $0x1;
	p0 =	seq.s32 s7, s2  }
0x1e: {  	s7 =	smul.u32 @!p0 $0xF7A, s2;
	p2 =	seq.s32 @!p0 s5, $0x0  }
0x1f: {  	s9 =	smul.u32 $0xF7A, s1;
	s8 =	simm.s32 @!p0 $0x1BF5;
	p2 =	por !p2, p0  }
0x20: {  	[sflag:s8] =	ssyncset.s32 @!p0 $0xFFFFF086;
	s6 =	sadd.s32 @!p0 s3, s7;
	s7 =	simm.s32 @!p0 $0x108  }
0x21: {  	s3 =	sadd.s32 s3, s9;
	s6 =	sadd.s32 @!p0 $0x88, s6;
	s7 =	simm.s32 @p2 $0x1082  }
0x22: {  	[simem:s7], [sflag:s8] =	dma.local @!p0 [hbm:s6], $0xF7A  }
0x23: {  	s9 =	sor.u32 $0xD0000000, s2;
	s6 =	simm.s32 $0x108;
	_ =	swait.ge @!p0 [sflag:s8], $0x0  }
0x24: {  	s3 =	sadd.s32 $0x88, s3;
	s6 =	simm.s32 @!p1 $0x1082;
	[sflag:s4] =	ssyncset.s32 $0xFFFFF086  }
0x25: {  	[simem:s6], [sflag:s4] =	dma.local [hbm:s3], $0xF7A  }
0x26: {  	[smem:$0x3F9C] =	sst s1;
	(tag) =	ssettag s2;
	_ =	strace s9  }
0x27: {  	s1 =	sld [smem:$0x3FAC]  }
0x28: {  	s2 =	sld [smem:$0x3FAD]  }
0x29: {  	s4 =	sld [smem:$0x3FAF]  }
0x2a: {  	p0 =	seq.s32 s5, $0x0;
	s5 =	sld [smem:$0x3FB0]  }
0x2b: {  	s6 =	sld [smem:$0x3FB1]  }
0x2c: {  	s7 =	sld [smem:$0x3FB2]  }
0x2d: {  	s3 =	simm.s32 $0x108;
	s8 =	sld [smem:$0x3FB3]  }
0x2e: {  	s3 =	simm.s32 @!p0 $0x1082;
	s9 =	sld [smem:$0x3FB4]  }
0x2f: {  	lr =	sadd.s32 s0, s3;
	s0 =	sld [smem:$0x3FAB]  }
0x30: {  	s3 =	sld [smem:$0x3FAE]  }
0x31: {  	[smem:$0x3FB7] =	sst s10  }
0x32: {  	s10 =	sld [smem:$0x3FB5];
	_ =	sdelay $0x3  }
0x33: {  	p0 =	seq.s32 s10, $0x1;
	s10 =	sld [smem:$0x3FB7];
	_ =	sdelay $0x3  }
0x34: {  	[smem:$0x3FB7] =	sst s10  }
0x35: {  	s10 =	sld [smem:$0x3FB6];
	_ =	sdelay $0x3  }
0x36: {  	p1 =	seq.s32 s10, $0x1;
	s10 =	sld [smem:$0x3FB7];
	_ =	sdelay $0x3  }
0x37: {  	[smem:$0x3FB7] =	sst s10  }
0x38: {  	s10 =	sld [smem:$0x3FB8]  }
0x39: {  	_ = 	snop;
	(pc) =	sbr.ind lr, $3  }
0x3a: {  	_ = 	snop  }
0x3b: {  	_ = 	snop  }
0x3c: {  	p2 =	seq.s32 s10, $0x1;
	s10 =	sld [smem:$0x3FB7]  }
0x3d: {  	_ =	shalt  }
0x3e: {  	_ =	shalt  }
0x3f: {  	_ =	shalt  }
0x40: {  	_ =	shalt  }
0x41: {  	_ =	shalt  }
0x42: {  	_ =	shalt  }
0x43: {  	_ =	shalt  }
0x44: {  	_ =	shalt  }
0x45: {  	_ =	shalt  }
0x46: {  	_ =	shalt  }
0x47: {  	_ =	shalt  }
0x48: {  	_ =	shalt  }
0x49: {  	_ =	shalt  }
0x4a: {  	_ =	shalt  }
0x4b: {  	_ =	shalt  }
0x4c: {  	_ =	shalt  }
0x4d: {  	_ =	shalt  }
0x4e: {  	_ =	shalt  }
0x4f: {  	_ =	shalt  }
0x50: {  	_ =	shalt  }
0x51: {  	_ =	shalt  }
0x52: {  	_ =	shalt  }
0x53: {  	_ =	shalt  }
0x54: {  	_ =	shalt  }
0x55: {  	_ =	shalt  }
0x56: {  	_ =	shalt  }
0x57: {  	_ =	shalt  }
0x58: {  	_ =	shalt  }
0x59: {  	_ =	shalt  }
0x5a: {  	_ =	shalt  }
0x5b: {  	_ =	shalt  }
0x5c: {  	_ =	shalt  }
0x5d: {  	_ =	shalt  }
0x5e: {  	_ =	shalt  }
0x5f: {  	_ =	shalt  }
0x60: {  	_ =	shalt  }
0x61: {  	_ =	shalt  }
0x62: {  	_ =	shalt  }
0x63: {  	_ =	shalt  }
0x64: {  	_ =	shalt  }
0x65: {  	_ =	shalt  }
0x66: {  	_ =	shalt  }
0x67: {  	_ =	shalt  }
0x68: {  	_ =	shalt  }
0x69: {  	_ =	shalt  }
0x6a: {  	_ =	shalt  }
0x6b: {  	_ =	shalt  }
0x6c: {  	_ =	shalt  }
0x6d: {  	_ =	shalt  }
0x6e: {  	_ =	shalt  }
0x6f: {  	_ =	shalt  }
0x70: {  	_ =	shalt  }
0x71: {  	_ =	shalt  }
0x72: {  	_ =	shalt  }
0x73: {  	_ =	shalt  }
0x74: {  	_ =	shalt  }
0x75: {  	_ =	shalt  }
0x76: {  	_ =	shalt  }
0x77: {  	_ =	shalt  }
0x78: {  	_ =	shalt  }
0x79: {  	_ =	shalt  }
0x7a: {  	_ =	shalt  }
0x7b: {  	_ =	shalt  }
0x7c: {  	_ =	shalt  }
0x7d: {  	_ =	shalt  }
0x7e: {  	_ =	shalt  }
0x7f: {  	_ =	shalt  }
0x80: {  	_ =	shalt  }
0x81: {  	_ =	shalt  }
0x82: {  	_ =	shalt  }
0x83: {  	_ =	shalt  }
0x84: {  	_ =	shalt  }
0x85: {  	_ =	shalt  }
0x86: {  	_ =	shalt  }
0x87: {  	_ =	shalt  }
.Lfunc_end0:
.L_simem_size_0:
called_computation.1_lowered:
.L_overlay_start_0:
0x88: {  	s2 =	sld [smem:$0x3FD9]  }
0x89: {  	s3 =	sld [smem:$0x3FFE];
	_ =	sdelay $0x1  }
0x8a: {  	s1 =	srdreg.scid  }
0x8b: {  	s0 =	sand.u32 $0x1, s1  }
0x8c: {  	s16 =	sshll.u32 s0, $0xA;
	s2 =	sadd.s32 s3, s2  }
0x8d: {  	s2 =	sadd.s32 s2, s16  }
0x8e: {  	[smem:$0x3FC3] =	sst s2  }
0x8f: {  	_ = 	snop  }
0x90: {  	(tm) =	ssettm $0x1  }
0x91: {  	s17 =	sld [smem:$0x3FFB];
	_ =	sdelay $0x3  }
0x92: {  	_ =	strace s17  }
0x93: {  	s2 =	sld [smem:$0x3FFC];
	_ =	sdelay $0x3  }
0x94: {  	_ =	strace s2  }
0x95: {  	s2 =	sld [smem:$0x3FFD];
	_ =	sdelay $0x3  }
0x96: {  	_ =	strace s2  }
0x97: {  	_ =	strace $0x8FFFFFFF  }
0x98: {  	s18 =	sld [smem:$0x3FDB];
	_ =	sdelay $0x1  }
0x99: {  	s19 =	simm.s32 $_scs_section_size  }
0x9a: {  	s4 =	simm.s32 $_size__tile_overlayer_lowered;
	s5 =	simm.s32 $_tile_overlayer_lowered  }
0x9b: {  	s22 =	simm.s32 $0x1BFF;
	s21 =	sshll.u32 s5, $0x1;
	s2 =	sadd.s32 s19, s18  }
0x9c: {  	s6 =	simm.s32 $0x0;
	s20 =	sshll.u32 s4, $0x1;
	s4 =	sadd.s32 s21, s2  }
0x9d: {  	[timem:s6], [sflag:s22] =	dma.local [hbm:s4], s20  }
0x9e: {  	_ =	swait.ge [sflag:s22], s20  }
0x9f: {  	s3 =	ssub.s32 $0x0, s20;
	[sflag:s22] =	ssyncset.done $0x0  }
0xa0: {  	[sflag:s22] =	ssyncadd.s32 s3;
	_ =	sdelay $0x1  }
0xa1: {  	s23 =	simm.s32 $0x1B8B  }
0xa2: {  	_ =	swait.ge [sflag:s23], $0x1  }
0xa3: {  	[sflag:s23] =	ssyncset.done $0x0  }
0xa4: {  	s25 =	simm.s32 $0x1B8E;
	s24 =	sld [smem:$0x3FFE];
	[sflag:s23] =	ssyncadd.s32 $0xFFFFFFFF  }
0xa5: {  	s26 =	simm.s32 $execute0_lowered;
	[smem:$0x3FD2] =	sst s25  }
0xa6: {  	s4 =	sshll.u32 s26, $0x1;
	_ =	strace $0x80000049;
	[dreg:$0x1] =	wrdreg $0xFFFFFFFF  }
0xa7: {  	s28 =	simm.s32 $_size_execute0_lowered;
	s2 =	sadd.s32 s2, s4;
	[dreg:$0x0] =	wrdreg $0x0  }
0xa8: {  	s4 =	sshll.u32 s28, $0x1;
	[dreg:$0x2] =	wrdreg s2  }
0xa9: {  	[dreg:$0x3] =	wrdreg s4  }
0xaa: {  	[dreg:$0x4] =	wrdreg $0xC0  }
0xab: {  	_ =	task [dreg:s6], $0x5FFFF  }
0xac: {  	[dreg:$0x1] =	wrdreg $0xFFFFFFFF  }
0xad: {  	[dreg:$0x0] =	wrdreg $0x60  }
0xae: {  	[dreg:$0x2] =	wrdreg s24  }
0xaf: {  	[dreg:$0x3] =	wrdreg $0x150800  }
0xb0: {  	[dreg:$0x4] =	wrdreg $0xB2800  }
0xb1: {  	[dreg:$0x5] =	wrdreg $0x9  }
0xb2: {  	_ =	task.clear_ibuf [dreg:s6], $0x6FFFF;
	_ =	strace $0x90000049  }
0xb3: {  	s29 =	simm.s32 $0x9;
	_ =	strace $0x8000004B  }
0xb4: {  	_ =	swait.ge [sflag:s29], $0x1  }
0xb5: {  	[sflag:s29] =	ssyncadd.s32 $0xFFFFFFFF  }
0xb6: {  	_ =	strace $0x9000004B  }
0xb7: {  	_ =	sfence  }
0xb8: {  	s30 =	sld [smem:$0x0];
	_ =	sdelay $0x2  }
0xb9: {  	s31 =	sshll.u32 s1, $0xD;
	s1 =	sshrl.u32 s1, $0x2  }
0xba: {  	s3 =	sand.u32 $0x4000, s31;
	s1 =	sadd.s32 s1, s30  }
0xbb: {  	s0 =	sor.u32 s3, s0;
	s1 =	sshll.u32 s1, $0x11  }
0xbc: {  	s0 =	sor.u32 s1, s0  }
0xbd: {  	s0 =	sadd.s32 $0x8F2B, s0  }
0xbe: {  	[sflag:s0] =	ssyncadd.remote.s32 $0x1  }
0xbf: {  	_ =	sfence.sel $0xFFFF  }
0xc0: {  	[dreg:$0x0] =	wrdreg $0xFFFFFFFF;
	(pc) =	sbr.abs _section_cstart, $3  }
0xc1: {  	[dreg:$0x1] =	wrdreg $0xFFFFFFFF  }
0xc2: {  	_ =	task.clear_ibuf [dreg:s6], $0x2FFFF;
	_ =	strace $0x9FFFFFFF  }
0xc3: {  	(tm) =	ssettm $0x7FFFFFFF  }
tec
execute0_lowered:
.L_overlay_start_1:
0x0: {  	(tag) =	ssettag $0x1  }
0x1: {  	s0 =	rddreg [dreg:$0x0]  }
0x2: {  	s2 =	rddreg [dreg:$0x1]  }
0x3: {  	s13 =	stileid.u32;
	s1 =	srdreg.scid  }
0x4: {  	s3 =	rddreg [dreg:$0x2];
	s4 =	simm.s32 $0x0;
	s5 =	smul.u32 $0x278, s13  }
0x5: {  	s28 =	simm.s32 $0x7;
	s29 =	simm.s32 $0x5200;
	s7 =	smul.u32 $0xA20, s13  }
0x6: {  	s31 =	simm.s32 $0x9280;
	s30 =	simm.s32 $0x4;
	s16 =	smul.u32 $0x9E00, s13  }
0x7: {  	s1 =	sand.u32 $0x1, s1;
	[smem:$0x7FF] =	sst s4;
	s12 =	smul.u32 $0x5100, s13  }
0x8: {  	s10 =	sadd.s32 $0x1E00, s0;
	s15 =	sadd.s32 $0x3E200, s0;
	s6 =	smul.u32 $0x2780, s1  }
0x9: {  	s19 =	sshll.u32 s13, $0x6;
	_ =	strace $0x8000004A;
	s8 =	smul.u32 $0x3200, s1  }
0xa: {  	[dreg:$0x4] =	wrdreg s15;
	s1 =	ssub.s32 $0x2, s1;
	s9 =	sadd.s32 s7, s0  }
0xb: {  	s17 =	sshrl.u32 s1, $0x1;
	s18 =	sadd.s32 s16, s2;
	s20 =	sadd.s32 s16, s3  }
0xc: {  	s12 =	sshrl.u32 s12, $0x3;
	s6 =	sadd.s32 s5, s6;
	s5 =	sadd.s32 s5, s8  }
0xd: {  	s1 =	ssub.s32 s1, s17;
	s8 =	sadd.s32 s10, s7;
	s22 =	sadd.s32 s10, s12  }
0xe: {  	s9 =	sadd.s32 $0xC800, s9;
	s18 =	sshrl.u32 s18, $0x3;
	s20 =	sshrl.u32 s20, $0x3  }
0xf: {  	s10 =	simm.s32 $0x6;
	s6 =	sshll.u32 s6, $0x3;
	s5 =	sshll.u32 s5, $0x3  }
0x10: {  	[dreg:$0x6] =	wrdreg s9;
	s23 =	sadd.s32 $0x10, s8;
	s24 =	sadd.s32 $0x20, s22  }
0x11: {  	s25 =	sadd.s32 $0x30, s22;
	s26 =	sadd.s32 $0x40, s22;
	s7 =	sadd.s32 $0xA10, s22  }
0x12: {  	s16 =	smax.u32 s1, $0x1;
	s17 =	sadd.s32 $0x70, s8;
	[dreg:$0x7] =	wrdreg s23  }
0x13: {  	s22 =	simm.s32 $0x80;
	s1 =	simm.s32 $0x2;
	[dreg:$0x8] =	wrdreg s24  }
0x14: {  	s9 =	simm.s32 $0x5;
	s11 =	sadd.s32 s6, s0;
	[dreg:$0x9] =	wrdreg s25  }
0x15: {  	s0 =	sadd.s32 s5, s0;
	s6 =	sor.u32 $0x1C0A, s19;
	[dreg:$0xa] =	wrdreg s26  }
0x16: {  	[dreg:$0xb] =	wrdreg s7;
	s19 =	simm.s32 $0xA;
	s23 =	simm.s32 $0x5280  }
0x17: {  	s24 =	simm.s32 $0x5180;
	s25 =	simm.s32 $0x7280;
	s26 =	simm.s32 $0x1  }
0x18: {  	s5 =	simm.s32 $0x3;
	s7 =	simm.s32 $0x9;
	s21 =	sadd.s32 $0x16A00, s11  }
0x19: {  	s0 =	sadd.s32 $0x3F600, s0;
	s11 =	simm.s32 $0x0;
	[dreg:$0x5] =	wrdreg s21  }
0x1a: {  	[dreg:$0xc] =	wrdreg s0;
	s21 =	simm.s32 $0x5100;
	s0 =	simm.s32 $0x8  }
.LBB2_1:
0x1b: {  	s12 =	rddreg [dreg:$0x4]  }
0x1c: {  	[spmem:s18], [sflag:s6] =	dma.local [hbm:s12], $0x13C0  }
0x1d: {  	_ =	swait.ge [sflag:s19], $0x13C0  }
0x1e: {  	[sflag:s19] =	ssyncset.done $0x0  }
0x1f: {  	s15 =	rddreg [dreg:$0x5];
	[sflag:s19] =	ssyncadd.s32 $0xFFFFEC40  }
0x20: {  	[spmem:s20], [sflag:s6] =	dma.local [hbm:s15], $0x13C0  }
0x21: {  	_ =	swait.ge [sflag:s19], $0x13C0  }
0x22: {  	[sflag:s19] =	ssyncset.done $0x0  }
0x23: {  	s13 =	rddreg [dreg:$0x6];
	[sflag:s19] =	ssyncadd.s32 $0xFFFFEC40  }
0x24: {  	[tilespmem:s4], [sflag:$0xA] =	stream.linear.gather [hbm4b:s13+s4], $0x5100, $0x38;
	[tilespmem:$0x1EE80] =	vst v63  }
0x25: {  	_ =	swait.ge [sflag:s19], $0x5100  }
0x26: {  	[sflag:s19] =	ssyncset.done $0x0  }
0x27: {  	[sflag:s19] =	ssyncadd.s32 $0xFFFFAF00  }
0x28: {  	[bflag:$0x0] =	sbarrier.arrive $0xFFFF  }
0x29: {  	[tilespmem:s21], [sflag:$0x7] =	stream.linear.gather [hbm4b:s8+s4], $0x80, $0x38;
	[tilespmem:$0x1EE80] =	vst v63  }
0x2a: {  	_ = 	snop  }
0x2b: {  	[tilespmem:s23], [sflag:$0x1] =	stream.indirect.gather [spmem:s3], $0x40, s4, s22, $0xb8;
	[tilespmem:$0x1EE80] =	vst v63  }
0x2c: {  	s14 =	rddreg [dreg:$0x7]  }
0x2d: {  	[tilespmem:s24], [sflag:$0x8] =	stream.linear.gather [hbm4b:s14+s4], $0x80, $0x38;
	[tilespmem:$0x1EE80] =	vst v63  }
0x2e: {  	_ = 	snop  }
0x2f: {  	[tilespmem:s25], [sflag:$0x2] =	stream.indirect.gather [spmem:s3], $0x40, s22, s22, $0xb8;
	[tilespmem:$0x1EE80] =	vst v63  }
0x30: {  	_ =	swait.ge [sflag:s26], $0x2000  }
0x31: {  	[sflag:s26] =	ssyncset.done $0x0  }
0x32: {  	[sflag:s26] =	ssyncadd.s32 $0xFFFFE000  }
0x33: {  	_ =	swait.ge [sflag:s28], $0x80  }
0x34: {  	[sflag:s28] =	ssyncset.done $0x0  }
0x35: {  	[sflag:s28] =	ssyncadd.s32 $0xFFFFFF80  }
0x36: {  	[spmem:s2] =	stream.indirect.scatter.add.f32 [tilespmem:s23], [sflag:$0x4], $0x40, s21, s22, $0xb8;
	[tilespmem:$0x1EE80] =	vst v63  }
0x37: {  	s15 =	rddreg [dreg:$0x8]  }
0x38: {  	[tilespmem:s29], [sflag:$0x9] =	stream.linear.gather [hbm4b:s15+s4], $0x80, $0x38;
	[tilespmem:$0x1EE80] =	vst v63  }
0x39: {  	s13 =	simm.s32 $0x100  }
0x3a: {  	[tilespmem:s31], [sflag:$0x3] =	stream.indirect.gather [spmem:s3], $0x40, s13, s22, $0xb8;
	[tilespmem:$0x1EE80] =	vst v63  }
0x3b: {  	_ =	swait.ge [sflag:s1], $0x2000  }
0x3c: {  	[sflag:s1] =	ssyncset.done $0x0  }
0x3d: {  	[sflag:s1] =	ssyncadd.s32 $0xFFFFE000  }
0x3e: {  	_ =	swait.ge [sflag:s0], $0x80  }
0x3f: {  	[sflag:s0] =	ssyncset.done $0x0  }
0x40: {  	[sflag:s0] =	ssyncadd.s32 $0xFFFFFF80  }
0x41: {  	[spmem:s2] =	stream.indirect.scatter.add.f32 [tilespmem:s25], [sflag:$0x5], $0x40, s24, s22, $0xb8;
	[tilespmem:$0x1EE80] =	vst v63  }
0x42: {  	_ =	swait.ge [sflag:s30], $0x2000  }
0x43: {  	[sflag:s30] =	ssyncset.done $0x0  }
0x44: {  	s14 =	rddreg [dreg:$0x9];
	[sflag:s30] =	ssyncadd.s32 $0xFFFFE000  }
0x45: {  	[tilespmem:s21], [sflag:$0x7] =	stream.linear.gather [hbm4b:s14+s4], $0x80, $0x38;
	[tilespmem:$0x1EE80] =	vst v63  }
0x46: {  	s15 =	simm.s32 $0x180  }
0x47: {  	[tilespmem:s23], [sflag:$0x1] =	stream.indirect.gather [spmem:s3], $0x40, s15, s22, $0xb8;
	[tilespmem:$0x1EE80] =	vst v63  }
0x48: {  	_ =	swait.ge [sflag:s5], $0x2000  }
0x49: {  	[sflag:s5] =	ssyncset.done $0x0  }
0x4a: {  	[sflag:s5] =	ssyncadd.s32 $0xFFFFE000  }
0x4b: {  	_ =	swait.ge [sflag:s7], $0x80  }
0x4c: {  	[sflag:s7] =	ssyncset.done $0x0  }
0x4d: {  	[sflag:s7] =	ssyncadd.s32 $0xFFFFFF80  }
0x4e: {  	[spmem:s2] =	stream.indirect.scatter.add.f32 [tilespmem:s31], [sflag:$0x6], $0x40, s29, s22, $0xb8;
	[tilespmem:$0x1EE80] =	vst v63  }
0x4f: {  	_ =	swait.ge [sflag:s9], $0x2000  }
0x50: {  	[sflag:s9] =	ssyncset.done $0x0  }
0x51: {  	s13 =	rddreg [dreg:$0xa];
	[sflag:s9] =	ssyncadd.s32 $0xFFFFE000  }
0x52: {  	[tilespmem:s24], [sflag:$0x8] =	stream.linear.gather [hbm4b:s13+s4], $0x80, $0x38;
	[tilespmem:$0x1EE80] =	vst v63  }
0x53: {  	s14 =	simm.s32 $0x200  }
0x54: {  	[tilespmem:s25], [sflag:$0x2] =	stream.indirect.gather [spmem:s3], $0x40, s14, s22, $0xb8;
	[tilespmem:$0x1EE80] =	vst v63  }
0x55: {  	_ =	swait.ge [sflag:s26], $0x2000  }
0x56: {  	[sflag:s26] =	ssyncset.done $0x0  }
0x57: {  	[sflag:s26] =	ssyncadd.s32 $0xFFFFE000  }
0x58: {  	_ =	swait.ge [sflag:s28], $0x80  }
0x59: {  	[sflag:s28] =	ssyncset.done $0x0  }
0x5a: {  	[sflag:s28] =	ssyncadd.s32 $0xFFFFFF80  }
0x5b: {  	[spmem:s2] =	stream.indirect.scatter.add.f32 [tilespmem:s23], [sflag:$0x4], $0x40, s21, s22, $0xb8;
	[tilespmem:$0x1EE80] =	vst v63  }
0x5c: {  	_ =	swait.ge [sflag:s10], $0x2000  }
0x5d: {  	[sflag:s10] =	ssyncset.done $0x0  }
0x5e: {  	s15 =	sadd.s32 $0xFFFFFFE0, s17;
	[sflag:s10] =	ssyncadd.s32 $0xFFFFE000  }
0x5f: {  	[tilespmem:s29], [sflag:$0x9] =	stream.linear.gather [hbm4b:s15+s4], $0x80, $0x38;
	[tilespmem:$0x1EE80] =	vst v63  }
0x60: {  	s13 =	simm.s32 $0x280  }
0x61: {  	[tilespmem:s31], [sflag:$0x3] =	stream.indirect.gather [spmem:s3], $0x40, s13, s22, $0xb8;
	[tilespmem:$0x1EE80] =	vst v63  }
0x62: {  	_ =	swait.ge [sflag:s1], $0x2000  }
0x63: {  	[sflag:s1] =	ssyncset.done $0x0  }
0x64: {  	[sflag:s1] =	ssyncadd.s32 $0xFFFFE000  }
0x65: {  	_ =	swait.ge [sflag:s0], $0x80  }
0x66: {  	[sflag:s0] =	ssyncset.done $0x0  }
0x67: {  	[sflag:s0] =	ssyncadd.s32 $0xFFFFFF80  }
0x68: {  	[spmem:s2] =	stream.indirect.scatter.add.f32 [tilespmem:s25], [sflag:$0x5], $0x40, s24, s22, $0xb8;
	[tilespmem:$0x1EE80] =	vst v63  }
0x69: {  	_ =	swait.ge [sflag:s30], $0x2000  }
0x6a: {  	[sflag:s30] =	ssyncset.done $0x0  }
0x6b: {  	s14 =	sadd.s32 $0xFFFFFFF0, s17;
	[sflag:s30] =	ssyncadd.s32 $0xFFFFE000  }
0x6c: {  	[tilespmem:s21], [sflag:$0x7] =	stream.linear.gather [hbm4b:s14+s4], $0x80, $0x38;
	[tilespmem:$0x1EE80] =	vst v63  }
0x6d: {  	s15 =	simm.s32 $0x300  }
0x6e: {  	[tilespmem:s23], [sflag:$0x1] =	stream.indirect.gather [spmem:s3], $0x40, s15, s22, $0xb8;
	[tilespmem:$0x1EE80] =	vst v63  }
0x6f: {  	_ =	swait.ge [sflag:s5], $0x2000  }
0x70: {  	[sflag:s5] =	ssyncset.done $0x0  }
0x71: {  	[sflag:s5] =	ssyncadd.s32 $0xFFFFE000  }
0x72: {  	_ =	swait.ge [sflag:s7], $0x80  }
0x73: {  	[sflag:s7] =	ssyncset.done $0x0  }
0x74: {  	[sflag:s7] =	ssyncadd.s32 $0xFFFFFF80  }
0x75: {  	[spmem:s2] =	stream.indirect.scatter.add.f32 [tilespmem:s31], [sflag:$0x6], $0x40, s29, s22, $0xb8;
	[tilespmem:$0x1EE80] =	vst v63  }
0x76: {  	_ =	swait.ge [sflag:s9], $0x2000  }
0x77: {  	s12 =	simm.s32 $0x600;
	[sflag:s9] =	ssyncset.done $0x0  }
0x78: {  	s13 =	sadd.s32 $0x30, s17;
	s14 =	simm.s32 $0x380;
	[sflag:s9] =	ssyncadd.s32 $0xFFFFE000  }
0x79: {  	[tilespmem:s24], [sflag:$0x8] =	stream.linear.gather [hbm4b:s17+s4], $0x80, $0x38;
	[tilespmem:$0x1EE80] =	vst v63  }
.LBB2_2:
0x7a: {  	[tilespmem:s25], [sflag:$0x2] =	stream.indirect.gather [spmem:s3], $0x40, s14, s22, $0xb8;
	[tilespmem:$0x1EE80] =	vst v63  }
0x7b: {  	s14 =	smov.u32 s12  }
0x7c: {  	p0 =	sne.s32 s12, $0x13200;
	s12 =	sadd.s32 $0x600, s12;
	_ =	swait.ge [sflag:s26], $0x2000  }
0x7d: {  	[sflag:s26] =	ssyncset.done $0x0  }
0x7e: {  	[sflag:s26] =	ssyncadd.s32 $0xFFFFE000  }
0x7f: {  	_ =	swait.ge [sflag:s28], $0x80  }
0x80: {  	[sflag:s28] =	ssyncset.done $0x0  }
0x81: {  	[sflag:s28] =	ssyncadd.s32 $0xFFFFFF80  }
0x82: {  	[spmem:s2] =	stream.indirect.scatter.add.f32 [tilespmem:s23], [sflag:$0x4], $0x40, s21, s22, $0xb8;
	[tilespmem:$0x1EE80] =	vst v63  }
0x83: {  	_ =	swait.ge [sflag:s10], $0x2000  }
0x84: {  	[sflag:s10] =	ssyncset.done $0x0  }
0x85: {  	s15 =	sadd.s32 $0xFFFFFFE0, s13;
	s14 =	sshra.s32 s14, $0x2;
	[sflag:s10] =	ssyncadd.s32 $0xFFFFE000  }
0x86: {  	[tilespmem:s29], [sflag:$0x9] =	stream.linear.gather [hbm4b:s15+s4], $0x80, $0x38;
	[tilespmem:$0x1EE80] =	vst v63  }
0x87: {  	s15 =	sadd.s32 $0x280, s14  }
0x88: {  	[tilespmem:s31], [sflag:$0x3] =	stream.indirect.gather [spmem:s3], $0x40, s15, s22, $0xb8;
	[tilespmem:$0x1EE80] =	vst v63  }
0x89: {  	_ =	swait.ge [sflag:s1], $0x2000  }
0x8a: {  	[sflag:s1] =	ssyncset.done $0x0  }
0x8b: {  	[sflag:s1] =	ssyncadd.s32 $0xFFFFE000  }
0x8c: {  	_ =	swait.ge [sflag:s0], $0x80  }
0x8d: {  	[sflag:s0] =	ssyncset.done $0x0  }
0x8e: {  	[sflag:s0] =	ssyncadd.s32 $0xFFFFFF80  }
0x8f: {  	[spmem:s2] =	stream.indirect.scatter.add.f32 [tilespmem:s25], [sflag:$0x5], $0x40, s24, s22, $0xb8;
	[tilespmem:$0x1EE80] =	vst v63  }
0x90: {  	_ =	swait.ge [sflag:s30], $0x2000  }
0x91: {  	[sflag:s30] =	ssyncset.done $0x0  }
0x92: {  	s15 =	sadd.s32 $0xFFFFFFF0, s13;
	[sflag:s30] =	ssyncadd.s32 $0xFFFFE000  }
0x93: {  	[tilespmem:s21], [sflag:$0x7] =	stream.linear.gather [hbm4b:s15+s4], $0x80, $0x38;
	[tilespmem:$0x1EE80] =	vst v63  }
0x94: {  	s15 =	sadd.s32 $0x300, s14  }
0x95: {  	[tilespmem:s23], [sflag:$0x1] =	stream.indirect.gather [spmem:s3], $0x40, s15, s22, $0xb8;
	[tilespmem:$0x1EE80] =	vst v63  }
0x96: {  	_ =	swait.ge [sflag:s5], $0x2000  }
0x97: {  	[sflag:s5] =	ssyncset.done $0x0  }
0x98: {  	[sflag:s5] =	ssyncadd.s32 $0xFFFFE000  }
0x99: {  	_ =	swait.ge [sflag:s7], $0x80  }
0x9a: {  	[sflag:s7] =	ssyncset.done $0x0  }
0x9b: {  	[sflag:s7] =	ssyncadd.s32 $0xFFFFFF80  }
0x9c: {  	[spmem:s2] =	stream.indirect.scatter.add.f32 [tilespmem:s31], [sflag:$0x6], $0x40, s29, s22, $0xb8;
	[tilespmem:$0x1EE80] =	vst v63  }
.Ltmp0:
0x9d: {  	_ =	swait.ge [sflag:s9], $0x2000;
	(pc) =	sbr.rel @p0 .LBB2_2-.Ltmp0, $4  }
0x9e: {  	[sflag:s9] =	ssyncset.done $0x0  }
0x9f: {  	[sflag:s9] =	ssyncadd.s32 $0xFFFFE000  }
0xa0: {  	[tilespmem:s24], [sflag:$0x8] =	stream.linear.gather [hbm4b:s13+s4], $0x80, $0x38;
	[tilespmem:$0x1EE80] =	vst v63  }
0xa1: {  	s14 =	sadd.s32 $0x380, s14;
	s13 =	sadd.s32 $0x30, s13  }
0xa2: {  	[tilespmem:s25], [sflag:$0x2] =	stream.indirect.gather [spmem:s3], $0x40, s14, s22, $0xb8;
	[tilespmem:$0x1EE80] =	vst v63  }
0xa3: {  	_ =	swait.ge [sflag:s26], $0x2000  }
0xa4: {  	[sflag:s26] =	ssyncset.done $0x0  }
0xa5: {  	[sflag:s26] =	ssyncadd.s32 $0xFFFFE000  }
0xa6: {  	_ =	swait.ge [sflag:s28], $0x80  }
0xa7: {  	[sflag:s28] =	ssyncset.done $0x0  }
0xa8: {  	[sflag:s28] =	ssyncadd.s32 $0xFFFFFF80  }
0xa9: {  	[spmem:s2] =	stream.indirect.scatter.add.f32 [tilespmem:s23], [sflag:$0x4], $0x40, s21, s22, $0xb8;
	[tilespmem:$0x1EE80] =	vst v63  }
0xaa: {  	_ =	swait.ge [sflag:s10], $0x2000  }
0xab: {  	[sflag:s10] =	ssyncset.done $0x0  }
0xac: {  	s12 =	rddreg [dreg:$0xb];
	[sflag:s10] =	ssyncadd.s32 $0xFFFFE000  }
0xad: {  	[tilespmem:s29], [sflag:$0x9] =	stream.linear.gather [hbm4b:s12+s4], $0x80, $0x38;
	[tilespmem:$0x1EE80] =	vst v63  }
0xae: {  	s14 =	simm.s32 $0x5080  }
0xaf: {  	[tilespmem:s31], [sflag:$0x3] =	stream.indirect.gather [spmem:s3], $0x40, s14, s22, $0xb8;
	[tilespmem:$0x1EE80] =	vst v63  }
0xb0: {  	_ =	swait.ge [sflag:s1], $0x2000  }
0xb1: {  	[sflag:s1] =	ssyncset.done $0x0  }
0xb2: {  	[sflag:s1] =	ssyncadd.s32 $0xFFFFE000  }
0xb3: {  	_ =	swait.ge [sflag:s0], $0x80  }
0xb4: {  	[sflag:s0] =	ssyncset.done $0x0  }
0xb5: {  	[sflag:s0] =	ssyncadd.s32 $0xFFFFFF80  }
0xb6: {  	[spmem:s2] =	stream.indirect.scatter.add.f32 [tilespmem:s25], [sflag:$0x5], $0x40, s24, s22, $0xb8;
	[tilespmem:$0x1EE80] =	vst v63  }
0xb7: {  	_ =	swait.ge [sflag:s30], $0x2000  }
0xb8: {  	[sflag:s30] =	ssyncset.done $0x0  }
0xb9: {  	[sflag:s30] =	ssyncadd.s32 $0xFFFFE000  }
0xba: {  	_ =	swait.ge [sflag:s5], $0x2000  }
0xbb: {  	[sflag:s5] =	ssyncset.done $0x0  }
0xbc: {  	[sflag:s5] =	ssyncadd.s32 $0xFFFFE000  }
0xbd: {  	_ =	swait.ge [sflag:s7], $0x80  }
0xbe: {  	[sflag:s7] =	ssyncset.done $0x0  }
0xbf: {  	[sflag:s7] =	ssyncadd.s32 $0xFFFFFF80  }
0xc0: {  	[spmem:s2] =	stream.indirect.scatter.add.f32 [tilespmem:s31], [sflag:$0x6], $0x40, s29, s22, $0xb8;
	[tilespmem:$0x1EE80] =	vst v63  }
0xc1: {  	_ =	swait.ge [sflag:s9], $0x2000  }
0xc2: {  	[sflag:s9] =	ssyncset.done $0x0  }
0xc3: {  	[sflag:s9] =	ssyncadd.s32 $0xFFFFE000  }
0xc4: {  	_ =	swait.ge [sflag:s10], $0x2000  }
0xc5: {  	[sflag:s10] =	ssyncset.done $0x0  }
0xc6: {  	s11 =	sadd.s32 $0x1, s11;
	[sflag:s10] =	ssyncadd.s32 $0xFFFFE000  }
0xc7: {  	p0 =	sne.s32 s11, s16;
	[bflag:$0x0] =	sbarrier.arrive $0xFFFF  }
.Ltmp1:
0xc8: {  	s15 =	rddreg [dreg:$0xc];
	(pc) =	sbr.rel @p0 .LBB2_1-.Ltmp1, $4  }
0xc9: {  	[hbm:s15], [sflag:s6] =	dma.local [spmem:s18], $0x13C0  }
0xca: {  	_ =	swait.ge [sflag:s19], $0x13C0  }
0xcb: {  	[sflag:s19] =	ssyncset.done $0x0  }
0xcc: {  	[sflag:s19] =	ssyncadd.s32 $0xFFFFEC40  }
0xcd: {  	_ =	sfence.sel $0x180000  }
0xce: {  	[bflag:$0x0] =	sbarrier.arrive $0xFFFF  }
0xcf: {  	_ =	strace $0x9000004A  }
0xd0: {  	s0 =	stileid.u32;
	[bflag:$0x2] =	sbarrier.arrive $0xFFFF  }
0xd1: {  	p0 =	sne.s32 s0, $0x0;
	s0 =	rddreg [dreg:$0x3]  }
0xd2: {  	s0 =	sadd.s32 @!p0 $0x100000, s0  }
0xd3: {  	[sflag:s0] =	ssyncadd.tile.s32 @!p0 $0x1;
	_ =	shalt  }
.Lfunc_end2:
_tile_overlayer_lowered:
.L_overlay_start_2:
0xd4: {  	(tag) =	ssettag $0x2  }
0xd5: {  	s0 =	rddreg [dreg:$0x0];
	s2 =	stileid.u32  }
0xd6: {  	s1 =	rddreg [dreg:$0x1];
	p0 =	sne.s32 s2, $0x0  }
0xd7: {  	s3 =	rddreg [dreg:$0x2];
	[bflag:$0x3] =	sbarrier.arrive $0xFFFF;
	s2 =	simm.s32 @!p0 $0x1C0A  }
0xd8: {  	[timem:s3], [sflag:s2] =	dma.local @!p0 [hbm:s0], s1  }
0xd9: {  	s0 =	simm.s32 @!p0 $0xA  }
0xda: {  	_ =	swait.ge @!p0 [sflag:s0], s1  }
0xdb: {  	s1 =	ssub.s32 @!p0 $0x0, s1;
	[sflag:s0] =	ssyncset.done @!p0 $0x0  }
0xdc: {  	[sflag:s0] =	ssyncadd.s32 @!p0 s1  }
0xdd: {  	[bflag:$0x3] =	sbarrier.arrive $0xFFFF  }
0xde: {  	_ =	shalt  }

// kernel: kernel.4.cloned.1.call-start
scs
__scs_entry_jumppad:
0x0: {  	(pc) =	sbr.rel $0x88, $3  }
0x1: {  	(tag) =	ssettag $0x0;
	lr =	simm.s32 $0x1  }
0x2: {  	[smem:$0x3F9C] =	sst lr;
	_ =	strace $0xD0000000  }
0x3: {  	_ = 	snop  }
0x4: {  	_ = 	snop  }
0x5: {  	_ = 	snop  }
0x6: {  	_ = 	snop  }
0x7: {  	_ = 	snop  }
__scs_overlays_trampoline_lowered:
0x8: {  	[smem:$0x3FAB] =	sst s0  }
0x9: {  	[smem:$0x3FAC] =	sst s1  }
0xa: {  	[smem:$0x3FAD] =	sst s2  }
0xb: {  	[smem:$0x3FAE] =	sst s3  }
0xc: {  	[smem:$0x3FAF] =	sst s4  }
0xd: {  	[smem:$0x3FB0] =	sst s5  }
0xe: {  	[smem:$0x3FB1] =	sst s6  }
0xf: {  	[smem:$0x3FB2] =	sst s7  }
0x10: {  	[smem:$0x3FB3] =	sst s8  }
0x11: {  	[smem:$0x3FB4] =	sst s9;
	s0 =	simm.s32 @!p0 $0x0  }
0x12: {  	s1 =	sld [smem:$0x3F9A];
	s0 =	simm.s32 @p0 $0x1  }
0x13: {  	[smem:$0x3FB5] =	sst s0;
	s0 =	simm.s32 @!p1 $0x0  }
0x14: {  	s2 =	sld [smem:$0x3F99];
	s0 =	simm.s32 @p1 $0x1  }
0x15: {  	[smem:$0x3FB6] =	sst s0;
	s0 =	simm.s32 @!p2 $0x0  }
0x16: {  	s3 =	sld [smem:$0x3FDB];
	s0 =	simm.s32 @p2 $0x1  }
0x17: {  	s4 =	simm.s32 $0x1BF5;
	[smem:$0x3FB8] =	sst s0  }
0x18: {  	s0 =	sld [smem:$0x3F9B];
	_ =	swait.ge [sflag:s4], $0x0  }
0x19: {  	s7 =	sld [smem:$0x3F9C]  }
0x1a: {  	s8 =	sadd.s32 $0xFFFFE003, lr  }
0x1b: {  	s9 =	sadd.s32 $0xFFFFFEF7, lr;
	s5 =	simm.s32 $0xFFFFFFFF;
	p2 =	slt.u32 s8, $0xFFFFF086  }
0x1c: {  	p1 =	slt.u32 s9, $0xF7A;
	s5 =	simm.s32 @!p2 $0x0  }
0x1d: {  	s5 =	simm.s32 @p1 $0x1;
	p0 =	seq.s32 s7, s2  }
0x1e: {  	s7 =	smul.u32 @!p0 $0xF7A, s2;
	p2 =	seq.s32 @!p0 s5, $0x0  }
0x1f: {  	s9 =	smul.u32 $0xF7A, s1;
	s8 =	simm.s32 @!p0 $0x1BF5;
	p2 =	por !p2, p0  }
0x20: {  	[sflag:s8] =	ssyncset.s32 @!p0 $0xFFFFF086;
	s6 =	sadd.s32 @!p0 s3, s7;
	s7 =	simm.s32 @!p0 $0x108  }
0x21: {  	s3 =	sadd.s32 s3, s9;
	s6 =	sadd.s32 @!p0 $0x88, s6;
	s7 =	simm.s32 @p2 $0x1082  }
0x22: {  	[simem:s7], [sflag:s8] =	dma.local @!p0 [hbm:s6], $0xF7A  }
0x23: {  	s9 =	sor.u32 $0xD0000000, s2;
	s6 =	simm.s32 $0x108;
	_ =	swait.ge @!p0 [sflag:s8], $0x0  }
0x24: {  	s3 =	sadd.s32 $0x88, s3;
	s6 =	simm.s32 @!p1 $0x1082;
	[sflag:s4] =	ssyncset.s32 $0xFFFFF086  }
0x25: {  	[simem:s6], [sflag:s4] =	dma.local [hbm:s3], $0xF7A  }
0x26: {  	[smem:$0x3F9C] =	sst s1;
	(tag) =	ssettag s2;
	_ =	strace s9  }
0x27: {  	s1 =	sld [smem:$0x3FAC]  }
0x28: {  	s2 =	sld [smem:$0x3FAD]  }
0x29: {  	s4 =	sld [smem:$0x3FAF]  }
0x2a: {  	p0 =	seq.s32 s5, $0x0;
	s5 =	sld [smem:$0x3FB0]  }
0x2b: {  	s6 =	sld [smem:$0x3FB1]  }
0x2c: {  	s7 =	sld [smem:$0x3FB2]  }
0x2d: {  	s3 =	simm.s32 $0x108;
	s8 =	sld [smem:$0x3FB3]  }
0x2e: {  	s3 =	simm.s32 @!p0 $0x1082;
	s9 =	sld [smem:$0x3FB4]  }
0x2f: {  	lr =	sadd.s32 s0, s3;
	s0 =	sld [smem:$0x3FAB]  }
0x30: {  	s3 =	sld [smem:$0x3FAE]  }
0x31: {  	[smem:$0x3FB7] =	sst s10  }
0x32: {  	s10 =	sld [smem:$0x3FB5];
	_ =	sdelay $0x3  }
0x33: {  	p0 =	seq.s32 s10, $0x1;
	s10 =	sld [smem:$0x3FB7];
	_ =	sdelay $0x3  }
0x34: {  	[smem:$0x3FB7] =	sst s10  }
0x35: {  	s10 =	sld [smem:$0x3FB6];
	_ =	sdelay $0x3  }
0x36: {  	p1 =	seq.s32 s10, $0x1;
	s10 =	sld [smem:$0x3FB7];
	_ =	sdelay $0x3  }
0x37: {  	[smem:$0x3FB7] =	sst s10  }
0x38: {  	s10 =	sld [smem:$0x3FB8]  }
0x39: {  	_ = 	snop;
	(pc) =	sbr.ind lr, $3  }
0x3a: {  	_ = 	snop  }
0x3b: {  	_ = 	snop  }
0x3c: {  	p2 =	seq.s32 s10, $0x1;
	s10 =	sld [smem:$0x3FB7]  }
0x3d: {  	_ =	shalt  }
0x3e: {  	_ =	shalt  }
0x3f: {  	_ =	shalt  }
0x40: {  	_ =	shalt  }
0x41: {  	_ =	shalt  }
0x42: {  	_ =	shalt  }
0x43: {  	_ =	shalt  }
0x44: {  	_ =	shalt  }
0x45: {  	_ =	shalt  }
0x46: {  	_ =	shalt  }
0x47: {  	_ =	shalt  }
0x48: {  	_ =	shalt  }
0x49: {  	_ =	shalt  }
0x4a: {  	_ =	shalt  }
0x4b: {  	_ =	shalt  }
0x4c: {  	_ =	shalt  }
0x4d: {  	_ =	shalt  }
0x4e: {  	_ =	shalt  }
0x4f: {  	_ =	shalt  }
0x50: {  	_ =	shalt  }
0x51: {  	_ =	shalt  }
0x52: {  	_ =	shalt  }
0x53: {  	_ =	shalt  }
0x54: {  	_ =	shalt  }
0x55: {  	_ =	shalt  }
0x56: {  	_ =	shalt  }
0x57: {  	_ =	shalt  }
0x58: {  	_ =	shalt  }
0x59: {  	_ =	shalt  }
0x5a: {  	_ =	shalt  }
0x5b: {  	_ =	shalt  }
0x5c: {  	_ =	shalt  }
0x5d: {  	_ =	shalt  }
0x5e: {  	_ =	shalt  }
0x5f: {  	_ =	shalt  }
0x60: {  	_ =	shalt  }
0x61: {  	_ =	shalt  }
0x62: {  	_ =	shalt  }
0x63: {  	_ =	shalt  }
0x64: {  	_ =	shalt  }
0x65: {  	_ =	shalt  }
0x66: {  	_ =	shalt  }
0x67: {  	_ =	shalt  }
0x68: {  	_ =	shalt  }
0x69: {  	_ =	shalt  }
0x6a: {  	_ =	shalt  }
0x6b: {  	_ =	shalt  }
0x6c: {  	_ =	shalt  }
0x6d: {  	_ =	shalt  }
0x6e: {  	_ =	shalt  }
0x6f: {  	_ =	shalt  }
0x70: {  	_ =	shalt  }
0x71: {  	_ =	shalt  }
0x72: {  	_ =	shalt  }
0x73: {  	_ =	shalt  }
0x74: {  	_ =	shalt  }
0x75: {  	_ =	shalt  }
0x76: {  	_ =	shalt  }
0x77: {  	_ =	shalt  }
0x78: {  	_ =	shalt  }
0x79: {  	_ =	shalt  }
0x7a: {  	_ =	shalt  }
0x7b: {  	_ =	shalt  }
0x7c: {  	_ =	shalt  }
0x7d: {  	_ =	shalt  }
0x7e: {  	_ =	shalt  }
0x7f: {  	_ =	shalt  }
0x80: {  	_ =	shalt  }
0x81: {  	_ =	shalt  }
0x82: {  	_ =	shalt  }
0x83: {  	_ =	shalt  }
0x84: {  	_ =	shalt  }
0x85: {  	_ =	shalt  }
0x86: {  	_ =	shalt  }
0x87: {  	_ =	shalt  }
.Lfunc_end0:
.L_simem_size_0:
called_computation_lowered:
.L_overlay_start_0:
0x88: {  	s2 =	sld [smem:$0x3FD9]  }
0x89: {  	s3 =	sld [smem:$0x3FFE];
	_ =	sdelay $0x1  }
0x8a: {  	s1 =	srdreg.scid  }
0x8b: {  	s0 =	sand.u32 $0x1, s1  }
0x8c: {  	s17 =	sshll.u32 s0, $0xA;
	s2 =	sadd.s32 s3, s2  }
0x8d: {  	s2 =	sadd.s32 s2, s17  }
0x8e: {  	[smem:$0x3FC3] =	sst s2  }
0x8f: {  	_ = 	snop  }
0x90: {  	s2 =	sld [smem:$0x3FD0];
	(tm) =	ssettm $0x1  }
0x91: {  	s18 =	sld [smem:$0x3FFB];
	_ =	sdelay $0x3  }
0x92: {  	_ =	strace s18  }
0x93: {  	s3 =	sld [smem:$0x3FFC];
	_ =	sdelay $0x3  }
0x94: {  	_ =	strace s3  }
0x95: {  	s3 =	sld [smem:$0x3FFD];
	_ =	sdelay $0x3  }
0x96: {  	_ =	strace s3  }
0x97: {  	_ =	strace $0x8FFFFFFF  }
0x98: {  	s19 =	sld [smem:$0x3FDB];
	_ =	sdelay $0x1  }
0x99: {  	s4 =	simm.s32 $_scs_section_size  }
0x9a: {  	s5 =	simm.s32 $_size__tile_overlayer_lowered;
	s6 =	simm.s32 $_tile_overlayer_lowered  }
0x9b: {  	s22 =	simm.s32 $0x1BFF;
	s21 =	sshll.u32 s6, $0x1;
	s3 =	sadd.s32 s4, s19  }
0x9c: {  	s7 =	simm.s32 $0x0;
	s20 =	sshll.u32 s5, $0x1;
	s5 =	sadd.s32 s21, s3  }
0x9d: {  	[timem:s7], [sflag:s22] =	dma.local [hbm:s5], s20  }
0x9e: {  	_ =	swait.ge [sflag:s22], s20  }
0x9f: {  	s4 =	ssub.s32 $0x0, s20;
	[sflag:s22] =	ssyncset.done $0x0  }
0xa0: {  	[sflag:s22] =	ssyncadd.s32 s4;
	_ =	sdelay $0x1  }
0xa1: {  	s23 =	simm.s32 $0x1B8B  }
0xa2: {  	_ =	swait.ge [sflag:s23], $0x1  }
0xa3: {  	[sflag:s23] =	ssyncset.done $0x0  }
0xa4: {  	s25 =	simm.s32 $0x1B8E;
	s24 =	sld [smem:$0x3FFE];
	[sflag:s23] =	ssyncadd.s32 $0xFFFFFFFF  }
0xa5: {  	s26 =	simm.s32 $execute0_lowered;
	[smem:$0x3FD2] =	sst s25  }
0xa6: {  	s5 =	sshll.u32 s26, $0x1;
	_ =	strace $0x80000046;
	[dreg:$0x1] =	wrdreg $0xFFFFFFFF  }
0xa7: {  	s28 =	simm.s32 $_size_execute0_lowered;
	s3 =	sadd.s32 s3, s5;
	[dreg:$0x0] =	wrdreg $0x0  }
0xa8: {  	s5 =	sshll.u32 s28, $0x1;
	[dreg:$0x2] =	wrdreg s3  }
0xa9: {  	[dreg:$0x3] =	wrdreg s5  }
0xaa: {  	[dreg:$0x4] =	wrdreg $0xC0  }
0xab: {  	_ =	task [dreg:s7], $0x5FFFF  }
0xac: {  	[dreg:$0x1] =	wrdreg $0xFFFFFFFF  }
0xad: {  	[dreg:$0x0] =	wrdreg $0x60  }
0xae: {  	[dreg:$0x2] =	wrdreg s24  }
0xaf: {  	[dreg:$0x3] =	wrdreg s2  }
0xb0: {  	[dreg:$0x4] =	wrdreg $0x30800  }
0xb1: {  	[dreg:$0x5] =	wrdreg $0x9  }
0xb2: {  	_ =	task.clear_ibuf [dreg:s7], $0x6FFFF;
	_ =	strace $0x90000046  }
0xb3: {  	s29 =	simm.s32 $0x9;
	_ =	strace $0x80000048  }
0xb4: {  	_ =	swait.ge [sflag:s29], $0x1  }
0xb5: {  	[sflag:s29] =	ssyncadd.s32 $0xFFFFFFFF  }
0xb6: {  	_ =	strace $0x90000048  }
0xb7: {  	_ =	sfence  }
0xb8: {  	s30 =	sld [smem:$0x0];
	_ =	sdelay $0x2  }
0xb9: {  	s31 =	sshll.u32 s1, $0xD;
	s1 =	sshrl.u32 s1, $0x2  }
0xba: {  	s3 =	sand.u32 $0x4000, s31;
	s1 =	sadd.s32 s1, s30  }
0xbb: {  	s0 =	sor.u32 s3, s0;
	s1 =	sshll.u32 s1, $0x11  }
0xbc: {  	s0 =	sor.u32 s1, s0  }
0xbd: {  	s0 =	sadd.s32 $0x8F2B, s0  }
0xbe: {  	[sflag:s0] =	ssyncadd.remote.s32 $0x1  }
0xbf: {  	_ =	sfence.sel $0xFFFF  }
0xc0: {  	[dreg:$0x0] =	wrdreg $0xFFFFFFFF;
	(pc) =	sbr.abs _section_cstart, $3  }
0xc1: {  	[dreg:$0x1] =	wrdreg $0xFFFFFFFF  }
0xc2: {  	_ =	task.clear_ibuf [dreg:s7], $0x2FFFF;
	_ =	strace $0x9FFFFFFF  }
0xc3: {  	(tm) =	ssettm $0x7FFFFFFF  }
tec
execute0_lowered:
.L_overlay_start_1:
0x0: {  	(tag) =	ssettag $0x1  }
0x1: {  	s5 =	rddreg [dreg:$0x0]  }
0x2: {  	s0 =	srdreg.scid;
	s8 =	rddreg [dreg:$0x1]  }
0x3: {  	s2 =	rddreg [dreg:$0x2];
	s1 =	stileid.u32  }
0x4: {  	s3 =	simm.s32 $0x0;
	s6 =	sand.u32 $0x1, s0;
	s0 =	rddreg [dreg:$0x3]  }
0x5: {  	s14 =	simm.s32 $0x0;
	[smem:$0x7FF] =	sst s3;
	s7 =	smul.u32 $0x4F0, s1  }
0x6: {  	s11 =	smul.u32 $0x9E00, s1;
	s31 =	sshll.u32 s1, $0x6;
	s4 =	sshll.u32 s6, $0x4  }
0x7: {  	_ =	strace $0x80000047;
	s10 =	ssub.s32 $0x2, s6;
	s6 =	smul.u32 $0x6400, s6  }
0x8: {  	s4 =	sor.u32 s1, s4;
	s12 =	sshrl.u32 s10, $0x1;
	s11 =	sshrl.u32 s11, $0x2  }
0x9: {  	s4 =	smul.u32 $0x510, s4;
	s10 =	ssub.s32 s10, s12;
	s11 =	sadd.s32 s11, s2  }
0xa: {  	s13 =	sadd.s32 s7, s6;
	s6 =	sor.u32 $0x1C01, s31;
	s12 =	simm.s32 $0x2880  }
0xb: {  	s8 =	sadd.s32 s8, s13;
	s13 =	simm.s32 $0x80;
	s9 =	sadd.s32 s4, s5  }
0xc: {  	s4 =	sadd.s32 $0xC000, s5;
	s5 =	sadd.s32 $0xC200, s5;
	s7 =	sadd.s32 $0x1E00, s9  }
0xd: {  	s9 =	smax.u32 s10, $0x1;
	s10 =	sshrl.u32 s11, $0x3;
	s11 =	simm.s32 $0x1  }
.LBB2_1:
0xe: {  	[spmem:s10], [sflag:s6] =	dma.local [hbm:s5], $0x4F0  }
0xf: {  	_ =	swait.ge [sflag:s11], $0x4F0  }
0x10: {  	[sflag:s11] =	ssyncset.done $0x0  }
0x11: {  	[sflag:s11] =	ssyncadd.s32 $0xFFFFFB10  }
0x12: {  	[tilespmem:s12], [sflag:$0x1] =	stream.linear.gather [hbm4b:s4+s3], $0x800, $0x38;
	[tilespmem:$0x5800] =	vst v63  }
0x13: {  	_ =	swait.ge [sflag:s11], $0x800  }
0x14: {  	[sflag:s11] =	ssyncset.done $0x0  }
0x15: {  	[sflag:s11] =	ssyncadd.s32 $0xFFFFF800  }
0x16: {  	[tilespmem:s3], [sflag:$0x1] =	stream.linear.gather [hbm4b:s7+s3], $0x2880, $0x38;
	[tilespmem:$0x5800] =	vst v63  }
0x17: {  	_ =	swait.ge [sflag:s11], $0x2880  }
0x18: {  	[sflag:s11] =	ssyncset.done $0x0  }
0x19: {  	[sflag:s11] =	ssyncadd.s32 $0xFFFFD780  }
0x1a: {  	s15 =	simm.s32 $0x0;
	[bflag:$0x0] =	sbarrier.arrive $0xFFFF  }
0x1b: {  	[spmem:s2] =	stream.indirect.scatter.add.f32 [tilespmem:s12], [sflag:$0x1], $0x10, s15, s13, $0xb8;
	[tilespmem:$0x5800] =	vst v63  }
0x1c: {  	_ =	swait.ge [sflag:s11], $0x800  }
0x1d: {  	s15 =	simm.s32 $0x200;
	[sflag:s11] =	ssyncset.done $0x0  }
.LBB2_2:
0x1e: {  	s16 =	sshra.s32 s15, $0x2;
	[sflag:s11] =	ssyncadd.s32 $0xFFFFF800;
	p0 =	sne.s32 s15, $0xA000  }
0x1f: {  	[spmem:s2] =	stream.indirect.scatter.add.f32 [tilespmem:s12], [sflag:$0x1], $0x10, s16, s13, $0xb8;
	[tilespmem:$0x5800] =	vst v63  }
.Ltmp0:
0x20: {  	_ = 	snop;
	(pc) =	sbr.rel @p0 .LBB2_2-.Ltmp0, $4  }
0x21: {  	_ = 	snop  }
0x22: {  	s15 =	sadd.s32 $0x200, s15  }
0x23: {  	_ =	swait.ge [sflag:s11], $0x800  }
0x24: {  	[sflag:s11] =	ssyncset.done $0x0  }
0x25: {  	s14 =	sadd.s32 $0x1, s14  }
0x26: {  	[sflag:s11] =	ssyncadd.s32 $0xFFFFF800;
	p0 =	sne.s32 s14, s9  }
.Ltmp1:
0x27: {  	[bflag:$0x0] =	sbarrier.arrive $0xFFFF;
	(pc) =	sbr.rel @p0 .LBB2_1-.Ltmp1, $4  }
0x28: {  	[hbm:s8], [sflag:s6] =	dma.local [spmem:s10], $0x4F0  }
0x29: {  	_ =	swait.ge [sflag:s11], $0x4F0  }
0x2a: {  	[sflag:s11] =	ssyncset.done $0x0  }
0x2b: {  	[sflag:s11] =	ssyncadd.s32 $0xFFFFFB10  }
0x2c: {  	_ =	sfence.sel $0x180000  }
0x2d: {  	[bflag:$0x0] =	sbarrier.arrive $0xFFFF  }
0x2e: {  	p0 =	sne.s32 s1, $0x0;
	_ =	strace $0x90000047  }
0x2f: {  	s0 =	sadd.s32 @!p0 $0x100000, s0;
	[bflag:$0x2] =	sbarrier.arrive $0xFFFF  }
0x30: {  	[sflag:s0] =	ssyncadd.tile.s32 @!p0 $0x1;
	_ =	shalt  }
.Lfunc_end2:
_tile_overlayer_lowered:
.L_overlay_start_2:
0x31: {  	(tag) =	ssettag $0x2  }
0x32: {  	s0 =	rddreg [dreg:$0x0];
	s2 =	stileid.u32  }
0x33: {  	s1 =	rddreg [dreg:$0x1];
	p0 =	sne.s32 s2, $0x0  }
0x34: {  	s3 =	rddreg [dreg:$0x2];
	[bflag:$0x3] =	sbarrier.arrive $0xFFFF;
	s2 =	simm.s32 @!p0 $0x1C01  }
0x35: {  	[timem:s3], [sflag:s2] =	dma.local @!p0 [hbm:s0], s1  }
0x36: {  	s0 =	simm.s32 @!p0 $0x1  }
0x37: {  	_ =	swait.ge @!p0 [sflag:s0], s1  }
0x38: {  	s1 =	ssub.s32 @!p0 $0x0, s1;
	[sflag:s0] =	ssyncset.done @!p0 $0x0  }
0x39: {  	[sflag:s0] =	ssyncadd.s32 @!p0 s1  }
0x3a: {  	[bflag:$0x3] =	sbarrier.arrive $0xFFFF  }
0x3b: {  	_ =	shalt  }

</sc_bundles>
